<compile_context>
chip_gen: v7x
topology: tpu7x:2x2x1
jax: 0.10.2.dev20260603
libtpu: 0.0.44.dev20260713+nightly
codegen_flags: <defaults>
</compile_context>

<pallas_src>
import functools

import jax
import jax.numpy as jnp
from jax import lax
from jax.experimental import pallas as pl
from jax.experimental.pallas import tpu as pltpu
from jax.experimental.pallas import tpu_sc as plsc

NC = 2
NS = 16
NW = NC * NS
LANES = 16
RING = 4


@functools.lru_cache(maxsize=None)
def _build(B, S, D):
    s_per_w = S // NW
    T = 4
    if s_per_w % (T * RING):
        raise NotImplementedError(s_per_w)
    NT = s_per_w // T
    NVD = D // LANES

    mesh = plsc.VectorSubcoreMesh(core_axis_name="c", subcore_axis_name="s")

    @functools.partial(
        pl.kernel,
        mesh=mesh,
        out_type=jax.ShapeDtypeStruct((B, S, D), jnp.float32),
        scratch_types=[
            pltpu.VMEM((RING, B, T, D), jnp.float32),
            pltpu.VMEM((RING, T, D), jnp.float32),
            pltpu.SemaphoreType.DMA((RING,)),
            pltpu.SemaphoreType.DMA((RING,)),
            pltpu.SemaphoreType.DMA((RING,)),
        ],
    )
    def k(x_hbm, emb_hbm, out_hbm, xbuf, ebuf, sem_x, sem_e, sem_o):
        wid = lax.axis_index("s") * NC + lax.axis_index("c")
        s0 = wid * s_per_w

        def start_x(g, sl):
            return pltpu.async_copy(
                x_hbm.at[:, pl.ds(s0 + g * T, T)], xbuf.at[sl], sem_x.at[sl])

        def start_e(g, sl):
            return pltpu.async_copy(
                emb_hbm.at[pl.ds(s0 + g * T, T)], ebuf.at[sl], sem_e.at[sl])

        def start_o(g, sl):
            return pltpu.async_copy(
                xbuf.at[sl], out_hbm.at[:, pl.ds(s0 + g * T, T)], sem_o.at[sl])

        def wait_o(sl):
            pltpu.make_async_copy(
                xbuf.at[sl], out_hbm.at[:, pl.ds(s0, T)], sem_o.at[sl]).wait()

        def wait_in(sl):
            pltpu.make_async_copy(
                x_hbm.at[:, pl.ds(s0, T)], xbuf.at[sl], sem_x.at[sl]).wait()
            pltpu.make_async_copy(
                emb_hbm.at[pl.ds(s0, T)], ebuf.at[sl], sem_e.at[sl]).wait()

        def adds(sl):
            @pl.loop(0, T)
            def _row(r, sl=sl):
                @pl.loop(0, NVD, unroll=8)
                def _add(i):
                    o = pl.ds(i * LANES, LANES)
                    v = ebuf[sl, r, o]
                    for b in range(B):
                        plsc.addupdate(xbuf.at[sl, b, r, o], v)

        for g in range(2):
            start_x(g, g)
            start_e(g, g)

        @pl.loop(0, NT, step=RING)
        def _iter(g0):
            for j in range(RING):
                g = g0 + j
                sl = j
                sl2 = (j + 2) % RING

                @pl.when(g >= 2)
                def _():
                    wait_o(sl2)

                @pl.when(g + 2 < NT)
                def _():
                    start_x(g + 2, sl2)
                    start_e(g + 2, sl2)

                wait_in(sl)
                adds(sl)
                start_o(g, sl)

        for g in range(NT - 2, NT):
            wait_o(g % RING)

    return k


def kernel(x, emb_table):
    B, S, D = x.shape
    return _build(B, S, D)(x, emb_table)

# --- scband reference (transcript-rebuilt; emitter-appended) ---
"""Pipeline reference for scband-positional-embedding-4818953306209 (READ-ONLY COPY).

The authoritative reference and input builder live on the scoring server;
editing this copy changes nothing except your own understanding.
"""

import jax, jax.numpy as jnp
import numpy as np

B, S, D = 4, 4096, 1024
N_POS = 8192

def setup_inputs(seed: int = 0) -> dict:
    key = jax.random.key(seed)
    k1, k2 = jax.random.split(key)
    x = jax.random.normal(k1, (B, S, D), dtype=jnp.float32)
    emb_table = jax.random.normal(k2, (N_POS, D), dtype=jnp.float32) * 0.02
    return {"x": x, "emb_table": emb_table}

def reference(x, emb_table):
    # pos = arange(S) repeated over batch; embedding lookup then add
    pos = jnp.arange(x.shape[1], dtype=jnp.int32)
    pos = jnp.broadcast_to(pos[None, :], (x.shape[0], x.shape[1]))
    pe = jnp.take(emb_table, pos, axis=0)  # [B, S, D]
    return x + pe

if __name__ == "__main__":
    import jax
    _d = setup_inputs()
    print(jax.jit(kernel)(*tuple(_d.values())))

</pallas_src>

<mosaic_0001>
#map = affine_map<(d0, d1) -> (0, 0, 0)>
#map1 = affine_map<(d0, d1) -> (0, 0)>
module attributes {stable_mosaic.version = 14 : i64} {
  func.func @k(%arg0: i32, %arg1: i32, %arg2: memref<4x4096x1024xf32, #tpu.memory_space<hbm>>, %arg3: memref<8192x1024xf32, #tpu.memory_space<hbm>>, %arg4: memref<4x4096x1024xf32, #tpu.memory_space<hbm>>, %arg5: memref<4x4x4x1024xf32, #tpu.memory_space<vmem>>, %arg6: memref<4x4x1024xf32, #tpu.memory_space<vmem>>, %arg7: memref<4x!tpu.dma_semaphore, #tpu.memory_space<semaphore_mem>>, %arg8: memref<4x!tpu.dma_semaphore, #tpu.memory_space<semaphore_mem>>, %arg9: memref<4x!tpu.dma_semaphore, #tpu.memory_space<semaphore_mem>>) attributes {dimension_semantics = [#tpu.dimension_semantics<core_parallel>, #tpu.dimension_semantics<subcore_parallel>], iteration_bounds = array<i64: 2, 16>, scalar_prefetch = 0 : i64, scratch_operands = 5 : i64, tpu.core_type = #tpu.core_type<sc_vector_subcore>, window_params = [{transform_indices = #map}, {transform_indices = #map1}, {transform_indices = #map}]} {
    %mul3A = arith.constant 2 : i32
    %mul3A_0 = arith.muli %arg1, %mul3A : i32
    %add3A = arith.addi %mul3A_0, %arg0 : i32
    %mul3A_1 = arith.constant 128 : i32
    %mul3A_2 = arith.muli %add3A, %mul3A_1 : i32
    %add3A_3 = arith.constant 0 : i32
    %add3A_4 = arith.addi %mul3A_2, %add3A_3 : i32
    %dma_start3A = arith.constant 0 : i32
    %dma_start3A_5 = arith.constant 0 : i32
    %dma_start3A_6 = arith.constant 0 : i32
    %dma_start3A_7 = arith.constant 0 : i32
    %dma_start3A_8 = arith.constant 0 : i32
    %dma_start3A_9 = tpu.memref_slice %arg5[%dma_start3A, %dma_start3A_6, %dma_start3A_7, %dma_start3A_8] : memref<4x4x4x1024xf32, #tpu.memory_space<vmem>> -> memref<1x4x4x1024xf32, #tpu.memory_space<vmem>>
    %dma_start3A_10 = tpu.memref_squeeze %dma_start3A_9 : memref<1x4x4x1024xf32, #tpu.memory_space<vmem>> -> memref<4x4x1024xf32, #tpu.memory_space<vmem>>
    %dma_start3A_11 = arith.constant 0 : i32
    %dma_start3A_12 = arith.constant 0 : i32
    %dma_start3A_13 = tpu.memref_slice %arg2[%dma_start3A_11, %add3A_4, %dma_start3A_12] : memref<4x4096x1024xf32, #tpu.memory_space<hbm>> -> memref<4x4x1024xf32, #tpu.memory_space<hbm>>
    %dma_start3A_14 = tpu.memref_slice %arg7[%dma_start3A_5] : memref<4x!tpu.dma_semaphore, #tpu.memory_space<semaphore_mem>> -> memref<1x!tpu.dma_semaphore, #tpu.memory_space<semaphore_mem>>
    %dma_start3A_15 = tpu.memref_squeeze %dma_start3A_14 : memref<1x!tpu.dma_semaphore, #tpu.memory_space<semaphore_mem>> -> memref<!tpu.dma_semaphore, #tpu.memory_space<semaphore_mem>>
    %dma_start3A_16 = arith.constant 0 : i32
    %dma_start3A_17 = arith.constant 0 : i32
    %dma_start3A_18 = arith.constant 0 : i32
    %dma_start3A_19 = tpu.memref_slice %arg5[%dma_start3A, %dma_start3A_16, %dma_start3A_17, %dma_start3A_18] : memref<4x4x4x1024xf32, #tpu.memory_space<vmem>> -> memref<1x4x4x1024xf32, #tpu.memory_space<vmem>>
    %dma_start3A_20 = tpu.memref_squeeze %dma_start3A_19 : memref<1x4x4x1024xf32, #tpu.memory_space<vmem>> -> memref<4x4x1024xf32, #tpu.memory_space<vmem>>
    %dma_start3A_21 = arith.constant 0 : i32
    %dma_start3A_22 = arith.constant 0 : i32
    %dma_start3A_23 = tpu.memref_slice %arg2[%dma_start3A_21, %add3A_4, %dma_start3A_22] : memref<4x4096x1024xf32, #tpu.memory_space<hbm>> -> memref<4x4x1024xf32, #tpu.memory_space<hbm>>
    tpu.enqueue_dma source(%dma_start3A_23 : memref<4x4x1024xf32, #tpu.memory_space<hbm>>) target(%dma_start3A_20 : memref<4x4x1024xf32, #tpu.memory_space<vmem>>) target_semaphore(%dma_start3A_15 : memref<!tpu.dma_semaphore, #tpu.memory_space<semaphore_mem>>)
    %add3A_24 = arith.constant 0 : i32
    %add3A_25 = arith.addi %mul3A_2, %add3A_24 : i32
    %dma_start3A_26 = arith.constant 0 : i32
    %dma_start3A_27 = arith.constant 0 : i32
    %dma_start3A_28 = arith.constant 0 : i32
    %dma_start3A_29 = arith.constant 0 : i32
    %dma_start3A_30 = tpu.memref_slice %arg6[%dma_start3A_26, %dma_start3A_28, %dma_start3A_29] : memref<4x4x1024xf32, #tpu.memory_space<vmem>> -> memref<1x4x1024xf32, #tpu.memory_space<vmem>>
    %dma_start3A_31 = tpu.memref_squeeze %dma_start3A_30 : memref<1x4x1024xf32, #tpu.memory_space<vmem>> -> memref<4x1024xf32, #tpu.memory_space<vmem>>
    %dma_start3A_32 = arith.constant 0 : i32
    %dma_start3A_33 = tpu.memref_slice %arg3[%add3A_25, %dma_start3A_32] : memref<8192x1024xf32, #tpu.memory_space<hbm>> -> memref<4x1024xf32, #tpu.memory_space<hbm>>
    %dma_start3A_34 = tpu.memref_slice %arg8[%dma_start3A_27] : memref<4x!tpu.dma_semaphore, #tpu.memory_space<semaphore_mem>> -> memref<1x!tpu.dma_semaphore, #tpu.memory_space<semaphore_mem>>
    %dma_start3A_35 = tpu.memref_squeeze %dma_start3A_34 : memref<1x!tpu.dma_semaphore, #tpu.memory_space<semaphore_mem>> -> memref<!tpu.dma_semaphore, #tpu.memory_space<semaphore_mem>>
    %dma_start3A_36 = arith.constant 0 : i32
    %dma_start3A_37 = arith.constant 0 : i32
    %dma_start3A_38 = tpu.memref_slice %arg6[%dma_start3A_26, %dma_start3A_36, %dma_start3A_37] : memref<4x4x1024xf32, #tpu.memory_space<vmem>> -> memref<1x4x1024xf32, #tpu.memory_space<vmem>>
    %dma_start3A_39 = tpu.memref_squeeze %dma_start3A_38 : memref<1x4x1024xf32, #tpu.memory_space<vmem>> -> memref<4x1024xf32, #tpu.memory_space<vmem>>
    %dma_start3A_40 = arith.constant 0 : i32
    %dma_start3A_41 = tpu.memref_slice %arg3[%add3A_25, %dma_start3A_40] : memref<8192x1024xf32, #tpu.memory_space<hbm>> -> memref<4x1024xf32, #tpu.memory_space<hbm>>
    tpu.enqueue_dma source(%dma_start3A_41 : memref<4x1024xf32, #tpu.memory_space<hbm>>) target(%dma_start3A_39 : memref<4x1024xf32, #tpu.memory_space<vmem>>) target_semaphore(%dma_start3A_35 : memref<!tpu.dma_semaphore, #tpu.memory_space<semaphore_mem>>)
    %add3A_42 = arith.constant 4 : i32
    %add3A_43 = arith.addi %mul3A_2, %add3A_42 : i32
    %dma_start3A_44 = arith.constant 1 : i32
    %dma_start3A_45 = arith.constant 1 : i32
    %dma_start3A_46 = arith.constant 0 : i32
    %dma_start3A_47 = arith.constant 0 : i32
    %dma_start3A_48 = arith.constant 0 : i32
    %dma_start3A_49 = tpu.memref_slice %arg5[%dma_start3A_44, %dma_start3A_46, %dma_start3A_47, %dma_start3A_48] : memref<4x4x4x1024xf32, #tpu.memory_space<vmem>> -> memref<1x4x4x1024xf32, #tpu.memory_space<vmem>>
    %dma_start3A_50 = tpu.memref_squeeze %dma_start3A_49 : memref<1x4x4x1024xf32, #tpu.memory_space<vmem>> -> memref<4x4x1024xf32, #tpu.memory_space<vmem>>
    %dma_start3A_51 = arith.constant 0 : i32
    %dma_start3A_52 = arith.constant 0 : i32
    %dma_start3A_53 = tpu.memref_slice %arg2[%dma_start3A_51, %add3A_43, %dma_start3A_52] : memref<4x4096x1024xf32, #tpu.memory_space<hbm>> -> memref<4x4x1024xf32, #tpu.memory_space<hbm>>
    %dma_start3A_54 = tpu.memref_slice %arg7[%dma_start3A_45] : memref<4x!tpu.dma_semaphore, #tpu.memory_space<semaphore_mem>> -> memref<1x!tpu.dma_semaphore, #tpu.memory_space<semaphore_mem>>
    %dma_start3A_55 = tpu.memref_squeeze %dma_start3A_54 : memref<1x!tpu.dma_semaphore, #tpu.memory_space<semaphore_mem>> -> memref<!tpu.dma_semaphore, #tpu.memory_space<semaphore_mem>>
    %dma_start3A_56 = arith.constant 0 : i32
    %dma_start3A_57 = arith.constant 0 : i32
    %dma_start3A_58 = arith.constant 0 : i32
    %dma_start3A_59 = tpu.memref_slice %arg5[%dma_start3A_44, %dma_start3A_56, %dma_start3A_57, %dma_start3A_58] : memref<4x4x4x1024xf32, #tpu.memory_space<vmem>> -> memref<1x4x4x1024xf32, #tpu.memory_space<vmem>>
    %dma_start3A_60 = tpu.memref_squeeze %dma_start3A_59 : memref<1x4x4x1024xf32, #tpu.memory_space<vmem>> -> memref<4x4x1024xf32, #tpu.memory_space<vmem>>
    %dma_start3A_61 = arith.constant 0 : i32
    %dma_start3A_62 = arith.constant 0 : i32
    %dma_start3A_63 = tpu.memref_slice %arg2[%dma_start3A_61, %add3A_43, %dma_start3A_62] : memref<4x4096x1024xf32, #tpu.memory_space<hbm>> -> memref<4x4x1024xf32, #tpu.memory_space<hbm>>
    tpu.enqueue_dma source(%dma_start3A_63 : memref<4x4x1024xf32, #tpu.memory_space<hbm>>) target(%dma_start3A_60 : memref<4x4x1024xf32, #tpu.memory_space<vmem>>) target_semaphore(%dma_start3A_55 : memref<!tpu.dma_semaphore, #tpu.memory_space<semaphore_mem>>)
    %add3A_64 = arith.constant 4 : i32
    %add3A_65 = arith.addi %mul3A_2, %add3A_64 : i32
    %dma_start3A_66 = arith.constant 1 : i32
    %dma_start3A_67 = arith.constant 1 : i32
    %dma_start3A_68 = arith.constant 0 : i32
    %dma_start3A_69 = arith.constant 0 : i32
    %dma_start3A_70 = tpu.memref_slice %arg6[%dma_start3A_66, %dma_start3A_68, %dma_start3A_69] : memref<4x4x1024xf32, #tpu.memory_space<vmem>> -> memref<1x4x1024xf32, #tpu.memory_space<vmem>>
    %dma_start3A_71 = tpu.memref_squeeze %dma_start3A_70 : memref<1x4x1024xf32, #tpu.memory_space<vmem>> -> memref<4x1024xf32, #tpu.memory_space<vmem>>
    %dma_start3A_72 = arith.constant 0 : i32
    %dma_start3A_73 = tpu.memref_slice %arg3[%add3A_65, %dma_start3A_72] : memref<8192x1024xf32, #tpu.memory_space<hbm>> -> memref<4x1024xf32, #tpu.memory_space<hbm>>
    %dma_start3A_74 = tpu.memref_slice %arg8[%dma_start3A_67] : memref<4x!tpu.dma_semaphore, #tpu.memory_space<semaphore_mem>> -> memref<1x!tpu.dma_semaphore, #tpu.memory_space<semaphore_mem>>
    %dma_start3A_75 = tpu.memref_squeeze %dma_start3A_74 : memref<1x!tpu.dma_semaphore, #tpu.memory_space<semaphore_mem>> -> memref<!tpu.dma_semaphore, #tpu.memory_space<semaphore_mem>>
    %dma_start3A_76 = arith.constant 0 : i32
    %dma_start3A_77 = arith.constant 0 : i32
    %dma_start3A_78 = tpu.memref_slice %arg6[%dma_start3A_66, %dma_start3A_76, %dma_start3A_77] : memref<4x4x1024xf32, #tpu.memory_space<vmem>> -> memref<1x4x1024xf32, #tpu.memory_space<vmem>>
    %dma_start3A_79 = tpu.memref_squeeze %dma_start3A_78 : memref<1x4x1024xf32, #tpu.memory_space<vmem>> -> memref<4x1024xf32, #tpu.memory_space<vmem>>
    %dma_start3A_80 = arith.constant 0 : i32
    %dma_start3A_81 = tpu.memref_slice %arg3[%add3A_65, %dma_start3A_80] : memref<8192x1024xf32, #tpu.memory_space<hbm>> -> memref<4x1024xf32, #tpu.memory_space<hbm>>
    tpu.enqueue_dma source(%dma_start3A_81 : memref<4x1024xf32, #tpu.memory_space<hbm>>) target(%dma_start3A_79 : memref<4x1024xf32, #tpu.memory_space<vmem>>) target_semaphore(%dma_start3A_75 : memref<!tpu.dma_semaphore, #tpu.memory_space<semaphore_mem>>)
    %scan3A = arith.constant 0 : i32
    %scan3A_82 = arith.constant 8 : i32
    %scan3A_83 = arith.addi %scan3A, %scan3A_82 : i32
    %scan3A_84 = arith.constant 1 : i32
    scf.for %scan3A_125 = %scan3A to %scan3A_83 step %scan3A_84  : i32 {
      %mul3A_126 = arith.constant 4 : i32
      %mul3A_127 = arith.muli %scan3A_125, %mul3A_126 : i32
      %add3A_128 = arith.constant 0 : i32
      %add3A_129 = arith.addi %add3A_128, %mul3A_127 : i32
      %add3A_130 = arith.constant 0 : i32
      %add3A_131 = arith.addi %add3A_129, %add3A_130 : i32
      %ge3A = arith.constant 2 : i32
      %ge3A_132 = arith.cmpi sge, %add3A_131, %ge3A : i32
      %convert_element_type3A = arith.extui %ge3A_132 : i1 to i32
      %cond3A = arith.constant 0 : i32
      %cond3A_133 = arith.cmpi ne, %convert_element_type3A, %cond3A : i32
      scf.if %cond3A_133 {
        %dma_wait3A_438 = arith.constant 2 : i32
        %dma_wait3A_439 = arith.constant 2 : i32
        %dma_wait3A_440 = arith.constant 0 : i32
        %dma_wait3A_441 = arith.constant 0 : i32
        %dma_wait3A_442 = arith.constant 0 : i32
        %dma_wait3A_443 = tpu.memref_slice %arg5[%dma_wait3A_438, %dma_wait3A_440, %dma_wait3A_441, %dma_wait3A_442] : memref<4x4x4x1024xf32, #tpu.memory_space<vmem>> -> memref<1x4x4x1024xf32, #tpu.memory_space<vmem>>
        %dma_wait3A_444 = tpu.memref_squeeze %dma_wait3A_443 : memref<1x4x4x1024xf32, #tpu.memory_space<vmem>> -> memref<4x4x1024xf32, #tpu.memory_space<vmem>>
        %dma_wait3A_445 = arith.constant 0 : i32
        %dma_wait3A_446 = arith.constant 0 : i32
        %dma_wait3A_447 = tpu.memref_slice %arg4[%dma_wait3A_445, %mul3A_2, %dma_wait3A_446] : memref<4x4096x1024xf32, #tpu.memory_space<hbm>> -> memref<4x4x1024xf32, #tpu.memory_space<hbm>>
        %dma_wait3A_448 = tpu.memref_slice %arg9[%dma_wait3A_439] : memref<4x!tpu.dma_semaphore, #tpu.memory_space<semaphore_mem>> -> memref<1x!tpu.dma_semaphore, #tpu.memory_space<semaphore_mem>>
        %dma_wait3A_449 = tpu.memref_squeeze %dma_wait3A_448 : memref<1x!tpu.dma_semaphore, #tpu.memory_space<semaphore_mem>> -> memref<!tpu.dma_semaphore, #tpu.memory_space<semaphore_mem>>
        %dma_wait3A_450 = arith.constant 0 : i32
        %dma_wait3A_451 = arith.constant 0 : i32
        %dma_wait3A_452 = tpu.memref_slice %arg4[%dma_wait3A_450, %mul3A_2, %dma_wait3A_451] : memref<4x4096x1024xf32, #tpu.memory_space<hbm>> -> memref<4x4x1024xf32, #tpu.memory_space<hbm>>
        %dma_wait3A_453 = arith.constant 0 : i32
        %dma_wait3A_454 = arith.constant 0 : i32
        %dma_wait3A_455 = arith.constant 0 : i32
        %dma_wait3A_456 = tpu.memref_slice %arg5[%dma_wait3A_438, %dma_wait3A_453, %dma_wait3A_454, %dma_wait3A_455] : memref<4x4x4x1024xf32, #tpu.memory_space<vmem>> -> memref<1x4x4x1024xf32, #tpu.memory_space<vmem>>
        %dma_wait3A_457 = tpu.memref_squeeze %dma_wait3A_456 : memref<1x4x4x1024xf32, #tpu.memory_space<vmem>> -> memref<4x4x1024xf32, #tpu.memory_space<vmem>>
        tpu.wait_dma2 semaphore(%dma_wait3A_449 : memref<!tpu.dma_semaphore, #tpu.memory_space<semaphore_mem>>) src(%dma_wait3A_457 : memref<4x4x1024xf32, #tpu.memory_space<vmem>>) dst(%dma_wait3A_452 : memref<4x4x1024xf32, #tpu.memory_space<hbm>>)
      } else {
      }
      %add3A_134 = arith.constant 2 : i32
      %add3A_135 = arith.addi %add3A_131, %add3A_134 : i32
      %lt3A = arith.constant 32 : i32
      %lt3A_136 = arith.cmpi slt, %add3A_135, %lt3A : i32
      %convert_element_type3A_137 = arith.extui %lt3A_136 : i1 to i32
      %cond3A_138 = arith.constant 0 : i32
      %cond3A_139 = arith.cmpi ne, %convert_element_type3A_137, %cond3A_138 : i32
      scf.if %cond3A_139 {
        %add3A_438 = arith.constant 2 : i32
        %add3A_439 = arith.addi %add3A_131, %add3A_438 : i32
        %mul3A_440 = arith.constant 4 : i32
        %mul3A_441 = arith.muli %add3A_439, %mul3A_440 : i32
        %add3A_442 = arith.addi %mul3A_2, %mul3A_441 : i32
        %dma_start3A_443 = arith.constant 2 : i32
        %dma_start3A_444 = arith.constant 2 : i32
        %dma_start3A_445 = arith.constant 0 : i32
        %dma_start3A_446 = arith.constant 0 : i32
        %dma_start3A_447 = arith.constant 0 : i32
        %dma_start3A_448 = tpu.memref_slice %arg5[%dma_start3A_443, %dma_start3A_445, %dma_start3A_446, %dma_start3A_447] : memref<4x4x4x1024xf32, #tpu.memory_space<vmem>> -> memref<1x4x4x1024xf32, #tpu.memory_space<vmem>>
        %dma_start3A_449 = tpu.memref_squeeze %dma_start3A_448 : memref<1x4x4x1024xf32, #tpu.memory_space<vmem>> -> memref<4x4x1024xf32, #tpu.memory_space<vmem>>
        %dma_start3A_450 = arith.constant 0 : i32
        %dma_start3A_451 = arith.constant 0 : i32
        %dma_start3A_452 = tpu.memref_slice %arg2[%dma_start3A_450, %add3A_442, %dma_start3A_451] : memref<4x4096x1024xf32, #tpu.memory_space<hbm>> -> memref<4x4x1024xf32, #tpu.memory_space<hbm>>
        %dma_start3A_453 = tpu.memref_slice %arg7[%dma_start3A_444] : memref<4x!tpu.dma_semaphore, #tpu.memory_space<semaphore_mem>> -> memref<1x!tpu.dma_semaphore, #tpu.memory_space<semaphore_mem>>
        %dma_start3A_454 = tpu.memref_squeeze %dma_start3A_453 : memref<1x!tpu.dma_semaphore, #tpu.memory_space<semaphore_mem>> -> memref<!tpu.dma_semaphore, #tpu.memory_space<semaphore_mem>>
        %dma_start3A_455 = arith.constant 0 : i32
        %dma_start3A_456 = arith.constant 0 : i32
        %dma_start3A_457 = arith.constant 0 : i32
        %dma_start3A_458 = tpu.memref_slice %arg5[%dma_start3A_443, %dma_start3A_455, %dma_start3A_456, %dma_start3A_457] : memref<4x4x4x1024xf32, #tpu.memory_space<vmem>> -> memref<1x4x4x1024xf32, #tpu.memory_space<vmem>>
        %dma_start3A_459 = tpu.memref_squeeze %dma_start3A_458 : memref<1x4x4x1024xf32, #tpu.memory_space<vmem>> -> memref<4x4x1024xf32, #tpu.memory_space<vmem>>
        %dma_start3A_460 = arith.constant 0 : i32
        %dma_start3A_461 = arith.constant 0 : i32
        %dma_start3A_462 = tpu.memref_slice %arg2[%dma_start3A_460, %add3A_442, %dma_start3A_461] : memref<4x4096x1024xf32, #tpu.memory_space<hbm>> -> memref<4x4x1024xf32, #tpu.memory_space<hbm>>
        tpu.enqueue_dma source(%dma_start3A_462 : memref<4x4x1024xf32, #tpu.memory_space<hbm>>) target(%dma_start3A_459 : memref<4x4x1024xf32, #tpu.memory_space<vmem>>) target_semaphore(%dma_start3A_454 : memref<!tpu.dma_semaphore, #tpu.memory_space<semaphore_mem>>)
        %add3A_463 = arith.constant 2 : i32
        %add3A_464 = arith.addi %add3A_131, %add3A_463 : i32
        %mul3A_465 = arith.constant 4 : i32
        %mul3A_466 = arith.muli %add3A_464, %mul3A_465 : i32
        %add3A_467 = arith.addi %mul3A_2, %mul3A_466 : i32
        %dma_start3A_468 = arith.constant 2 : i32
        %dma_start3A_469 = arith.constant 2 : i32
        %dma_start3A_470 = arith.constant 0 : i32
        %dma_start3A_471 = arith.constant 0 : i32
        %dma_start3A_472 = tpu.memref_slice %arg6[%dma_start3A_468, %dma_start3A_470, %dma_start3A_471] : memref<4x4x1024xf32, #tpu.memory_space<vmem>> -> memref<1x4x1024xf32, #tpu.memory_space<vmem>>
        %dma_start3A_473 = tpu.memref_squeeze %dma_start3A_472 : memref<1x4x1024xf32, #tpu.memory_space<vmem>> -> memref<4x1024xf32, #tpu.memory_space<vmem>>
        %dma_start3A_474 = arith.constant 0 : i32
        %dma_start3A_475 = tpu.memref_slice %arg3[%add3A_467, %dma_start3A_474] : memref<8192x1024xf32, #tpu.memory_space<hbm>> -> memref<4x1024xf32, #tpu.memory_space<hbm>>
        %dma_start3A_476 = tpu.memref_slice %arg8[%dma_start3A_469] : memref<4x!tpu.dma_semaphore, #tpu.memory_space<semaphore_mem>> -> memref<1x!tpu.dma_semaphore, #tpu.memory_space<semaphore_mem>>
        %dma_start3A_477 = tpu.memref_squeeze %dma_start3A_476 : memref<1x!tpu.dma_semaphore, #tpu.memory_space<semaphore_mem>> -> memref<!tpu.dma_semaphore, #tpu.memory_space<semaphore_mem>>
        %dma_start3A_478 = arith.constant 0 : i32
        %dma_start3A_479 = arith.constant 0 : i32
        %dma_start3A_480 = tpu.memref_slice %arg6[%dma_start3A_468, %dma_start3A_478, %dma_start3A_479] : memref<4x4x1024xf32, #tpu.memory_space<vmem>> -> memref<1x4x1024xf32, #tpu.memory_space<vmem>>
        %dma_start3A_481 = tpu.memref_squeeze %dma_start3A_480 : memref<1x4x1024xf32, #tpu.memory_space<vmem>> -> memref<4x1024xf32, #tpu.memory_space<vmem>>
        %dma_start3A_482 = arith.constant 0 : i32
        %dma_start3A_483 = tpu.memref_slice %arg3[%add3A_467, %dma_start3A_482] : memref<8192x1024xf32, #tpu.memory_space<hbm>> -> memref<4x1024xf32, #tpu.memory_space<hbm>>
        tpu.enqueue_dma source(%dma_start3A_483 : memref<4x1024xf32, #tpu.memory_space<hbm>>) target(%dma_start3A_481 : memref<4x1024xf32, #tpu.memory_space<vmem>>) target_semaphore(%dma_start3A_477 : memref<!tpu.dma_semaphore, #tpu.memory_space<semaphore_mem>>)
      } else {
      }
      %dma_wait3A_140 = arith.constant 0 : i32
      %dma_wait3A_141 = arith.constant 0 : i32
      %dma_wait3A_142 = arith.constant 0 : i32
      %dma_wait3A_143 = arith.constant 0 : i32
      %dma_wait3A_144 = arith.constant 0 : i32
      %dma_wait3A_145 = tpu.memref_slice %arg5[%dma_wait3A_140, %dma_wait3A_142, %dma_wait3A_143, %dma_wait3A_144] : memref<4x4x4x1024xf32, #tpu.memory_space<vmem>> -> memref<1x4x4x1024xf32, #tpu.memory_space<vmem>>
      %dma_wait3A_146 = tpu.memref_squeeze %dma_wait3A_145 : memref<1x4x4x1024xf32, #tpu.memory_space<vmem>> -> memref<4x4x1024xf32, #tpu.memory_space<vmem>>
      %dma_wait3A_147 = arith.constant 0 : i32
      %dma_wait3A_148 = arith.constant 0 : i32
      %dma_wait3A_149 = tpu.memref_slice %arg2[%dma_wait3A_147, %mul3A_2, %dma_wait3A_148] : memref<4x4096x1024xf32, #tpu.memory_space<hbm>> -> memref<4x4x1024xf32, #tpu.memory_space<hbm>>
      %dma_wait3A_150 = tpu.memref_slice %arg7[%dma_wait3A_141] : memref<4x!tpu.dma_semaphore, #tpu.memory_space<semaphore_mem>> -> memref<1x!tpu.dma_semaphore, #tpu.memory_space<semaphore_mem>>
      %dma_wait3A_151 = tpu.memref_squeeze %dma_wait3A_150 : memref<1x!tpu.dma_semaphore, #tpu.memory_space<semaphore_mem>> -> memref<!tpu.dma_semaphore, #tpu.memory_space<semaphore_mem>>
      %dma_wait3A_152 = arith.constant 0 : i32
      %dma_wait3A_153 = arith.constant 0 : i32
      %dma_wait3A_154 = arith.constant 0 : i32
      %dma_wait3A_155 = tpu.memref_slice %arg5[%dma_wait3A_140, %dma_wait3A_152, %dma_wait3A_153, %dma_wait3A_154] : memref<4x4x4x1024xf32, #tpu.memory_space<vmem>> -> memref<1x4x4x1024xf32, #tpu.memory_space<vmem>>
      %dma_wait3A_156 = tpu.memref_squeeze %dma_wait3A_155 : memref<1x4x4x1024xf32, #tpu.memory_space<vmem>> -> memref<4x4x1024xf32, #tpu.memory_space<vmem>>
      %dma_wait3A_157 = arith.constant 0 : i32
      %dma_wait3A_158 = arith.constant 0 : i32
      %dma_wait3A_159 = tpu.memref_slice %arg2[%dma_wait3A_157, %mul3A_2, %dma_wait3A_158] : memref<4x4096x1024xf32, #tpu.memory_space<hbm>> -> memref<4x4x1024xf32, #tpu.memory_space<hbm>>
      tpu.wait_dma2 semaphore(%dma_wait3A_151 : memref<!tpu.dma_semaphore, #tpu.memory_space<semaphore_mem>>) src(%dma_wait3A_159 : memref<4x4x1024xf32, #tpu.memory_space<hbm>>) dst(%dma_wait3A_156 : memref<4x4x1024xf32, #tpu.memory_space<vmem>>)
      %dma_wait3A_160 = arith.constant 0 : i32
      %dma_wait3A_161 = arith.constant 0 : i32
      %dma_wait3A_162 = arith.constant 0 : i32
      %dma_wait3A_163 = arith.constant 0 : i32
      %dma_wait3A_164 = tpu.memref_slice %arg6[%dma_wait3A_160, %dma_wait3A_162, %dma_wait3A_163] : memref<4x4x1024xf32, #tpu.memory_space<vmem>> -> memref<1x4x1024xf32, #tpu.memory_space<vmem>>
      %dma_wait3A_165 = tpu.memref_squeeze %dma_wait3A_164 : memref<1x4x1024xf32, #tpu.memory_space<vmem>> -> memref<4x1024xf32, #tpu.memory_space<vmem>>
      %dma_wait3A_166 = arith.constant 0 : i32
      %dma_wait3A_167 = tpu.memref_slice %arg3[%mul3A_2, %dma_wait3A_166] : memref<8192x1024xf32, #tpu.memory_space<hbm>> -> memref<4x1024xf32, #tpu.memory_space<hbm>>
      %dma_wait3A_168 = tpu.memref_slice %arg8[%dma_wait3A_161] : memref<4x!tpu.dma_semaphore, #tpu.memory_space<semaphore_mem>> -> memref<1x!tpu.dma_semaphore, #tpu.memory_space<semaphore_mem>>
      %dma_wait3A_169 = tpu.memref_squeeze %dma_wait3A_168 : memref<1x!tpu.dma_semaphore, #tpu.memory_space<semaphore_mem>> -> memref<!tpu.dma_semaphore, #tpu.memory_space<semaphore_mem>>
      %dma_wait3A_170 = arith.constant 0 : i32
      %dma_wait3A_171 = arith.constant 0 : i32
      %dma_wait3A_172 = tpu.memref_slice %arg6[%dma_wait3A_160, %dma_wait3A_170, %dma_wait3A_171] : memref<4x4x1024xf32, #tpu.memory_space<vmem>> -> memref<1x4x1024xf32, #tpu.memory_space<vmem>>
      %dma_wait3A_173 = tpu.memref_squeeze %dma_wait3A_172 : memref<1x4x1024xf32, #tpu.memory_space<vmem>> -> memref<4x1024xf32, #tpu.memory_space<vmem>>
      %dma_wait3A_174 = arith.constant 0 : i32
      %dma_wait3A_175 = tpu.memref_slice %arg3[%mul3A_2, %dma_wait3A_174] : memref<8192x1024xf32, #tpu.memory_space<hbm>> -> memref<4x1024xf32, #tpu.memory_space<hbm>>
      tpu.wait_dma2 semaphore(%dma_wait3A_169 : memref<!tpu.dma_semaphore, #tpu.memory_space<semaphore_mem>>) src(%dma_wait3A_175 : memref<4x1024xf32, #tpu.memory_space<hbm>>) dst(%dma_wait3A_173 : memref<4x1024xf32, #tpu.memory_space<vmem>>)
      %scan3A_176 = arith.constant 0 : i32
      %scan3A_177 = arith.constant 4 : i32
      %scan3A_178 = arith.addi %scan3A_176, %scan3A_177 : i32
      %scan3A_179 = arith.constant 1 : i32
      scf.for %scan3A_438 = %scan3A_176 to %scan3A_178 step %scan3A_179  : i32 {
        %mul3A_439 = arith.constant 1 : i32
        %mul3A_440 = arith.muli %scan3A_438, %mul3A_439 : i32
        %add3A_441 = arith.constant 0 : i32
        %add3A_442 = arith.addi %add3A_441, %mul3A_440 : i32
        %scan3A_443 = arith.constant 0 : i32
        %scan3A_444 = arith.constant 64 : i32
        %scan3A_445 = arith.addi %scan3A_443, %scan3A_444 : i32
        %scan3A_446 = arith.constant 8 : i32
        scf.for %scan3A_448 = %scan3A_443 to %scan3A_445 step %scan3A_446  : i32 {
          %mul3A_449 = arith.constant 1 : i32
          %mul3A_450 = arith.muli %scan3A_448, %mul3A_449 : i32
          %add3A_451 = arith.constant 0 : i32
          %add3A_452 = arith.addi %add3A_451, %mul3A_450 : i32
          %mul3A_453 = arith.constant 16 : i32
          %mul3A_454 = arith.muli %add3A_452, %mul3A_453 : i32
          %get3A = arith.constant 0 : i32
          %get3A_455 = arith.index_cast %get3A : i32 to index
          %get3A_456 = arith.index_cast %add3A_442 : i32 to index
          %get3A_457 = arith.index_cast %mul3A_454 : i32 to index
          %get3A_458 = tpu.vector_load %arg6[%get3A_455, %get3A_456, %get3A_457] {strides = array<i32>} : memref<4x4x1024xf32, #tpu.memory_space<vmem>>, vector<1x1x16xf32>,
          %get3A_459 = vector.shape_cast %get3A_458 : vector<1x1x16xf32> to vector<16xf32>
          %swap3A = arith.constant 0 : i32
          %swap3A_460 = arith.constant 0 : i32
          %swap3A_461 = arith.index_cast %swap3A : i32 to index
          %swap3A_462 = arith.index_cast %swap3A_460 : i32 to index
          %swap3A_463 = arith.index_cast %add3A_442 : i32 to index
          %swap3A_464 = arith.index_cast %mul3A_454 : i32 to index
          %swap3A_465 = tpu.vector_load %arg5[%swap3A_461, %swap3A_462, %swap3A_463, %swap3A_464] {strides = array<i32>} : memref<4x4x4x1024xf32, #tpu.memory_space<vmem>>, vector<1x1x1x16xf32>,
          %swap3A_466 = vector.shape_cast %swap3A_465 : vector<1x1x1x16xf32> to vector<16xf32>
          %swap3A_467 = vector.shape_cast %get3A_459 : vector<16xf32> to vector<1x1x1x16xf32>
          tpu.vector_store %arg5[%swap3A_461, %swap3A_462, %swap3A_463, %swap3A_464], %swap3A_467 {add = true, strides = array<i32>} : memref<4x4x4x1024xf32, #tpu.memory_space<vmem>>, vector<1x1x1x16xf32>,
          %swap3A_468 = arith.constant 0 : i32
          %swap3A_469 = arith.constant 1 : i32
          %swap3A_470 = arith.index_cast %swap3A_468 : i32 to index
          %swap3A_471 = arith.index_cast %swap3A_469 : i32 to index
          %swap3A_472 = arith.index_cast %add3A_442 : i32 to index
          %swap3A_473 = arith.index_cast %mul3A_454 : i32 to index
          %swap3A_474 = tpu.vector_load %arg5[%swap3A_470, %swap3A_471, %swap3A_472, %swap3A_473] {strides = array<i32>} : memref<4x4x4x1024xf32, #tpu.memory_space<vmem>>, vector<1x1x1x16xf32>,
          %swap3A_475 = vector.shape_cast %swap3A_474 : vector<1x1x1x16xf32> to vector<16xf32>
          %swap3A_476 = vector.shape_cast %get3A_459 : vector<16xf32> to vector<1x1x1x16xf32>
          tpu.vector_store %arg5[%swap3A_470, %swap3A_471, %swap3A_472, %swap3A_473], %swap3A_476 {add = true, strides = array<i32>} : memref<4x4x4x1024xf32, #tpu.memory_space<vmem>>, vector<1x1x1x16xf32>,
          %swap3A_477 = arith.constant 0 : i32
          %swap3A_478 = arith.constant 2 : i32
          %swap3A_479 = arith.index_cast %swap3A_477 : i32 to index
          %swap3A_480 = arith.index_cast %swap3A_478 : i32 to index
          %swap3A_481 = arith.index_cast %add3A_442 : i32 to index
          %swap3A_482 = arith.index_cast %mul3A_454 : i32 to index
          %swap3A_483 = tpu.vector_load %arg5[%swap3A_479, %swap3A_480, %swap3A_481, %swap3A_482] {strides = array<i32>} : memref<4x4x4x1024xf32, #tpu.memory_space<vmem>>, vector<1x1x1x16xf32>,
          %swap3A_484 = vector.shape_cast %swap3A_483 : vector<1x1x1x16xf32> to vector<16xf32>
          %swap3A_485 = vector.shape_cast %get3A_459 : vector<16xf32> to vector<1x1x1x16xf32>
          tpu.vector_store %arg5[%swap3A_479, %swap3A_480, %swap3A_481, %swap3A_482], %swap3A_485 {add = true, strides = array<i32>} : memref<4x4x4x1024xf32, #tpu.memory_space<vmem>>, vector<1x1x1x16xf32>,
          %swap3A_486 = arith.constant 0 : i32
          %swap3A_487 = arith.constant 3 : i32
          %swap3A_488 = arith.index_cast %swap3A_486 : i32 to index
          %swap3A_489 = arith.index_cast %swap3A_487 : i32 to index
          %swap3A_490 = arith.index_cast %add3A_442 : i32 to index
          %swap3A_491 = arith.index_cast %mul3A_454 : i32 to index
          %swap3A_492 = tpu.vector_load %arg5[%swap3A_488, %swap3A_489, %swap3A_490, %swap3A_491] {strides = array<i32>} : memref<4x4x4x1024xf32, #tpu.memory_space<vmem>>, vector<1x1x1x16xf32>,
          %swap3A_493 = vector.shape_cast %swap3A_492 : vector<1x1x1x16xf32> to vector<16xf32>
          %swap3A_494 = vector.shape_cast %get3A_459 : vector<16xf32> to vector<1x1x1x16xf32>
          tpu.vector_store %arg5[%swap3A_488, %swap3A_489, %swap3A_490, %swap3A_491], %swap3A_494 {add = true, strides = array<i32>} : memref<4x4x4x1024xf32, #tpu.memory_space<vmem>>, vector<1x1x1x16xf32>,
          %scan3A_495 = arith.constant 1 : i32
          %scan3A_496 = arith.addi %scan3A_448, %scan3A_495 : i32
          %mul3A_497 = arith.constant 1 : i32
          %mul3A_498 = arith.muli %scan3A_496, %mul3A_497 : i32
          %add3A_499 = arith.constant 0 : i32
          %add3A_500 = arith.addi %add3A_499, %mul3A_498 : i32
          %mul3A_501 = arith.constant 16 : i32
          %mul3A_502 = arith.muli %add3A_500, %mul3A_501 : i32
          %get3A_503 = arith.constant 0 : i32
          %get3A_504 = arith.index_cast %get3A_503 : i32 to index
          %get3A_505 = arith.index_cast %add3A_442 : i32 to index
          %get3A_506 = arith.index_cast %mul3A_502 : i32 to index
          %get3A_507 = tpu.vector_load %arg6[%get3A_504, %get3A_505, %get3A_506] {strides = array<i32>} : memref<4x4x1024xf32, #tpu.memory_space<vmem>>, vector<1x1x16xf32>,
          %get3A_508 = vector.shape_cast %get3A_507 : vector<1x1x16xf32> to vector<16xf32>
          %swap3A_509 = arith.constant 0 : i32
          %swap3A_510 = arith.constant 0 : i32
          %swap3A_511 = arith.index_cast %swap3A_509 : i32 to index
          %swap3A_512 = arith.index_cast %swap3A_510 : i32 to index
          %swap3A_513 = arith.index_cast %add3A_442 : i32 to index
          %swap3A_514 = arith.index_cast %mul3A_502 : i32 to index
          %swap3A_515 = tpu.vector_load %arg5[%swap3A_511, %swap3A_512, %swap3A_513, %swap3A_514] {strides = array<i32>} : memref<4x4x4x1024xf32, #tpu.memory_space<vmem>>, vector<1x1x1x16xf32>,
          %swap3A_516 = vector.shape_cast %swap3A_515 : vector<1x1x1x16xf32> to vector<16xf32>
          %swap3A_517 = vector.shape_cast %get3A_508 : vector<16xf32> to vector<1x1x1x16xf32>
          tpu.vector_store %arg5[%swap3A_511, %swap3A_512, %swap3A_513, %swap3A_514], %swap3A_517 {add = true, strides = array<i32>} : memref<4x4x4x1024xf32, #tpu.memory_space<vmem>>, vector<1x1x1x16xf32>,
          %swap3A_518 = arith.constant 0 : i32
          %swap3A_519 = arith.constant 1 : i32
          %swap3A_520 = arith.index_cast %swap3A_518 : i32 to index
          %swap3A_521 = arith.index_cast %swap3A_519 : i32 to index
          %swap3A_522 = arith.index_cast %add3A_442 : i32 to index
          %swap3A_523 = arith.index_cast %mul3A_502 : i32 to index
          %swap3A_524 = tpu.vector_load %arg5[%swap3A_520, %swap3A_521, %swap3A_522, %swap3A_523] {strides = array<i32>} : memref<4x4x4x1024xf32, #tpu.memory_space<vmem>>, vector<1x1x1x16xf32>,
          %swap3A_525 = vector.shape_cast %swap3A_524 : vector<1x1x1x16xf32> to vector<16xf32>
          %swap3A_526 = vector.shape_cast %get3A_508 : vector<16xf32> to vector<1x1x1x16xf32>
          tpu.vector_store %arg5[%swap3A_520, %swap3A_521, %swap3A_522, %swap3A_523], %swap3A_526 {add = true, strides = array<i32>} : memref<4x4x4x1024xf32, #tpu.memory_space<vmem>>, vector<1x1x1x16xf32>,
          %swap3A_527 = arith.constant 0 : i32
          %swap3A_528 = arith.constant 2 : i32
          %swap3A_529 = arith.index_cast %swap3A_527 : i32 to index
          %swap3A_530 = arith.index_cast %swap3A_528 : i32 to index
          %swap3A_531 = arith.index_cast %add3A_442 : i32 to index
          %swap3A_532 = arith.index_cast %mul3A_502 : i32 to index
          %swap3A_533 = tpu.vector_load %arg5[%swap3A_529, %swap3A_530, %swap3A_531, %swap3A_532] {strides = array<i32>} : memref<4x4x4x1024xf32, #tpu.memory_space<vmem>>, vector<1x1x1x16xf32>,
          %swap3A_534 = vector.shape_cast %swap3A_533 : vector<1x1x1x16xf32> to vector<16xf32>
          %swap3A_535 = vector.shape_cast %get3A_508 : vector<16xf32> to vector<1x1x1x16xf32>
          tpu.vector_store %arg5[%swap3A_529, %swap3A_530, %swap3A_531, %swap3A_532], %swap3A_535 {add = true, strides = array<i32>} : memref<4x4x4x1024xf32, #tpu.memory_space<vmem>>, vector<1x1x1x16xf32>,
          %swap3A_536 = arith.constant 0 : i32
          %swap3A_537 = arith.constant 3 : i32
          %swap3A_538 = arith.index_cast %swap3A_536 : i32 to index
          %swap3A_539 = arith.index_cast %swap3A_537 : i32 to index
          %swap3A_540 = arith.index_cast %add3A_442 : i32 to index
          %swap3A_541 = arith.index_cast %mul3A_502 : i32 to index
          %swap3A_542 = tpu.vector_load %arg5[%swap3A_538, %swap3A_539, %swap3A_540, %swap3A_541] {strides = array<i32>} : memref<4x4x4x1024xf32, #tpu.memory_space<vmem>>, vector<1x1x1x16xf32>,
          %swap3A_543 = vector.shape_cast %swap3A_542 : vector<1x1x1x16xf32> to vector<16xf32>
          %swap3A_544 = vector.shape_cast %get3A_508 : vector<16xf32> to vector<1x1x1x16xf32>
          tpu.vector_store %arg5[%swap3A_538, %swap3A_539, %swap3A_540, %swap3A_541], %swap3A_544 {add = true, strides = array<i32>} : memref<4x4x4x1024xf32, #tpu.memory_space<vmem>>, vector<1x1x1x16xf32>,
          %scan3A_545 = arith.constant 2 : i32
          %scan3A_546 = arith.addi %scan3A_448, %scan3A_545 : i32
          %mul3A_547 = arith.constant 1 : i32
          %mul3A_548 = arith.muli %scan3A_546, %mul3A_547 : i32
          %add3A_549 = arith.constant 0 : i32
          %add3A_550 = arith.addi %add3A_549, %mul3A_548 : i32
          %mul3A_551 = arith.constant 16 : i32
          %mul3A_552 = arith.muli %add3A_550, %mul3A_551 : i32
          %get3A_553 = arith.constant 0 : i32
          %get3A_554 = arith.index_cast %get3A_553 : i32 to index
          %get3A_555 = arith.index_cast %add3A_442 : i32 to index
          %get3A_556 = arith.index_cast %mul3A_552 : i32 to index
          %get3A_557 = tpu.vector_load %arg6[%get3A_554, %get3A_555, %get3A_556] {strides = array<i32>} : memref<4x4x1024xf32, #tpu.memory_space<vmem>>, vector<1x1x16xf32>,
          %get3A_558 = vector.shape_cast %get3A_557 : vector<1x1x16xf32> to vector<16xf32>
          %swap3A_559 = arith.constant 0 : i32
          %swap3A_560 = arith.constant 0 : i32
          %swap3A_561 = arith.index_cast %swap3A_559 : i32 to index
          %swap3A_562 = arith.index_cast %swap3A_560 : i32 to index
          %swap3A_563 = arith.index_cast %add3A_442 : i32 to index
          %swap3A_564 = arith.index_cast %mul3A_552 : i32 to index
          %swap3A_565 = tpu.vector_load %arg5[%swap3A_561, %swap3A_562, %swap3A_563, %swap3A_564] {strides = array<i32>} : memref<4x4x4x1024xf32, #tpu.memory_space<vmem>>, vector<1x1x1x16xf32>,
          %swap3A_566 = vector.shape_cast %swap3A_565 : vector<1x1x1x16xf32> to vector<16xf32>
          %swap3A_567 = vector.shape_cast %get3A_558 : vector<16xf32> to vector<1x1x1x16xf32>
          tpu.vector_store %arg5[%swap3A_561, %swap3A_562, %swap3A_563, %swap3A_564], %swap3A_567 {add = true, strides = array<i32>} : memref<4x4x4x1024xf32, #tpu.memory_space<vmem>>, vector<1x1x1x16xf32>,
          %swap3A_568 = arith.constant 0 : i32
          %swap3A_569 = arith.constant 1 : i32
          %swap3A_570 = arith.index_cast %swap3A_568 : i32 to index
          %swap3A_571 = arith.index_cast %swap3A_569 : i32 to index
          %swap3A_572 = arith.index_cast %add3A_442 : i32 to index
          %swap3A_573 = arith.index_cast %mul3A_552 : i32 to index
          %swap3A_574 = tpu.vector_load %arg5[%swap3A_570, %swap3A_571, %swap3A_572, %swap3A_573] {strides = array<i32>} : memref<4x4x4x1024xf32, #tpu.memory_space<vmem>>, vector<1x1x1x16xf32>,
          %swap3A_575 = vector.shape_cast %swap3A_574 : vector<1x1x1x16xf32> to vector<16xf32>
          %swap3A_576 = vector.shape_cast %get3A_558 : vector<16xf32> to vector<1x1x1x16xf32>
          tpu.vector_store %arg5[%swap3A_570, %swap3A_571, %swap3A_572, %swap3A_573], %swap3A_576 {add = true, strides = array<i32>} : memref<4x4x4x1024xf32, #tpu.memory_space<vmem>>, vector<1x1x1x16xf32>,
          %swap3A_577 = arith.constant 0 : i32
          %swap3A_578 = arith.constant 2 : i32
          %swap3A_579 = arith.index_cast %swap3A_577 : i32 to index
          %swap3A_580 = arith.index_cast %swap3A_578 : i32 to index
          %swap3A_581 = arith.index_cast %add3A_442 : i32 to index
          %swap3A_582 = arith.index_cast %mul3A_552 : i32 to index
          %swap3A_583 = tpu.vector_load %arg5[%swap3A_579, %swap3A_580, %swap3A_581, %swap3A_582] {strides = array<i32>} : memref<4x4x4x1024xf32, #tpu.memory_space<vmem>>, vector<1x1x1x16xf32>,
          %swap3A_584 = vector.shape_cast %swap3A_583 : vector<1x1x1x16xf32> to vector<16xf32>
          %swap3A_585 = vector.shape_cast %get3A_558 : vector<16xf32> to vector<1x1x1x16xf32>
          tpu.vector_store %arg5[%swap3A_579, %swap3A_580, %swap3A_581, %swap3A_582], %swap3A_585 {add = true, strides = array<i32>} : memref<4x4x4x1024xf32, #tpu.memory_space<vmem>>, vector<1x1x1x16xf32>,
          %swap3A_586 = arith.constant 0 : i32
          %swap3A_587 = arith.constant 3 : i32
          %swap3A_588 = arith.index_cast %swap3A_586 : i32 to index
          %swap3A_589 = arith.index_cast %swap3A_587 : i32 to index
          %swap3A_590 = arith.index_cast %add3A_442 : i32 to index
          %swap3A_591 = arith.index_cast %mul3A_552 : i32 to index
          %swap3A_592 = tpu.vector_load %arg5[%swap3A_588, %swap3A_589, %swap3A_590, %swap3A_591] {strides = array<i32>} : memref<4x4x4x1024xf32, #tpu.memory_space<vmem>>, vector<1x1x1x16xf32>,
          %swap3A_593 = vector.shape_cast %swap3A_592 : vector<1x1x1x16xf32> to vector<16xf32>
          %swap3A_594 = vector.shape_cast %get3A_558 : vector<16xf32> to vector<1x1x1x16xf32>
          tpu.vector_store %arg5[%swap3A_588, %swap3A_589, %swap3A_590, %swap3A_591], %swap3A_594 {add = true, strides = array<i32>} : memref<4x4x4x1024xf32, #tpu.memory_space<vmem>>, vector<1x1x1x16xf32>,
          %scan3A_595 = arith.constant 3 : i32
          %scan3A_596 = arith.addi %scan3A_448, %scan3A_595 : i32
          %mul3A_597 = arith.constant 1 : i32
          %mul3A_598 = arith.muli %scan3A_596, %mul3A_597 : i32
          %add3A_599 = arith.constant 0 : i32
          %add3A_600 = arith.addi %add3A_599, %mul3A_598 : i32
          %mul3A_601 = arith.constant 16 : i32
          %mul3A_602 = arith.muli %add3A_600, %mul3A_601 : i32
          %get3A_603 = arith.constant 0 : i32
          %get3A_604 = arith.index_cast %get3A_603 : i32 to index
          %get3A_605 = arith.index_cast %add3A_442 : i32 to index
          %get3A_606 = arith.index_cast %mul3A_602 : i32 to index
          %get3A_607 = tpu.vector_load %arg6[%get3A_604, %get3A_605, %get3A_606] {strides = array<i32>} : memref<4x4x1024xf32, #tpu.memory_space<vmem>>, vector<1x1x16xf32>,
          %get3A_608 = vector.shape_cast %get3A_607 : vector<1x1x16xf32> to vector<16xf32>
          %swap3A_609 = arith.constant 0 : i32
          %swap3A_610 = arith.constant 0 : i32
          %swap3A_611 = arith.index_cast %swap3A_609 : i32 to index
          %swap3A_612 = arith.index_cast %swap3A_610 : i32 to index
          %swap3A_613 = arith.index_cast %add3A_442 : i32 to index
          %swap3A_614 = arith.index_cast %mul3A_602 : i32 to index
          %swap3A_615 = tpu.vector_load %arg5[%swap3A_611, %swap3A_612, %swap3A_613, %swap3A_614] {strides = array<i32>} : memref<4x4x4x1024xf32, #tpu.memory_space<vmem>>, vector<1x1x1x16xf32>,
          %swap3A_616 = vector.shape_cast %swap3A_615 : vector<1x1x1x16xf32> to vector<16xf32>
          %swap3A_617 = vector.shape_cast %get3A_608 : vector<16xf32> to vector<1x1x1x16xf32>
          tpu.vector_store %arg5[%swap3A_611, %swap3A_612, %swap3A_613, %swap3A_614], %swap3A_617 {add = true, strides = array<i32>} : memref<4x4x4x1024xf32, #tpu.memory_space<vmem>>, vector<1x1x1x16xf32>,
          %swap3A_618 = arith.constant 0 : i32
          %swap3A_619 = arith.constant 1 : i32
          %swap3A_620 = arith.index_cast %swap3A_618 : i32 to index
          %swap3A_621 = arith.index_cast %swap3A_619 : i32 to index
          %swap3A_622 = arith.index_cast %add3A_442 : i32 to index
          %swap3A_623 = arith.index_cast %mul3A_602 : i32 to index
          %swap3A_624 = tpu.vector_load %arg5[%swap3A_620, %swap3A_621, %swap3A_622, %swap3A_623] {strides = array<i32>} : memref<4x4x4x1024xf32, #tpu.memory_space<vmem>>, vector<1x1x1x16xf32>,
          %swap3A_625 = vector.shape_cast %swap3A_624 : vector<1x1x1x16xf32> to vector<16xf32>
          %swap3A_626 = vector.shape_cast %get3A_608 : vector<16xf32> to vector<1x1x1x16xf32>
          tpu.vector_store %arg5[%swap3A_620, %swap3A_621, %swap3A_622, %swap3A_623], %swap3A_626 {add = true, strides = array<i32>} : memref<4x4x4x1024xf32, #tpu.memory_space<vmem>>, vector<1x1x1x16xf32>,
          %swap3A_627 = arith.constant 0 : i32
          %swap3A_628 = arith.constant 2 : i32
          %swap3A_629 = arith.index_cast %swap3A_627 : i32 to index
          %swap3A_630 = arith.index_cast %swap3A_628 : i32 to index
          %swap3A_631 = arith.index_cast %add3A_442 : i32 to index
          %swap3A_632 = arith.index_cast %mul3A_602 : i32 to index
          %swap3A_633 = tpu.vector_load %arg5[%swap3A_629, %swap3A_630, %swap3A_631, %swap3A_632] {strides = array<i32>} : memref<4x4x4x1024xf32, #tpu.memory_space<vmem>>, vector<1x1x1x16xf32>,
          %swap3A_634 = vector.shape_cast %swap3A_633 : vector<1x1x1x16xf32> to vector<16xf32>
          %swap3A_635 = vector.shape_cast %get3A_608 : vector<16xf32> to vector<1x1x1x16xf32>
          tpu.vector_store %arg5[%swap3A_629, %swap3A_630, %swap3A_631, %swap3A_632], %swap3A_635 {add = true, strides = array<i32>} : memref<4x4x4x1024xf32, #tpu.memory_space<vmem>>, vector<1x1x1x16xf32>,
          %swap3A_636 = arith.constant 0 : i32
          %swap3A_637 = arith.constant 3 : i32
          %swap3A_638 = arith.index_cast %swap3A_636 : i32 to index
          %swap3A_639 = arith.index_cast %swap3A_637 : i32 to index
          %swap3A_640 = arith.index_cast %add3A_442 : i32 to index
          %swap3A_641 = arith.index_cast %mul3A_602 : i32 to index
          %swap3A_642 = tpu.vector_load %arg5[%swap3A_638, %swap3A_639, %swap3A_640, %swap3A_641] {strides = array<i32>} : memref<4x4x4x1024xf32, #tpu.memory_space<vmem>>, vector<1x1x1x16xf32>,
          %swap3A_643 = vector.shape_cast %swap3A_642 : vector<1x1x1x16xf32> to vector<16xf32>
          %swap3A_644 = vector.shape_cast %get3A_608 : vector<16xf32> to vector<1x1x1x16xf32>
          tpu.vector_store %arg5[%swap3A_638, %swap3A_639, %swap3A_640, %swap3A_641], %swap3A_644 {add = true, strides = array<i32>} : memref<4x4x4x1024xf32, #tpu.memory_space<vmem>>, vector<1x1x1x16xf32>,
          %scan3A_645 = arith.constant 4 : i32
          %scan3A_646 = arith.addi %scan3A_448, %scan3A_645 : i32
          %mul3A_647 = arith.constant 1 : i32
          %mul3A_648 = arith.muli %scan3A_646, %mul3A_647 : i32
          %add3A_649 = arith.constant 0 : i32
          %add3A_650 = arith.addi %add3A_649, %mul3A_648 : i32
          %mul3A_651 = arith.constant 16 : i32
          %mul3A_652 = arith.muli %add3A_650, %mul3A_651 : i32
          %get3A_653 = arith.constant 0 : i32
          %get3A_654 = arith.index_cast %get3A_653 : i32 to index
          %get3A_655 = arith.index_cast %add3A_442 : i32 to index
          %get3A_656 = arith.index_cast %mul3A_652 : i32 to index
          %get3A_657 = tpu.vector_load %arg6[%get3A_654, %get3A_655, %get3A_656] {strides = array<i32>} : memref<4x4x1024xf32, #tpu.memory_space<vmem>>, vector<1x1x16xf32>,
          %get3A_658 = vector.shape_cast %get3A_657 : vector<1x1x16xf32> to vector<16xf32>
          %swap3A_659 = arith.constant 0 : i32
          %swap3A_660 = arith.constant 0 : i32
          %swap3A_661 = arith.index_cast %swap3A_659 : i32 to index
          %swap3A_662 = arith.index_cast %swap3A_660 : i32 to index
          %swap3A_663 = arith.index_cast %add3A_442 : i32 to index
          %swap3A_664 = arith.index_cast %mul3A_652 : i32 to index
          %swap3A_665 = tpu.vector_load %arg5[%swap3A_661, %swap3A_662, %swap3A_663, %swap3A_664] {strides = array<i32>} : memref<4x4x4x1024xf32, #tpu.memory_space<vmem>>, vector<1x1x1x16xf32>,
          %swap3A_666 = vector.shape_cast %swap3A_665 : vector<1x1x1x16xf32> to vector<16xf32>
          %swap3A_667 = vector.shape_cast %get3A_658 : vector<16xf32> to vector<1x1x1x16xf32>
          tpu.vector_store %arg5[%swap3A_661, %swap3A_662, %swap3A_663, %swap3A_664], %swap3A_667 {add = true, strides = array<i32>} : memref<4x4x4x1024xf32, #tpu.memory_space<vmem>>, vector<1x1x1x16xf32>,
          %swap3A_668 = arith.constant 0 : i32
          %swap3A_669 = arith.constant 1 : i32
          %swap3A_670 = arith.index_cast %swap3A_668 : i32 to index
          %swap3A_671 = arith.index_cast %swap3A_669 : i32 to index
          %swap3A_672 = arith.index_cast %add3A_442 : i32 to index
          %swap3A_673 = arith.index_cast %mul3A_652 : i32 to index
          %swap3A_674 = tpu.vector_load %arg5[%swap3A_670, %swap3A_671, %swap3A_672, %swap3A_673] {strides = array<i32>} : memref<4x4x4x1024xf32, #tpu.memory_space<vmem>>, vector<1x1x1x16xf32>,
          %swap3A_675 = vector.shape_cast %swap3A_674 : vector<1x1x1x16xf32> to vector<16xf32>
          %swap3A_676 = vector.shape_cast %get3A_658 : vector<16xf32> to vector<1x1x1x16xf32>
          tpu.vector_store %arg5[%swap3A_670, %swap3A_671, %swap3A_672, %swap3A_673], %swap3A_676 {add = true, strides = array<i32>} : memref<4x4x4x1024xf32, #tpu.memory_space<vmem>>, vector<1x1x1x16xf32>,
          %swap3A_677 = arith.constant 0 : i32
          %swap3A_678 = arith.constant 2 : i32
          %swap3A_679 = arith.index_cast %swap3A_677 : i32 to index
          %swap3A_680 = arith.index_cast %swap3A_678 : i32 to index
          %swap3A_681 = arith.index_cast %add3A_442 : i32 to index
          %swap3A_682 = arith.index_cast %mul3A_652 : i32 to index
          %swap3A_683 = tpu.vector_load %arg5[%swap3A_679, %swap3A_680, %swap3A_681, %swap3A_682] {strides = array<i32>} : memref<4x4x4x1024xf32, #tpu.memory_space<vmem>>, vector<1x1x1x16xf32>,
          %swap3A_684 = vector.shape_cast %swap3A_683 : vector<1x1x1x16xf32> to vector<16xf32>
          %swap3A_685 = vector.shape_cast %get3A_658 : vector<16xf32> to vector<1x1x1x16xf32>
          tpu.vector_store %arg5[%swap3A_679, %swap3A_680, %swap3A_681, %swap3A_682], %swap3A_685 {add = true, strides = array<i32>} : memref<4x4x4x1024xf32, #tpu.memory_space<vmem>>, vector<1x1x1x16xf32>,
          %swap3A_686 = arith.constant 0 : i32
          %swap3A_687 = arith.constant 3 : i32
          %swap3A_688 = arith.index_cast %swap3A_686 : i32 to index
          %swap3A_689 = arith.index_cast %swap3A_687 : i32 to index
          %swap3A_690 = arith.index_cast %add3A_442 : i32 to index
          %swap3A_691 = arith.index_cast %mul3A_652 : i32 to index
          %swap3A_692 = tpu.vector_load %arg5[%swap3A_688, %swap3A_689, %swap3A_690, %swap3A_691] {strides = array<i32>} : memref<4x4x4x1024xf32, #tpu.memory_space<vmem>>, vector<1x1x1x16xf32>,
          %swap3A_693 = vector.shape_cast %swap3A_692 : vector<1x1x1x16xf32> to vector<16xf32>
          %swap3A_694 = vector.shape_cast %get3A_658 : vector<16xf32> to vector<1x1x1x16xf32>
          tpu.vector_store %arg5[%swap3A_688, %swap3A_689, %swap3A_690, %swap3A_691], %swap3A_694 {add = true, strides = array<i32>} : memref<4x4x4x1024xf32, #tpu.memory_space<vmem>>, vector<1x1x1x16xf32>,
          %scan3A_695 = arith.constant 5 : i32
          %scan3A_696 = arith.addi %scan3A_448, %scan3A_695 : i32
          %mul3A_697 = arith.constant 1 : i32
          %mul3A_698 = arith.muli %scan3A_696, %mul3A_697 : i32
          %add3A_699 = arith.constant 0 : i32
          %add3A_700 = arith.addi %add3A_699, %mul3A_698 : i32
          %mul3A_701 = arith.constant 16 : i32
          %mul3A_702 = arith.muli %add3A_700, %mul3A_701 : i32
          %get3A_703 = arith.constant 0 : i32
          %get3A_704 = arith.index_cast %get3A_703 : i32 to index
          %get3A_705 = arith.index_cast %add3A_442 : i32 to index
          %get3A_706 = arith.index_cast %mul3A_702 : i32 to index
          %get3A_707 = tpu.vector_load %arg6[%get3A_704, %get3A_705, %get3A_706] {strides = array<i32>} : memref<4x4x1024xf32, #tpu.memory_space<vmem>>, vector<1x1x16xf32>,
          %get3A_708 = vector.shape_cast %get3A_707 : vector<1x1x16xf32> to vector<16xf32>
          %swap3A_709 = arith.constant 0 : i32
          %swap3A_710 = arith.constant 0 : i32
          %swap3A_711 = arith.index_cast %swap3A_709 : i32 to index
          %swap3A_712 = arith.index_cast %swap3A_710 : i32 to index
          %swap3A_713 = arith.index_cast %add3A_442 : i32 to index
          %swap3A_714 = arith.index_cast %mul3A_702 : i32 to index
          %swap3A_715 = tpu.vector_load %arg5[%swap3A_711, %swap3A_712, %swap3A_713, %swap3A_714] {strides = array<i32>} : memref<4x4x4x1024xf32, #tpu.memory_space<vmem>>, vector<1x1x1x16xf32>,
          %swap3A_716 = vector.shape_cast %swap3A_715 : vector<1x1x1x16xf32> to vector<16xf32>
          %swap3A_717 = vector.shape_cast %get3A_708 : vector<16xf32> to vector<1x1x1x16xf32>
          tpu.vector_store %arg5[%swap3A_711, %swap3A_712, %swap3A_713, %swap3A_714], %swap3A_717 {add = true, strides = array<i32>} : memref<4x4x4x1024xf32, #tpu.memory_space<vmem>>, vector<1x1x1x16xf32>,
          %swap3A_718 = arith.constant 0 : i32
          %swap3A_719 = arith.constant 1 : i32
          %swap3A_720 = arith.index_cast %swap3A_718 : i32 to index
          %swap3A_721 = arith.index_cast %swap3A_719 : i32 to index
          %swap3A_722 = arith.index_cast %add3A_442 : i32 to index
          %swap3A_723 = arith.index_cast %mul3A_702 : i32 to index
          %swap3A_724 = tpu.vector_load %arg5[%swap3A_720, %swap3A_721, %swap3A_722, %swap3A_723] {strides = array<i32>} : memref<4x4x4x1024xf32, #tpu.memory_space<vmem>>, vector<1x1x1x16xf32>,
          %swap3A_725 = vector.shape_cast %swap3A_724 : vector<1x1x1x16xf32> to vector<16xf32>
          %swap3A_726 = vector.shape_cast %get3A_708 : vector<16xf32> to vector<1x1x1x16xf32>
          tpu.vector_store %arg5[%swap3A_720, %swap3A_721, %swap3A_722, %swap3A_723], %swap3A_726 {add = true, strides = array<i32>} : memref<4x4x4x1024xf32, #tpu.memory_space<vmem>>, vector<1x1x1x16xf32>,
          %swap3A_727 = arith.constant 0 : i32
          %swap3A_728 = arith.constant 2 : i32
          %swap3A_729 = arith.index_cast %swap3A_727 : i32 to index
          %swap3A_730 = arith.index_cast %swap3A_728 : i32 to index
          %swap3A_731 = arith.index_cast %add3A_442 : i32 to index
          %swap3A_732 = arith.index_cast %mul3A_702 : i32 to index
          %swap3A_733 = tpu.vector_load %arg5[%swap3A_729, %swap3A_730, %swap3A_731, %swap3A_732] {strides = array<i32>} : memref<4x4x4x1024xf32, #tpu.memory_space<vmem>>, vector<1x1x1x16xf32>,
          %swap3A_734 = vector.shape_cast %swap3A_733 : vector<1x1x1x16xf32> to vector<16xf32>
          %swap3A_735 = vector.shape_cast %get3A_708 : vector<16xf32> to vector<1x1x1x16xf32>
          tpu.vector_store %arg5[%swap3A_729, %swap3A_730, %swap3A_731, %swap3A_732], %swap3A_735 {add = true, strides = array<i32>} : memref<4x4x4x1024xf32, #tpu.memory_space<vmem>>, vector<1x1x1x16xf32>,
          %swap3A_736 = arith.constant 0 : i32
          %swap3A_737 = arith.constant 3 : i32
          %swap3A_738 = arith.index_cast %swap3A_736 : i32 to index
          %swap3A_739 = arith.index_cast %swap3A_737 : i32 to index
          %swap3A_740 = arith.index_cast %add3A_442 : i32 to index
          %swap3A_741 = arith.index_cast %mul3A_702 : i32 to index
          %swap3A_742 = tpu.vector_load %arg5[%swap3A_738, %swap3A_739, %swap3A_740, %swap3A_741] {strides = array<i32>} : memref<4x4x4x1024xf32, #tpu.memory_space<vmem>>, vector<1x1x1x16xf32>,
          %swap3A_743 = vector.shape_cast %swap3A_742 : vector<1x1x1x16xf32> to vector<16xf32>
          %swap3A_744 = vector.shape_cast %get3A_708 : vector<16xf32> to vector<1x1x1x16xf32>
          tpu.vector_store %arg5[%swap3A_738, %swap3A_739, %swap3A_740, %swap3A_741], %swap3A_744 {add = true, strides = array<i32>} : memref<4x4x4x1024xf32, #tpu.memory_space<vmem>>, vector<1x1x1x16xf32>,
          %scan3A_745 = arith.constant 6 : i32
          %scan3A_746 = arith.addi %scan3A_448, %scan3A_745 : i32
          %mul3A_747 = arith.constant 1 : i32
          %mul3A_748 = arith.muli %scan3A_746, %mul3A_747 : i32
          %add3A_749 = arith.constant 0 : i32
          %add3A_750 = arith.addi %add3A_749, %mul3A_748 : i32
          %mul3A_751 = arith.constant 16 : i32
          %mul3A_752 = arith.muli %add3A_750, %mul3A_751 : i32
          %get3A_753 = arith.constant 0 : i32
          %get3A_754 = arith.index_cast %get3A_753 : i32 to index
          %get3A_755 = arith.index_cast %add3A_442 : i32 to index
          %get3A_756 = arith.index_cast %mul3A_752 : i32 to index
          %get3A_757 = tpu.vector_load %arg6[%get3A_754, %get3A_755, %get3A_756] {strides = array<i32>} : memref<4x4x1024xf32, #tpu.memory_space<vmem>>, vector<1x1x16xf32>,
          %get3A_758 = vector.shape_cast %get3A_757 : vector<1x1x16xf32> to vector<16xf32>
          %swap3A_759 = arith.constant 0 : i32
          %swap3A_760 = arith.constant 0 : i32
          %swap3A_761 = arith.index_cast %swap3A_759 : i32 to index
          %swap3A_762 = arith.index_cast %swap3A_760 : i32 to index
          %swap3A_763 = arith.index_cast %add3A_442 : i32 to index
          %swap3A_764 = arith.index_cast %mul3A_752 : i32 to index
          %swap3A_765 = tpu.vector_load %arg5[%swap3A_761, %swap3A_762, %swap3A_763, %swap3A_764] {strides = array<i32>} : memref<4x4x4x1024xf32, #tpu.memory_space<vmem>>, vector<1x1x1x16xf32>,
          %swap3A_766 = vector.shape_cast %swap3A_765 : vector<1x1x1x16xf32> to vector<16xf32>
          %swap3A_767 = vector.shape_cast %get3A_758 : vector<16xf32> to vector<1x1x1x16xf32>
          tpu.vector_store %arg5[%swap3A_761, %swap3A_762, %swap3A_763, %swap3A_764], %swap3A_767 {add = true, strides = array<i32>} : memref<4x4x4x1024xf32, #tpu.memory_space<vmem>>, vector<1x1x1x16xf32>,
          %swap3A_768 = arith.constant 0 : i32
          %swap3A_769 = arith.constant 1 : i32
          %swap3A_770 = arith.index_cast %swap3A_768 : i32 to index
          %swap3A_771 = arith.index_cast %swap3A_769 : i32 to index
          %swap3A_772 = arith.index_cast %add3A_442 : i32 to index
          %swap3A_773 = arith.index_cast %mul3A_752 : i32 to index
          %swap3A_774 = tpu.vector_load %arg5[%swap3A_770, %swap3A_771, %swap3A_772, %swap3A_773] {strides = array<i32>} : memref<4x4x4x1024xf32, #tpu.memory_space<vmem>>, vector<1x1x1x16xf32>,
          %swap3A_775 = vector.shape_cast %swap3A_774 : vector<1x1x1x16xf32> to vector<16xf32>
          %swap3A_776 = vector.shape_cast %get3A_758 : vector<16xf32> to vector<1x1x1x16xf32>
          tpu.vector_store %arg5[%swap3A_770, %swap3A_771, %swap3A_772, %swap3A_773], %swap3A_776 {add = true, strides = array<i32>} : memref<4x4x4x1024xf32, #tpu.memory_space<vmem>>, vector<1x1x1x16xf32>,
          %swap3A_777 = arith.constant 0 : i32
          %swap3A_778 = arith.constant 2 : i32
          %swap3A_779 = arith.index_cast %swap3A_777 : i32 to index
          %swap3A_780 = arith.index_cast %swap3A_778 : i32 to index
          %swap3A_781 = arith.index_cast %add3A_442 : i32 to index
          %swap3A_782 = arith.index_cast %mul3A_752 : i32 to index
          %swap3A_783 = tpu.vector_load %arg5[%swap3A_779, %swap3A_780, %swap3A_781, %swap3A_782] {strides = array<i32>} : memref<4x4x4x1024xf32, #tpu.memory_space<vmem>>, vector<1x1x1x16xf32>,
          %swap3A_784 = vector.shape_cast %swap3A_783 : vector<1x1x1x16xf32> to vector<16xf32>
          %swap3A_785 = vector.shape_cast %get3A_758 : vector<16xf32> to vector<1x1x1x16xf32>
          tpu.vector_store %arg5[%swap3A_779, %swap3A_780, %swap3A_781, %swap3A_782], %swap3A_785 {add = true, strides = array<i32>} : memref<4x4x4x1024xf32, #tpu.memory_space<vmem>>, vector<1x1x1x16xf32>,
          %swap3A_786 = arith.constant 0 : i32
          %swap3A_787 = arith.constant 3 : i32
          %swap3A_788 = arith.index_cast %swap3A_786 : i32 to index
          %swap3A_789 = arith.index_cast %swap3A_787 : i32 to index
          %swap3A_790 = arith.index_cast %add3A_442 : i32 to index
          %swap3A_791 = arith.index_cast %mul3A_752 : i32 to index
          %swap3A_792 = tpu.vector_load %arg5[%swap3A_788, %swap3A_789, %swap3A_790, %swap3A_791] {strides = array<i32>} : memref<4x4x4x1024xf32, #tpu.memory_space<vmem>>, vector<1x1x1x16xf32>,
          %swap3A_793 = vector.shape_cast %swap3A_792 : vector<1x1x1x16xf32> to vector<16xf32>
          %swap3A_794 = vector.shape_cast %get3A_758 : vector<16xf32> to vector<1x1x1x16xf32>
          tpu.vector_store %arg5[%swap3A_788, %swap3A_789, %swap3A_790, %swap3A_791], %swap3A_794 {add = true, strides = array<i32>} : memref<4x4x4x1024xf32, #tpu.memory_space<vmem>>, vector<1x1x1x16xf32>,
          %scan3A_795 = arith.constant 7 : i32
          %scan3A_796 = arith.addi %scan3A_448, %scan3A_795 : i32
          %mul3A_797 = arith.constant 1 : i32
          %mul3A_798 = arith.muli %scan3A_796, %mul3A_797 : i32
          %add3A_799 = arith.constant 0 : i32
          %add3A_800 = arith.addi %add3A_799, %mul3A_798 : i32
          %mul3A_801 = arith.constant 16 : i32
          %mul3A_802 = arith.muli %add3A_800, %mul3A_801 : i32
          %get3A_803 = arith.constant 0 : i32
          %get3A_804 = arith.index_cast %get3A_803 : i32 to index
          %get3A_805 = arith.index_cast %add3A_442 : i32 to index
          %get3A_806 = arith.index_cast %mul3A_802 : i32 to index
          %get3A_807 = tpu.vector_load %arg6[%get3A_804, %get3A_805, %get3A_806] {strides = array<i32>} : memref<4x4x1024xf32, #tpu.memory_space<vmem>>, vector<1x1x16xf32>,
          %get3A_808 = vector.shape_cast %get3A_807 : vector<1x1x16xf32> to vector<16xf32>
          %swap3A_809 = arith.constant 0 : i32
          %swap3A_810 = arith.constant 0 : i32
          %swap3A_811 = arith.index_cast %swap3A_809 : i32 to index
          %swap3A_812 = arith.index_cast %swap3A_810 : i32 to index
          %swap3A_813 = arith.index_cast %add3A_442 : i32 to index
          %swap3A_814 = arith.index_cast %mul3A_802 : i32 to index
          %swap3A_815 = tpu.vector_load %arg5[%swap3A_811, %swap3A_812, %swap3A_813, %swap3A_814] {strides = array<i32>} : memref<4x4x4x1024xf32, #tpu.memory_space<vmem>>, vector<1x1x1x16xf32>,
          %swap3A_816 = vector.shape_cast %swap3A_815 : vector<1x1x1x16xf32> to vector<16xf32>
          %swap3A_817 = vector.shape_cast %get3A_808 : vector<16xf32> to vector<1x1x1x16xf32>
          tpu.vector_store %arg5[%swap3A_811, %swap3A_812, %swap3A_813, %swap3A_814], %swap3A_817 {add = true, strides = array<i32>} : memref<4x4x4x1024xf32, #tpu.memory_space<vmem>>, vector<1x1x1x16xf32>,
          %swap3A_818 = arith.constant 0 : i32
          %swap3A_819 = arith.constant 1 : i32
          %swap3A_820 = arith.index_cast %swap3A_818 : i32 to index
          %swap3A_821 = arith.index_cast %swap3A_819 : i32 to index
          %swap3A_822 = arith.index_cast %add3A_442 : i32 to index
          %swap3A_823 = arith.index_cast %mul3A_802 : i32 to index
          %swap3A_824 = tpu.vector_load %arg5[%swap3A_820, %swap3A_821, %swap3A_822, %swap3A_823] {strides = array<i32>} : memref<4x4x4x1024xf32, #tpu.memory_space<vmem>>, vector<1x1x1x16xf32>,
          %swap3A_825 = vector.shape_cast %swap3A_824 : vector<1x1x1x16xf32> to vector<16xf32>
          %swap3A_826 = vector.shape_cast %get3A_808 : vector<16xf32> to vector<1x1x1x16xf32>
          tpu.vector_store %arg5[%swap3A_820, %swap3A_821, %swap3A_822, %swap3A_823], %swap3A_826 {add = true, strides = array<i32>} : memref<4x4x4x1024xf32, #tpu.memory_space<vmem>>, vector<1x1x1x16xf32>,
          %swap3A_827 = arith.constant 0 : i32
          %swap3A_828 = arith.constant 2 : i32
          %swap3A_829 = arith.index_cast %swap3A_827 : i32 to index
          %swap3A_830 = arith.index_cast %swap3A_828 : i32 to index
          %swap3A_831 = arith.index_cast %add3A_442 : i32 to index
          %swap3A_832 = arith.index_cast %mul3A_802 : i32 to index
          %swap3A_833 = tpu.vector_load %arg5[%swap3A_829, %swap3A_830, %swap3A_831, %swap3A_832] {strides = array<i32>} : memref<4x4x4x1024xf32, #tpu.memory_space<vmem>>, vector<1x1x1x16xf32>,
          %swap3A_834 = vector.shape_cast %swap3A_833 : vector<1x1x1x16xf32> to vector<16xf32>
          %swap3A_835 = vector.shape_cast %get3A_808 : vector<16xf32> to vector<1x1x1x16xf32>
          tpu.vector_store %arg5[%swap3A_829, %swap3A_830, %swap3A_831, %swap3A_832], %swap3A_835 {add = true, strides = array<i32>} : memref<4x4x4x1024xf32, #tpu.memory_space<vmem>>, vector<1x1x1x16xf32>,
          %swap3A_836 = arith.constant 0 : i32
          %swap3A_837 = arith.constant 3 : i32
          %swap3A_838 = arith.index_cast %swap3A_836 : i32 to index
          %swap3A_839 = arith.index_cast %swap3A_837 : i32 to index
          %swap3A_840 = arith.index_cast %add3A_442 : i32 to index
          %swap3A_841 = arith.index_cast %mul3A_802 : i32 to index
          %swap3A_842 = tpu.vector_load %arg5[%swap3A_838, %swap3A_839, %swap3A_840, %swap3A_841] {strides = array<i32>} : memref<4x4x4x1024xf32, #tpu.memory_space<vmem>>, vector<1x1x1x16xf32>,
          %swap3A_843 = vector.shape_cast %swap3A_842 : vector<1x1x1x16xf32> to vector<16xf32>
          %swap3A_844 = vector.shape_cast %get3A_808 : vector<16xf32> to vector<1x1x1x16xf32>
          tpu.vector_store %arg5[%swap3A_838, %swap3A_839, %swap3A_840, %swap3A_841], %swap3A_844 {add = true, strides = array<i32>} : memref<4x4x4x1024xf32, #tpu.memory_space<vmem>>, vector<1x1x1x16xf32>,
        }
        %scan3A_447 = arith.constant 64 : i32
      }
      %scan3A_180 = arith.constant 4 : i32
      %mul3A_181 = arith.constant 4 : i32
      %mul3A_182 = arith.muli %add3A_131, %mul3A_181 : i32
      %add3A_183 = arith.addi %mul3A_2, %mul3A_182 : i32
      %dma_start3A_184 = arith.constant 0 : i32
      %dma_start3A_185 = arith.constant 0 : i32
      %dma_start3A_186 = arith.constant 0 : i32
      %dma_start3A_187 = arith.constant 0 : i32
      %dma_start3A_188 = arith.constant 0 : i32
      %dma_start3A_189 = tpu.memref_slice %arg5[%dma_start3A_184, %dma_start3A_186, %dma_start3A_187, %dma_start3A_188] : memref<4x4x4x1024xf32, #tpu.memory_space<vmem>> -> memref<1x4x4x1024xf32, #tpu.memory_space<vmem>>
      %dma_start3A_190 = tpu.memref_squeeze %dma_start3A_189 : memref<1x4x4x1024xf32, #tpu.memory_space<vmem>> -> memref<4x4x1024xf32, #tpu.memory_space<vmem>>
      %dma_start3A_191 = arith.constant 0 : i32
      %dma_start3A_192 = arith.constant 0 : i32
      %dma_start3A_193 = tpu.memref_slice %arg4[%dma_start3A_191, %add3A_183, %dma_start3A_192] : memref<4x4096x1024xf32, #tpu.memory_space<hbm>> -> memref<4x4x1024xf32, #tpu.memory_space<hbm>>
      %dma_start3A_194 = tpu.memref_slice %arg9[%dma_start3A_185] : memref<4x!tpu.dma_semaphore, #tpu.memory_space<semaphore_mem>> -> memref<1x!tpu.dma_semaphore, #tpu.memory_space<semaphore_mem>>
      %dma_start3A_195 = tpu.memref_squeeze %dma_start3A_194 : memref<1x!tpu.dma_semaphore, #tpu.memory_space<semaphore_mem>> -> memref<!tpu.dma_semaphore, #tpu.memory_space<semaphore_mem>>
      %dma_start3A_196 = arith.constant 0 : i32
      %dma_start3A_197 = arith.constant 0 : i32
      %dma_start3A_198 = tpu.memref_slice %arg4[%dma_start3A_196, %add3A_183, %dma_start3A_197] : memref<4x4096x1024xf32, #tpu.memory_space<hbm>> -> memref<4x4x1024xf32, #tpu.memory_space<hbm>>
      %dma_start3A_199 = arith.constant 0 : i32
      %dma_start3A_200 = arith.constant 0 : i32
      %dma_start3A_201 = arith.constant 0 : i32
      %dma_start3A_202 = tpu.memref_slice %arg5[%dma_start3A_184, %dma_start3A_199, %dma_start3A_200, %dma_start3A_201] : memref<4x4x4x1024xf32, #tpu.memory_space<vmem>> -> memref<1x4x4x1024xf32, #tpu.memory_space<vmem>>
      %dma_start3A_203 = tpu.memref_squeeze %dma_start3A_202 : memref<1x4x4x1024xf32, #tpu.memory_space<vmem>> -> memref<4x4x1024xf32, #tpu.memory_space<vmem>>
      tpu.enqueue_dma source(%dma_start3A_203 : memref<4x4x1024xf32, #tpu.memory_space<vmem>>) target(%dma_start3A_198 : memref<4x4x1024xf32, #tpu.memory_space<hbm>>) target_semaphore(%dma_start3A_195 : memref<!tpu.dma_semaphore, #tpu.memory_space<semaphore_mem>>)
      %add3A_204 = arith.constant 1 : i32
      %add3A_205 = arith.addi %add3A_129, %add3A_204 : i32
      %ge3A_206 = arith.constant 2 : i32
      %ge3A_207 = arith.cmpi sge, %add3A_205, %ge3A_206 : i32
      %convert_element_type3A_208 = arith.extui %ge3A_207 : i1 to i32
      %cond3A_209 = arith.constant 0 : i32
      %cond3A_210 = arith.cmpi ne, %convert_element_type3A_208, %cond3A_209 : i32
      scf.if %cond3A_210 {
        %dma_wait3A_438 = arith.constant 3 : i32
        %dma_wait3A_439 = arith.constant 3 : i32
        %dma_wait3A_440 = arith.constant 0 : i32
        %dma_wait3A_441 = arith.constant 0 : i32
        %dma_wait3A_442 = arith.constant 0 : i32
        %dma_wait3A_443 = tpu.memref_slice %arg5[%dma_wait3A_438, %dma_wait3A_440, %dma_wait3A_441, %dma_wait3A_442] : memref<4x4x4x1024xf32, #tpu.memory_space<vmem>> -> memref<1x4x4x1024xf32, #tpu.memory_space<vmem>>
        %dma_wait3A_444 = tpu.memref_squeeze %dma_wait3A_443 : memref<1x4x4x1024xf32, #tpu.memory_space<vmem>> -> memref<4x4x1024xf32, #tpu.memory_space<vmem>>
        %dma_wait3A_445 = arith.constant 0 : i32
        %dma_wait3A_446 = arith.constant 0 : i32
        %dma_wait3A_447 = tpu.memref_slice %arg4[%dma_wait3A_445, %mul3A_2, %dma_wait3A_446] : memref<4x4096x1024xf32, #tpu.memory_space<hbm>> -> memref<4x4x1024xf32, #tpu.memory_space<hbm>>
        %dma_wait3A_448 = tpu.memref_slice %arg9[%dma_wait3A_439] : memref<4x!tpu.dma_semaphore, #tpu.memory_space<semaphore_mem>> -> memref<1x!tpu.dma_semaphore, #tpu.memory_space<semaphore_mem>>
        %dma_wait3A_449 = tpu.memref_squeeze %dma_wait3A_448 : memref<1x!tpu.dma_semaphore, #tpu.memory_space<semaphore_mem>> -> memref<!tpu.dma_semaphore, #tpu.memory_space<semaphore_mem>>
        %dma_wait3A_450 = arith.constant 0 : i32
        %dma_wait3A_451 = arith.constant 0 : i32
        %dma_wait3A_452 = tpu.memref_slice %arg4[%dma_wait3A_450, %mul3A_2, %dma_wait3A_451] : memref<4x4096x1024xf32, #tpu.memory_space<hbm>> -> memref<4x4x1024xf32, #tpu.memory_space<hbm>>
        %dma_wait3A_453 = arith.constant 0 : i32
        %dma_wait3A_454 = arith.constant 0 : i32
        %dma_wait3A_455 = arith.constant 0 : i32
        %dma_wait3A_456 = tpu.memref_slice %arg5[%dma_wait3A_438, %dma_wait3A_453, %dma_wait3A_454, %dma_wait3A_455] : memref<4x4x4x1024xf32, #tpu.memory_space<vmem>> -> memref<1x4x4x1024xf32, #tpu.memory_space<vmem>>
        %dma_wait3A_457 = tpu.memref_squeeze %dma_wait3A_456 : memref<1x4x4x1024xf32, #tpu.memory_space<vmem>> -> memref<4x4x1024xf32, #tpu.memory_space<vmem>>
        tpu.wait_dma2 semaphore(%dma_wait3A_449 : memref<!tpu.dma_semaphore, #tpu.memory_space<semaphore_mem>>) src(%dma_wait3A_457 : memref<4x4x1024xf32, #tpu.memory_space<vmem>>) dst(%dma_wait3A_452 : memref<4x4x1024xf32, #tpu.memory_space<hbm>>)
      } else {
      }
      %add3A_211 = arith.constant 2 : i32
      %add3A_212 = arith.addi %add3A_205, %add3A_211 : i32
      %lt3A_213 = arith.constant 32 : i32
      %lt3A_214 = arith.cmpi slt, %add3A_212, %lt3A_213 : i32
      %convert_element_type3A_215 = arith.extui %lt3A_214 : i1 to i32
      %cond3A_216 = arith.constant 0 : i32
      %cond3A_217 = arith.cmpi ne, %convert_element_type3A_215, %cond3A_216 : i32
      scf.if %cond3A_217 {
        %add3A_438 = arith.constant 2 : i32
        %add3A_439 = arith.addi %add3A_205, %add3A_438 : i32
        %mul3A_440 = arith.constant 4 : i32
        %mul3A_441 = arith.muli %add3A_439, %mul3A_440 : i32
        %add3A_442 = arith.addi %mul3A_2, %mul3A_441 : i32
        %dma_start3A_443 = arith.constant 3 : i32
        %dma_start3A_444 = arith.constant 3 : i32
        %dma_start3A_445 = arith.constant 0 : i32
        %dma_start3A_446 = arith.constant 0 : i32
        %dma_start3A_447 = arith.constant 0 : i32
        %dma_start3A_448 = tpu.memref_slice %arg5[%dma_start3A_443, %dma_start3A_445, %dma_start3A_446, %dma_start3A_447] : memref<4x4x4x1024xf32, #tpu.memory_space<vmem>> -> memref<1x4x4x1024xf32, #tpu.memory_space<vmem>>
        %dma_start3A_449 = tpu.memref_squeeze %dma_start3A_448 : memref<1x4x4x1024xf32, #tpu.memory_space<vmem>> -> memref<4x4x1024xf32, #tpu.memory_space<vmem>>
        %dma_start3A_450 = arith.constant 0 : i32
        %dma_start3A_451 = arith.constant 0 : i32
        %dma_start3A_452 = tpu.memref_slice %arg2[%dma_start3A_450, %add3A_442, %dma_start3A_451] : memref<4x4096x1024xf32, #tpu.memory_space<hbm>> -> memref<4x4x1024xf32, #tpu.memory_space<hbm>>
        %dma_start3A_453 = tpu.memref_slice %arg7[%dma_start3A_444] : memref<4x!tpu.dma_semaphore, #tpu.memory_space<semaphore_mem>> -> memref<1x!tpu.dma_semaphore, #tpu.memory_space<semaphore_mem>>
        %dma_start3A_454 = tpu.memref_squeeze %dma_start3A_453 : memref<1x!tpu.dma_semaphore, #tpu.memory_space<semaphore_mem>> -> memref<!tpu.dma_semaphore, #tpu.memory_space<semaphore_mem>>
        %dma_start3A_455 = arith.constant 0 : i32
        %dma_start3A_456 = arith.constant 0 : i32
        %dma_start3A_457 = arith.constant 0 : i32
        %dma_start3A_458 = tpu.memref_slice %arg5[%dma_start3A_443, %dma_start3A_455, %dma_start3A_456, %dma_start3A_457] : memref<4x4x4x1024xf32, #tpu.memory_space<vmem>> -> memref<1x4x4x1024xf32, #tpu.memory_space<vmem>>
        %dma_start3A_459 = tpu.memref_squeeze %dma_start3A_458 : memref<1x4x4x1024xf32, #tpu.memory_space<vmem>> -> memref<4x4x1024xf32, #tpu.memory_space<vmem>>
        %dma_start3A_460 = arith.constant 0 : i32
        %dma_start3A_461 = arith.constant 0 : i32
        %dma_start3A_462 = tpu.memref_slice %arg2[%dma_start3A_460, %add3A_442, %dma_start3A_461] : memref<4x4096x1024xf32, #tpu.memory_space<hbm>> -> memref<4x4x1024xf32, #tpu.memory_space<hbm>>
        tpu.enqueue_dma source(%dma_start3A_462 : memref<4x4x1024xf32, #tpu.memory_space<hbm>>) target(%dma_start3A_459 : memref<4x4x1024xf32, #tpu.memory_space<vmem>>) target_semaphore(%dma_start3A_454 : memref<!tpu.dma_semaphore, #tpu.memory_space<semaphore_mem>>)
        %add3A_463 = arith.constant 2 : i32
        %add3A_464 = arith.addi %add3A_205, %add3A_463 : i32
        %mul3A_465 = arith.constant 4 : i32
        %mul3A_466 = arith.muli %add3A_464, %mul3A_465 : i32
        %add3A_467 = arith.addi %mul3A_2, %mul3A_466 : i32
        %dma_start3A_468 = arith.constant 3 : i32
        %dma_start3A_469 = arith.constant 3 : i32
        %dma_start3A_470 = arith.constant 0 : i32
        %dma_start3A_471 = arith.constant 0 : i32
        %dma_start3A_472 = tpu.memref_slice %arg6[%dma_start3A_468, %dma_start3A_470, %dma_start3A_471] : memref<4x4x1024xf32, #tpu.memory_space<vmem>> -> memref<1x4x1024xf32, #tpu.memory_space<vmem>>
        %dma_start3A_473 = tpu.memref_squeeze %dma_start3A_472 : memref<1x4x1024xf32, #tpu.memory_space<vmem>> -> memref<4x1024xf32, #tpu.memory_space<vmem>>
        %dma_start3A_474 = arith.constant 0 : i32
        %dma_start3A_475 = tpu.memref_slice %arg3[%add3A_467, %dma_start3A_474] : memref<8192x1024xf32, #tpu.memory_space<hbm>> -> memref<4x1024xf32, #tpu.memory_space<hbm>>
        %dma_start3A_476 = tpu.memref_slice %arg8[%dma_start3A_469] : memref<4x!tpu.dma_semaphore, #tpu.memory_space<semaphore_mem>> -> memref<1x!tpu.dma_semaphore, #tpu.memory_space<semaphore_mem>>
        %dma_start3A_477 = tpu.memref_squeeze %dma_start3A_476 : memref<1x!tpu.dma_semaphore, #tpu.memory_space<semaphore_mem>> -> memref<!tpu.dma_semaphore, #tpu.memory_space<semaphore_mem>>
        %dma_start3A_478 = arith.constant 0 : i32
        %dma_start3A_479 = arith.constant 0 : i32
        %dma_start3A_480 = tpu.memref_slice %arg6[%dma_start3A_468, %dma_start3A_478, %dma_start3A_479] : memref<4x4x1024xf32, #tpu.memory_space<vmem>> -> memref<1x4x1024xf32, #tpu.memory_space<vmem>>
        %dma_start3A_481 = tpu.memref_squeeze %dma_start3A_480 : memref<1x4x1024xf32, #tpu.memory_space<vmem>> -> memref<4x1024xf32, #tpu.memory_space<vmem>>
        %dma_start3A_482 = arith.constant 0 : i32
        %dma_start3A_483 = tpu.memref_slice %arg3[%add3A_467, %dma_start3A_482] : memref<8192x1024xf32, #tpu.memory_space<hbm>> -> memref<4x1024xf32, #tpu.memory_space<hbm>>
        tpu.enqueue_dma source(%dma_start3A_483 : memref<4x1024xf32, #tpu.memory_space<hbm>>) target(%dma_start3A_481 : memref<4x1024xf32, #tpu.memory_space<vmem>>) target_semaphore(%dma_start3A_477 : memref<!tpu.dma_semaphore, #tpu.memory_space<semaphore_mem>>)
      } else {
      }
      %dma_wait3A_218 = arith.constant 1 : i32
      %dma_wait3A_219 = arith.constant 1 : i32
      %dma_wait3A_220 = arith.constant 0 : i32
      %dma_wait3A_221 = arith.constant 0 : i32
      %dma_wait3A_222 = arith.constant 0 : i32
      %dma_wait3A_223 = tpu.memref_slice %arg5[%dma_wait3A_218, %dma_wait3A_220, %dma_wait3A_221, %dma_wait3A_222] : memref<4x4x4x1024xf32, #tpu.memory_space<vmem>> -> memref<1x4x4x1024xf32, #tpu.memory_space<vmem>>
      %dma_wait3A_224 = tpu.memref_squeeze %dma_wait3A_223 : memref<1x4x4x1024xf32, #tpu.memory_space<vmem>> -> memref<4x4x1024xf32, #tpu.memory_space<vmem>>
      %dma_wait3A_225 = arith.constant 0 : i32
      %dma_wait3A_226 = arith.constant 0 : i32
      %dma_wait3A_227 = tpu.memref_slice %arg2[%dma_wait3A_225, %mul3A_2, %dma_wait3A_226] : memref<4x4096x1024xf32, #tpu.memory_space<hbm>> -> memref<4x4x1024xf32, #tpu.memory_space<hbm>>
      %dma_wait3A_228 = tpu.memref_slice %arg7[%dma_wait3A_219] : memref<4x!tpu.dma_semaphore, #tpu.memory_space<semaphore_mem>> -> memref<1x!tpu.dma_semaphore, #tpu.memory_space<semaphore_mem>>
      %dma_wait3A_229 = tpu.memref_squeeze %dma_wait3A_228 : memref<1x!tpu.dma_semaphore, #tpu.memory_space<semaphore_mem>> -> memref<!tpu.dma_semaphore, #tpu.memory_space<semaphore_mem>>
      %dma_wait3A_230 = arith.constant 0 : i32
      %dma_wait3A_231 = arith.constant 0 : i32
      %dma_wait3A_232 = arith.constant 0 : i32
      %dma_wait3A_233 = tpu.memref_slice %arg5[%dma_wait3A_218, %dma_wait3A_230, %dma_wait3A_231, %dma_wait3A_232] : memref<4x4x4x1024xf32, #tpu.memory_space<vmem>> -> memref<1x4x4x1024xf32, #tpu.memory_space<vmem>>
      %dma_wait3A_234 = tpu.memref_squeeze %dma_wait3A_233 : memref<1x4x4x1024xf32, #tpu.memory_space<vmem>> -> memref<4x4x1024xf32, #tpu.memory_space<vmem>>
      %dma_wait3A_235 = arith.constant 0 : i32
      %dma_wait3A_236 = arith.constant 0 : i32
      %dma_wait3A_237 = tpu.memref_slice %arg2[%dma_wait3A_235, %mul3A_2, %dma_wait3A_236] : memref<4x4096x1024xf32, #tpu.memory_space<hbm>> -> memref<4x4x1024xf32, #tpu.memory_space<hbm>>
      tpu.wait_dma2 semaphore(%dma_wait3A_229 : memref<!tpu.dma_semaphore, #tpu.memory_space<semaphore_mem>>) src(%dma_wait3A_237 : memref<4x4x1024xf32, #tpu.memory_space<hbm>>) dst(%dma_wait3A_234 : memref<4x4x1024xf32, #tpu.memory_space<vmem>>)
      %dma_wait3A_238 = arith.constant 1 : i32
      %dma_wait3A_239 = arith.constant 1 : i32
      %dma_wait3A_240 = arith.constant 0 : i32
      %dma_wait3A_241 = arith.constant 0 : i32
      %dma_wait3A_242 = tpu.memref_slice %arg6[%dma_wait3A_238, %dma_wait3A_240, %dma_wait3A_241] : memref<4x4x1024xf32, #tpu.memory_space<vmem>> -> memref<1x4x1024xf32, #tpu.memory_space<vmem>>
      %dma_wait3A_243 = tpu.memref_squeeze %dma_wait3A_242 : memref<1x4x1024xf32, #tpu.memory_space<vmem>> -> memref<4x1024xf32, #tpu.memory_space<vmem>>
      %dma_wait3A_244 = arith.constant 0 : i32
      %dma_wait3A_245 = tpu.memref_slice %arg3[%mul3A_2, %dma_wait3A_244] : memref<8192x1024xf32, #tpu.memory_space<hbm>> -> memref<4x1024xf32, #tpu.memory_space<hbm>>
      %dma_wait3A_246 = tpu.memref_slice %arg8[%dma_wait3A_239] : memref<4x!tpu.dma_semaphore, #tpu.memory_space<semaphore_mem>> -> memref<1x!tpu.dma_semaphore, #tpu.memory_space<semaphore_mem>>
      %dma_wait3A_247 = tpu.memref_squeeze %dma_wait3A_246 : memref<1x!tpu.dma_semaphore, #tpu.memory_space<semaphore_mem>> -> memref<!tpu.dma_semaphore, #tpu.memory_space<semaphore_mem>>
      %dma_wait3A_248 = arith.constant 0 : i32
      %dma_wait3A_249 = arith.constant 0 : i32
      %dma_wait3A_250 = tpu.memref_slice %arg6[%dma_wait3A_238, %dma_wait3A_248, %dma_wait3A_249] : memref<4x4x1024xf32, #tpu.memory_space<vmem>> -> memref<1x4x1024xf32, #tpu.memory_space<vmem>>
      %dma_wait3A_251 = tpu.memref_squeeze %dma_wait3A_250 : memref<1x4x1024xf32, #tpu.memory_space<vmem>> -> memref<4x1024xf32, #tpu.memory_space<vmem>>
      %dma_wait3A_252 = arith.constant 0 : i32
      %dma_wait3A_253 = tpu.memref_slice %arg3[%mul3A_2, %dma_wait3A_252] : memref<8192x1024xf32, #tpu.memory_space<hbm>> -> memref<4x1024xf32, #tpu.memory_space<hbm>>
      tpu.wait_dma2 semaphore(%dma_wait3A_247 : memref<!tpu.dma_semaphore, #tpu.memory_space<semaphore_mem>>) src(%dma_wait3A_253 : memref<4x1024xf32, #tpu.memory_space<hbm>>) dst(%dma_wait3A_251 : memref<4x1024xf32, #tpu.memory_space<vmem>>)
      %scan3A_254 = arith.constant 0 : i32
      %scan3A_255 = arith.constant 4 : i32
      %scan3A_256 = arith.addi %scan3A_254, %scan3A_255 : i32
      %scan3A_257 = arith.constant 1 : i32
      scf.for %scan3A_438 = %scan3A_254 to %scan3A_256 step %scan3A_257  : i32 {
        %mul3A_439 = arith.constant 1 : i32
        %mul3A_440 = arith.muli %scan3A_438, %mul3A_439 : i32
        %add3A_441 = arith.constant 0 : i32
        %add3A_442 = arith.addi %add3A_441, %mul3A_440 : i32
        %scan3A_443 = arith.constant 0 : i32
        %scan3A_444 = arith.constant 64 : i32
        %scan3A_445 = arith.addi %scan3A_443, %scan3A_444 : i32
        %scan3A_446 = arith.constant 8 : i32
        scf.for %scan3A_448 = %scan3A_443 to %scan3A_445 step %scan3A_446  : i32 {
          %mul3A_449 = arith.constant 1 : i32
          %mul3A_450 = arith.muli %scan3A_448, %mul3A_449 : i32
          %add3A_451 = arith.constant 0 : i32
          %add3A_452 = arith.addi %add3A_451, %mul3A_450 : i32
          %mul3A_453 = arith.constant 16 : i32
          %mul3A_454 = arith.muli %add3A_452, %mul3A_453 : i32
          %get3A = arith.constant 1 : i32
          %get3A_455 = arith.index_cast %get3A : i32 to index
          %get3A_456 = arith.index_cast %add3A_442 : i32 to index
          %get3A_457 = arith.index_cast %mul3A_454 : i32 to index
          %get3A_458 = tpu.vector_load %arg6[%get3A_455, %get3A_456, %get3A_457] {strides = array<i32>} : memref<4x4x1024xf32, #tpu.memory_space<vmem>>, vector<1x1x16xf32>,
          %get3A_459 = vector.shape_cast %get3A_458 : vector<1x1x16xf32> to vector<16xf32>
          %swap3A = arith.constant 1 : i32
          %swap3A_460 = arith.constant 0 : i32
          %swap3A_461 = arith.index_cast %swap3A : i32 to index
          %swap3A_462 = arith.index_cast %swap3A_460 : i32 to index
          %swap3A_463 = arith.index_cast %add3A_442 : i32 to index
          %swap3A_464 = arith.index_cast %mul3A_454 : i32 to index
          %swap3A_465 = tpu.vector_load %arg5[%swap3A_461, %swap3A_462, %swap3A_463, %swap3A_464] {strides = array<i32>} : memref<4x4x4x1024xf32, #tpu.memory_space<vmem>>, vector<1x1x1x16xf32>,
          %swap3A_466 = vector.shape_cast %swap3A_465 : vector<1x1x1x16xf32> to vector<16xf32>
          %swap3A_467 = vector.shape_cast %get3A_459 : vector<16xf32> to vector<1x1x1x16xf32>
          tpu.vector_store %arg5[%swap3A_461, %swap3A_462, %swap3A_463, %swap3A_464], %swap3A_467 {add = true, strides = array<i32>} : memref<4x4x4x1024xf32, #tpu.memory_space<vmem>>, vector<1x1x1x16xf32>,
          %swap3A_468 = arith.constant 1 : i32
          %swap3A_469 = arith.constant 1 : i32
          %swap3A_470 = arith.index_cast %swap3A_468 : i32 to index
          %swap3A_471 = arith.index_cast %swap3A_469 : i32 to index
          %swap3A_472 = arith.index_cast %add3A_442 : i32 to index
          %swap3A_473 = arith.index_cast %mul3A_454 : i32 to index
          %swap3A_474 = tpu.vector_load %arg5[%swap3A_470, %swap3A_471, %swap3A_472, %swap3A_473] {strides = array<i32>} : memref<4x4x4x1024xf32, #tpu.memory_space<vmem>>, vector<1x1x1x16xf32>,
          %swap3A_475 = vector.shape_cast %swap3A_474 : vector<1x1x1x16xf32> to vector<16xf32>
          %swap3A_476 = vector.shape_cast %get3A_459 : vector<16xf32> to vector<1x1x1x16xf32>
          tpu.vector_store %arg5[%swap3A_470, %swap3A_471, %swap3A_472, %swap3A_473], %swap3A_476 {add = true, strides = array<i32>} : memref<4x4x4x1024xf32, #tpu.memory_space<vmem>>, vector<1x1x1x16xf32>,
          %swap3A_477 = arith.constant 1 : i32
          %swap3A_478 = arith.constant 2 : i32
          %swap3A_479 = arith.index_cast %swap3A_477 : i32 to index
          %swap3A_480 = arith.index_cast %swap3A_478 : i32 to index
          %swap3A_481 = arith.index_cast %add3A_442 : i32 to index
          %swap3A_482 = arith.index_cast %mul3A_454 : i32 to index
          %swap3A_483 = tpu.vector_load %arg5[%swap3A_479, %swap3A_480, %swap3A_481, %swap3A_482] {strides = array<i32>} : memref<4x4x4x1024xf32, #tpu.memory_space<vmem>>, vector<1x1x1x16xf32>,
          %swap3A_484 = vector.shape_cast %swap3A_483 : vector<1x1x1x16xf32> to vector<16xf32>
          %swap3A_485 = vector.shape_cast %get3A_459 : vector<16xf32> to vector<1x1x1x16xf32>
          tpu.vector_store %arg5[%swap3A_479, %swap3A_480, %swap3A_481, %swap3A_482], %swap3A_485 {add = true, strides = array<i32>} : memref<4x4x4x1024xf32, #tpu.memory_space<vmem>>, vector<1x1x1x16xf32>,
          %swap3A_486 = arith.constant 1 : i32
          %swap3A_487 = arith.constant 3 : i32
          %swap3A_488 = arith.index_cast %swap3A_486 : i32 to index
          %swap3A_489 = arith.index_cast %swap3A_487 : i32 to index
          %swap3A_490 = arith.index_cast %add3A_442 : i32 to index
          %swap3A_491 = arith.index_cast %mul3A_454 : i32 to index
          %swap3A_492 = tpu.vector_load %arg5[%swap3A_488, %swap3A_489, %swap3A_490, %swap3A_491] {strides = array<i32>} : memref<4x4x4x1024xf32, #tpu.memory_space<vmem>>, vector<1x1x1x16xf32>,
          %swap3A_493 = vector.shape_cast %swap3A_492 : vector<1x1x1x16xf32> to vector<16xf32>
          %swap3A_494 = vector.shape_cast %get3A_459 : vector<16xf32> to vector<1x1x1x16xf32>
          tpu.vector_store %arg5[%swap3A_488, %swap3A_489, %swap3A_490, %swap3A_491], %swap3A_494 {add = true, strides = array<i32>} : memref<4x4x4x1024xf32, #tpu.memory_space<vmem>>, vector<1x1x1x16xf32>,
          %scan3A_495 = arith.constant 1 : i32
          %scan3A_496 = arith.addi %scan3A_448, %scan3A_495 : i32
          %mul3A_497 = arith.constant 1 : i32
          %mul3A_498 = arith.muli %scan3A_496, %mul3A_497 : i32
          %add3A_499 = arith.constant 0 : i32
          %add3A_500 = arith.addi %add3A_499, %mul3A_498 : i32
          %mul3A_501 = arith.constant 16 : i32
          %mul3A_502 = arith.muli %add3A_500, %mul3A_501 : i32
          %get3A_503 = arith.constant 1 : i32
          %get3A_504 = arith.index_cast %get3A_503 : i32 to index
          %get3A_505 = arith.index_cast %add3A_442 : i32 to index
          %get3A_506 = arith.index_cast %mul3A_502 : i32 to index
          %get3A_507 = tpu.vector_load %arg6[%get3A_504, %get3A_505, %get3A_506] {strides = array<i32>} : memref<4x4x1024xf32, #tpu.memory_space<vmem>>, vector<1x1x16xf32>,
          %get3A_508 = vector.shape_cast %get3A_507 : vector<1x1x16xf32> to vector<16xf32>
          %swap3A_509 = arith.constant 1 : i32
          %swap3A_510 = arith.constant 0 : i32
          %swap3A_511 = arith.index_cast %swap3A_509 : i32 to index
          %swap3A_512 = arith.index_cast %swap3A_510 : i32 to index
          %swap3A_513 = arith.index_cast %add3A_442 : i32 to index
          %swap3A_514 = arith.index_cast %mul3A_502 : i32 to index
          %swap3A_515 = tpu.vector_load %arg5[%swap3A_511, %swap3A_512, %swap3A_513, %swap3A_514] {strides = array<i32>} : memref<4x4x4x1024xf32, #tpu.memory_space<vmem>>, vector<1x1x1x16xf32>,
          %swap3A_516 = vector.shape_cast %swap3A_515 : vector<1x1x1x16xf32> to vector<16xf32>
          %swap3A_517 = vector.shape_cast %get3A_508 : vector<16xf32> to vector<1x1x1x16xf32>
          tpu.vector_store %arg5[%swap3A_511, %swap3A_512, %swap3A_513, %swap3A_514], %swap3A_517 {add = true, strides = array<i32>} : memref<4x4x4x1024xf32, #tpu.memory_space<vmem>>, vector<1x1x1x16xf32>,
          %swap3A_518 = arith.constant 1 : i32
          %swap3A_519 = arith.constant 1 : i32
          %swap3A_520 = arith.index_cast %swap3A_518 : i32 to index
          %swap3A_521 = arith.index_cast %swap3A_519 : i32 to index
          %swap3A_522 = arith.index_cast %add3A_442 : i32 to index
          %swap3A_523 = arith.index_cast %mul3A_502 : i32 to index
          %swap3A_524 = tpu.vector_load %arg5[%swap3A_520, %swap3A_521, %swap3A_522, %swap3A_523] {strides = array<i32>} : memref<4x4x4x1024xf32, #tpu.memory_space<vmem>>, vector<1x1x1x16xf32>,
          %swap3A_525 = vector.shape_cast %swap3A_524 : vector<1x1x1x16xf32> to vector<16xf32>
          %swap3A_526 = vector.shape_cast %get3A_508 : vector<16xf32> to vector<1x1x1x16xf32>
          tpu.vector_store %arg5[%swap3A_520, %swap3A_521, %swap3A_522, %swap3A_523], %swap3A_526 {add = true, strides = array<i32>} : memref<4x4x4x1024xf32, #tpu.memory_space<vmem>>, vector<1x1x1x16xf32>,
          %swap3A_527 = arith.constant 1 : i32
          %swap3A_528 = arith.constant 2 : i32
          %swap3A_529 = arith.index_cast %swap3A_527 : i32 to index
          %swap3A_530 = arith.index_cast %swap3A_528 : i32 to index
          %swap3A_531 = arith.index_cast %add3A_442 : i32 to index
          %swap3A_532 = arith.index_cast %mul3A_502 : i32 to index
          %swap3A_533 = tpu.vector_load %arg5[%swap3A_529, %swap3A_530, %swap3A_531, %swap3A_532] {strides = array<i32>} : memref<4x4x4x1024xf32, #tpu.memory_space<vmem>>, vector<1x1x1x16xf32>,
          %swap3A_534 = vector.shape_cast %swap3A_533 : vector<1x1x1x16xf32> to vector<16xf32>
          %swap3A_535 = vector.shape_cast %get3A_508 : vector<16xf32> to vector<1x1x1x16xf32>
          tpu.vector_store %arg5[%swap3A_529, %swap3A_530, %swap3A_531, %swap3A_532], %swap3A_535 {add = true, strides = array<i32>} : memref<4x4x4x1024xf32, #tpu.memory_space<vmem>>, vector<1x1x1x16xf32>,
          %swap3A_536 = arith.constant 1 : i32
          %swap3A_537 = arith.constant 3 : i32
          %swap3A_538 = arith.index_cast %swap3A_536 : i32 to index
          %swap3A_539 = arith.index_cast %swap3A_537 : i32 to index
          %swap3A_540 = arith.index_cast %add3A_442 : i32 to index
          %swap3A_541 = arith.index_cast %mul3A_502 : i32 to index
          %swap3A_542 = tpu.vector_load %arg5[%swap3A_538, %swap3A_539, %swap3A_540, %swap3A_541] {strides = array<i32>} : memref<4x4x4x1024xf32, #tpu.memory_space<vmem>>, vector<1x1x1x16xf32>,
          %swap3A_543 = vector.shape_cast %swap3A_542 : vector<1x1x1x16xf32> to vector<16xf32>
          %swap3A_544 = vector.shape_cast %get3A_508 : vector<16xf32> to vector<1x1x1x16xf32>
          tpu.vector_store %arg5[%swap3A_538, %swap3A_539, %swap3A_540, %swap3A_541], %swap3A_544 {add = true, strides = array<i32>} : memref<4x4x4x1024xf32, #tpu.memory_space<vmem>>, vector<1x1x1x16xf32>,
          %scan3A_545 = arith.constant 2 : i32
          %scan3A_546 = arith.addi %scan3A_448, %scan3A_545 : i32
          %mul3A_547 = arith.constant 1 : i32
          %mul3A_548 = arith.muli %scan3A_546, %mul3A_547 : i32
          %add3A_549 = arith.constant 0 : i32
          %add3A_550 = arith.addi %add3A_549, %mul3A_548 : i32
          %mul3A_551 = arith.constant 16 : i32
          %mul3A_552 = arith.muli %add3A_550, %mul3A_551 : i32
          %get3A_553 = arith.constant 1 : i32
          %get3A_554 = arith.index_cast %get3A_553 : i32 to index
          %get3A_555 = arith.index_cast %add3A_442 : i32 to index
          %get3A_556 = arith.index_cast %mul3A_552 : i32 to index
          %get3A_557 = tpu.vector_load %arg6[%get3A_554, %get3A_555, %get3A_556] {strides = array<i32>} : memref<4x4x1024xf32, #tpu.memory_space<vmem>>, vector<1x1x16xf32>,
          %get3A_558 = vector.shape_cast %get3A_557 : vector<1x1x16xf32> to vector<16xf32>
          %swap3A_559 = arith.constant 1 : i32
          %swap3A_560 = arith.constant 0 : i32
          %swap3A_561 = arith.index_cast %swap3A_559 : i32 to index
          %swap3A_562 = arith.index_cast %swap3A_560 : i32 to index
          %swap3A_563 = arith.index_cast %add3A_442 : i32 to index
          %swap3A_564 = arith.index_cast %mul3A_552 : i32 to index
          %swap3A_565 = tpu.vector_load %arg5[%swap3A_561, %swap3A_562, %swap3A_563, %swap3A_564] {strides = array<i32>} : memref<4x4x4x1024xf32, #tpu.memory_space<vmem>>, vector<1x1x1x16xf32>,
          %swap3A_566 = vector.shape_cast %swap3A_565 : vector<1x1x1x16xf32> to vector<16xf32>
          %swap3A_567 = vector.shape_cast %get3A_558 : vector<16xf32> to vector<1x1x1x16xf32>
          tpu.vector_store %arg5[%swap3A_561, %swap3A_562, %swap3A_563, %swap3A_564], %swap3A_567 {add = true, strides = array<i32>} : memref<4x4x4x1024xf32, #tpu.memory_space<vmem>>, vector<1x1x1x16xf32>,
          %swap3A_568 = arith.constant 1 : i32
          %swap3A_569 = arith.constant 1 : i32
          %swap3A_570 = arith.index_cast %swap3A_568 : i32 to index
          %swap3A_571 = arith.index_cast %swap3A_569 : i32 to index
          %swap3A_572 = arith.index_cast %add3A_442 : i32 to index
          %swap3A_573 = arith.index_cast %mul3A_552 : i32 to index
          %swap3A_574 = tpu.vector_load %arg5[%swap3A_570, %swap3A_571, %swap3A_572, %swap3A_573] {strides = array<i32>} : memref<4x4x4x1024xf32, #tpu.memory_space<vmem>>, vector<1x1x1x16xf32>,
          %swap3A_575 = vector.shape_cast %swap3A_574 : vector<1x1x1x16xf32> to vector<16xf32>
          %swap3A_576 = vector.shape_cast %get3A_558 : vector<16xf32> to vector<1x1x1x16xf32>
          tpu.vector_store %arg5[%swap3A_570, %swap3A_571, %swap3A_572, %swap3A_573], %swap3A_576 {add = true, strides = array<i32>} : memref<4x4x4x1024xf32, #tpu.memory_space<vmem>>, vector<1x1x1x16xf32>,
          %swap3A_577 = arith.constant 1 : i32
          %swap3A_578 = arith.constant 2 : i32
          %swap3A_579 = arith.index_cast %swap3A_577 : i32 to index
          %swap3A_580 = arith.index_cast %swap3A_578 : i32 to index
          %swap3A_581 = arith.index_cast %add3A_442 : i32 to index
          %swap3A_582 = arith.index_cast %mul3A_552 : i32 to index
          %swap3A_583 = tpu.vector_load %arg5[%swap3A_579, %swap3A_580, %swap3A_581, %swap3A_582] {strides = array<i32>} : memref<4x4x4x1024xf32, #tpu.memory_space<vmem>>, vector<1x1x1x16xf32>,
          %swap3A_584 = vector.shape_cast %swap3A_583 : vector<1x1x1x16xf32> to vector<16xf32>
          %swap3A_585 = vector.shape_cast %get3A_558 : vector<16xf32> to vector<1x1x1x16xf32>
          tpu.vector_store %arg5[%swap3A_579, %swap3A_580, %swap3A_581, %swap3A_582], %swap3A_585 {add = true, strides = array<i32>} : memref<4x4x4x1024xf32, #tpu.memory_space<vmem>>, vector<1x1x1x16xf32>,
          %swap3A_586 = arith.constant 1 : i32
          %swap3A_587 = arith.constant 3 : i32
          %swap3A_588 = arith.index_cast %swap3A_586 : i32 to index
          %swap3A_589 = arith.index_cast %swap3A_587 : i32 to index
          %swap3A_590 = arith.index_cast %add3A_442 : i32 to index
          %swap3A_591 = arith.index_cast %mul3A_552 : i32 to index
          %swap3A_592 = tpu.vector_load %arg5[%swap3A_588, %swap3A_589, %swap3A_590, %swap3A_591] {strides = array<i32>} : memref<4x4x4x1024xf32, #tpu.memory_space<vmem>>, vector<1x1x1x16xf32>,
          %swap3A_593 = vector.shape_cast %swap3A_592 : vector<1x1x1x16xf32> to vector<16xf32>
          %swap3A_594 = vector.shape_cast %get3A_558 : vector<16xf32> to vector<1x1x1x16xf32>
          tpu.vector_store %arg5[%swap3A_588, %swap3A_589, %swap3A_590, %swap3A_591], %swap3A_594 {add = true, strides = array<i32>} : memref<4x4x4x1024xf32, #tpu.memory_space<vmem>>, vector<1x1x1x16xf32>,
          %scan3A_595 = arith.constant 3 : i32
          %scan3A_596 = arith.addi %scan3A_448, %scan3A_595 : i32
          %mul3A_597 = arith.constant 1 : i32
          %mul3A_598 = arith.muli %scan3A_596, %mul3A_597 : i32
          %add3A_599 = arith.constant 0 : i32
          %add3A_600 = arith.addi %add3A_599, %mul3A_598 : i32
          %mul3A_601 = arith.constant 16 : i32
          %mul3A_602 = arith.muli %add3A_600, %mul3A_601 : i32
          %get3A_603 = arith.constant 1 : i32
          %get3A_604 = arith.index_cast %get3A_603 : i32 to index
          %get3A_605 = arith.index_cast %add3A_442 : i32 to index
          %get3A_606 = arith.index_cast %mul3A_602 : i32 to index
          %get3A_607 = tpu.vector_load %arg6[%get3A_604, %get3A_605, %get3A_606] {strides = array<i32>} : memref<4x4x1024xf32, #tpu.memory_space<vmem>>, vector<1x1x16xf32>,
          %get3A_608 = vector.shape_cast %get3A_607 : vector<1x1x16xf32> to vector<16xf32>
          %swap3A_609 = arith.constant 1 : i32
          %swap3A_610 = arith.constant 0 : i32
          %swap3A_611 = arith.index_cast %swap3A_609 : i32 to index
          %swap3A_612 = arith.index_cast %swap3A_610 : i32 to index
          %swap3A_613 = arith.index_cast %add3A_442 : i32 to index
          %swap3A_614 = arith.index_cast %mul3A_602 : i32 to index
          %swap3A_615 = tpu.vector_load %arg5[%swap3A_611, %swap3A_612, %swap3A_613, %swap3A_614] {strides = array<i32>} : memref<4x4x4x1024xf32, #tpu.memory_space<vmem>>, vector<1x1x1x16xf32>,
          %swap3A_616 = vector.shape_cast %swap3A_615 : vector<1x1x1x16xf32> to vector<16xf32>
          %swap3A_617 = vector.shape_cast %get3A_608 : vector<16xf32> to vector<1x1x1x16xf32>
          tpu.vector_store %arg5[%swap3A_611, %swap3A_612, %swap3A_613, %swap3A_614], %swap3A_617 {add = true, strides = array<i32>} : memref<4x4x4x1024xf32, #tpu.memory_space<vmem>>, vector<1x1x1x16xf32>,
          %swap3A_618 = arith.constant 1 : i32
          %swap3A_619 = arith.constant 1 : i32
          %swap3A_620 = arith.index_cast %swap3A_618 : i32 to index
          %swap3A_621 = arith.index_cast %swap3A_619 : i32 to index
          %swap3A_622 = arith.index_cast %add3A_442 : i32 to index
          %swap3A_623 = arith.index_cast %mul3A_602 : i32 to index
          %swap3A_624 = tpu.vector_load %arg5[%swap3A_620, %swap3A_621, %swap3A_622, %swap3A_623] {strides = array<i32>} : memref<4x4x4x1024xf32, #tpu.memory_space<vmem>>, vector<1x1x1x16xf32>,
          %swap3A_625 = vector.shape_cast %swap3A_624 : vector<1x1x1x16xf32> to vector<16xf32>
          %swap3A_626 = vector.shape_cast %get3A_608 : vector<16xf32> to vector<1x1x1x16xf32>
          tpu.vector_store %arg5[%swap3A_620, %swap3A_621, %swap3A_622, %swap3A_623], %swap3A_626 {add = true, strides = array<i32>} : memref<4x4x4x1024xf32, #tpu.memory_space<vmem>>, vector<1x1x1x16xf32>,
          %swap3A_627 = arith.constant 1 : i32
          %swap3A_628 = arith.constant 2 : i32
          %swap3A_629 = arith.index_cast %swap3A_627 : i32 to index
          %swap3A_630 = arith.index_cast %swap3A_628 : i32 to index
          %swap3A_631 = arith.index_cast %add3A_442 : i32 to index
          %swap3A_632 = arith.index_cast %mul3A_602 : i32 to index
          %swap3A_633 = tpu.vector_load %arg5[%swap3A_629, %swap3A_630, %swap3A_631, %swap3A_632] {strides = array<i32>} : memref<4x4x4x1024xf32, #tpu.memory_space<vmem>>, vector<1x1x1x16xf32>,
          %swap3A_634 = vector.shape_cast %swap3A_633 : vector<1x1x1x16xf32> to vector<16xf32>
          %swap3A_635 = vector.shape_cast %get3A_608 : vector<16xf32> to vector<1x1x1x16xf32>
          tpu.vector_store %arg5[%swap3A_629, %swap3A_630, %swap3A_631, %swap3A_632], %swap3A_635 {add = true, strides = array<i32>} : memref<4x4x4x1024xf32, #tpu.memory_space<vmem>>, vector<1x1x1x16xf32>,
          %swap3A_636 = arith.constant 1 : i32
          %swap3A_637 = arith.constant 3 : i32
          %swap3A_638 = arith.index_cast %swap3A_636 : i32 to index
          %swap3A_639 = arith.index_cast %swap3A_637 : i32 to index
          %swap3A_640 = arith.index_cast %add3A_442 : i32 to index
          %swap3A_641 = arith.index_cast %mul3A_602 : i32 to index
          %swap3A_642 = tpu.vector_load %arg5[%swap3A_638, %swap3A_639, %swap3A_640, %swap3A_641] {strides = array<i32>} : memref<4x4x4x1024xf32, #tpu.memory_space<vmem>>, vector<1x1x1x16xf32>,
          %swap3A_643 = vector.shape_cast %swap3A_642 : vector<1x1x1x16xf32> to vector<16xf32>
          %swap3A_644 = vector.shape_cast %get3A_608 : vector<16xf32> to vector<1x1x1x16xf32>
          tpu.vector_store %arg5[%swap3A_638, %swap3A_639, %swap3A_640, %swap3A_641], %swap3A_644 {add = true, strides = array<i32>} : memref<4x4x4x1024xf32, #tpu.memory_space<vmem>>, vector<1x1x1x16xf32>,
          %scan3A_645 = arith.constant 4 : i32
          %scan3A_646 = arith.addi %scan3A_448, %scan3A_645 : i32
          %mul3A_647 = arith.constant 1 : i32
          %mul3A_648 = arith.muli %scan3A_646, %mul3A_647 : i32
          %add3A_649 = arith.constant 0 : i32
          %add3A_650 = arith.addi %add3A_649, %mul3A_648 : i32
          %mul3A_651 = arith.constant 16 : i32
          %mul3A_652 = arith.muli %add3A_650, %mul3A_651 : i32
          %get3A_653 = arith.constant 1 : i32
          %get3A_654 = arith.index_cast %get3A_653 : i32 to index
          %get3A_655 = arith.index_cast %add3A_442 : i32 to index
          %get3A_656 = arith.index_cast %mul3A_652 : i32 to index
          %get3A_657 = tpu.vector_load %arg6[%get3A_654, %get3A_655, %get3A_656] {strides = array<i32>} : memref<4x4x1024xf32, #tpu.memory_space<vmem>>, vector<1x1x16xf32>,
          %get3A_658 = vector.shape_cast %get3A_657 : vector<1x1x16xf32> to vector<16xf32>
          %swap3A_659 = arith.constant 1 : i32
          %swap3A_660 = arith.constant 0 : i32
          %swap3A_661 = arith.index_cast %swap3A_659 : i32 to index
          %swap3A_662 = arith.index_cast %swap3A_660 : i32 to index
          %swap3A_663 = arith.index_cast %add3A_442 : i32 to index
          %swap3A_664 = arith.index_cast %mul3A_652 : i32 to index
          %swap3A_665 = tpu.vector_load %arg5[%swap3A_661, %swap3A_662, %swap3A_663, %swap3A_664] {strides = array<i32>} : memref<4x4x4x1024xf32, #tpu.memory_space<vmem>>, vector<1x1x1x16xf32>,
          %swap3A_666 = vector.shape_cast %swap3A_665 : vector<1x1x1x16xf32> to vector<16xf32>
          %swap3A_667 = vector.shape_cast %get3A_658 : vector<16xf32> to vector<1x1x1x16xf32>
          tpu.vector_store %arg5[%swap3A_661, %swap3A_662, %swap3A_663, %swap3A_664], %swap3A_667 {add = true, strides = array<i32>} : memref<4x4x4x1024xf32, #tpu.memory_space<vmem>>, vector<1x1x1x16xf32>,
          %swap3A_668 = arith.constant 1 : i32
          %swap3A_669 = arith.constant 1 : i32
          %swap3A_670 = arith.index_cast %swap3A_668 : i32 to index
          %swap3A_671 = arith.index_cast %swap3A_669 : i32 to index
          %swap3A_672 = arith.index_cast %add3A_442 : i32 to index
          %swap3A_673 = arith.index_cast %mul3A_652 : i32 to index
          %swap3A_674 = tpu.vector_load %arg5[%swap3A_670, %swap3A_671, %swap3A_672, %swap3A_673] {strides = array<i32>} : memref<4x4x4x1024xf32, #tpu.memory_space<vmem>>, vector<1x1x1x16xf32>,
          %swap3A_675 = vector.shape_cast %swap3A_674 : vector<1x1x1x16xf32> to vector<16xf32>
          %swap3A_676 = vector.shape_cast %get3A_658 : vector<16xf32> to vector<1x1x1x16xf32>
          tpu.vector_store %arg5[%swap3A_670, %swap3A_671, %swap3A_672, %swap3A_673], %swap3A_676 {add = true, strides = array<i32>} : memref<4x4x4x1024xf32, #tpu.memory_space<vmem>>, vector<1x1x1x16xf32>,
          %swap3A_677 = arith.constant 1 : i32
          %swap3A_678 = arith.constant 2 : i32
          %swap3A_679 = arith.index_cast %swap3A_677 : i32 to index
          %swap3A_680 = arith.index_cast %swap3A_678 : i32 to index
          %swap3A_681 = arith.index_cast %add3A_442 : i32 to index
          %swap3A_682 = arith.index_cast %mul3A_652 : i32 to index
          %swap3A_683 = tpu.vector_load %arg5[%swap3A_679, %swap3A_680, %swap3A_681, %swap3A_682] {strides = array<i32>} : memref<4x4x4x1024xf32, #tpu.memory_space<vmem>>, vector<1x1x1x16xf32>,
          %swap3A_684 = vector.shape_cast %swap3A_683 : vector<1x1x1x16xf32> to vector<16xf32>
          %swap3A_685 = vector.shape_cast %get3A_658 : vector<16xf32> to vector<1x1x1x16xf32>
          tpu.vector_store %arg5[%swap3A_679, %swap3A_680, %swap3A_681, %swap3A_682], %swap3A_685 {add = true, strides = array<i32>} : memref<4x4x4x1024xf32, #tpu.memory_space<vmem>>, vector<1x1x1x16xf32>,
          %swap3A_686 = arith.constant 1 : i32
          %swap3A_687 = arith.constant 3 : i32
          %swap3A_688 = arith.index_cast %swap3A_686 : i32 to index
          %swap3A_689 = arith.index_cast %swap3A_687 : i32 to index
          %swap3A_690 = arith.index_cast %add3A_442 : i32 to index
          %swap3A_691 = arith.index_cast %mul3A_652 : i32 to index
          %swap3A_692 = tpu.vector_load %arg5[%swap3A_688, %swap3A_689, %swap3A_690, %swap3A_691] {strides = array<i32>} : memref<4x4x4x1024xf32, #tpu.memory_space<vmem>>, vector<1x1x1x16xf32>,
          %swap3A_693 = vector.shape_cast %swap3A_692 : vector<1x1x1x16xf32> to vector<16xf32>
          %swap3A_694 = vector.shape_cast %get3A_658 : vector<16xf32> to vector<1x1x1x16xf32>
          tpu.vector_store %arg5[%swap3A_688, %swap3A_689, %swap3A_690, %swap3A_691], %swap3A_694 {add = true, strides = array<i32>} : memref<4x4x4x1024xf32, #tpu.memory_space<vmem>>, vector<1x1x1x16xf32>,
          %scan3A_695 = arith.constant 5 : i32
          %scan3A_696 = arith.addi %scan3A_448, %scan3A_695 : i32
          %mul3A_697 = arith.constant 1 : i32
          %mul3A_698 = arith.muli %scan3A_696, %mul3A_697 : i32
          %add3A_699 = arith.constant 0 : i32
          %add3A_700 = arith.addi %add3A_699, %mul3A_698 : i32
          %mul3A_701 = arith.constant 16 : i32
          %mul3A_702 = arith.muli %add3A_700, %mul3A_701 : i32
          %get3A_703 = arith.constant 1 : i32
          %get3A_704 = arith.index_cast %get3A_703 : i32 to index
          %get3A_705 = arith.index_cast %add3A_442 : i32 to index
          %get3A_706 = arith.index_cast %mul3A_702 : i32 to index
          %get3A_707 = tpu.vector_load %arg6[%get3A_704, %get3A_705, %get3A_706] {strides = array<i32>} : memref<4x4x1024xf32, #tpu.memory_space<vmem>>, vector<1x1x16xf32>,
          %get3A_708 = vector.shape_cast %get3A_707 : vector<1x1x16xf32> to vector<16xf32>
          %swap3A_709 = arith.constant 1 : i32
          %swap3A_710 = arith.constant 0 : i32
          %swap3A_711 = arith.index_cast %swap3A_709 : i32 to index
          %swap3A_712 = arith.index_cast %swap3A_710 : i32 to index
          %swap3A_713 = arith.index_cast %add3A_442 : i32 to index
          %swap3A_714 = arith.index_cast %mul3A_702 : i32 to index
          %swap3A_715 = tpu.vector_load %arg5[%swap3A_711, %swap3A_712, %swap3A_713, %swap3A_714] {strides = array<i32>} : memref<4x4x4x1024xf32, #tpu.memory_space<vmem>>, vector<1x1x1x16xf32>,
          %swap3A_716 = vector.shape_cast %swap3A_715 : vector<1x1x1x16xf32> to vector<16xf32>
          %swap3A_717 = vector.shape_cast %get3A_708 : vector<16xf32> to vector<1x1x1x16xf32>
          tpu.vector_store %arg5[%swap3A_711, %swap3A_712, %swap3A_713, %swap3A_714], %swap3A_717 {add = true, strides = array<i32>} : memref<4x4x4x1024xf32, #tpu.memory_space<vmem>>, vector<1x1x1x16xf32>,
          %swap3A_718 = arith.constant 1 : i32
          %swap3A_719 = arith.constant 1 : i32
          %swap3A_720 = arith.index_cast %swap3A_718 : i32 to index
          %swap3A_721 = arith.index_cast %swap3A_719 : i32 to index
          %swap3A_722 = arith.index_cast %add3A_442 : i32 to index
          %swap3A_723 = arith.index_cast %mul3A_702 : i32 to index
          %swap3A_724 = tpu.vector_load %arg5[%swap3A_720, %swap3A_721, %swap3A_722, %swap3A_723] {strides = array<i32>} : memref<4x4x4x1024xf32, #tpu.memory_space<vmem>>, vector<1x1x1x16xf32>,
          %swap3A_725 = vector.shape_cast %swap3A_724 : vector<1x1x1x16xf32> to vector<16xf32>
          %swap3A_726 = vector.shape_cast %get3A_708 : vector<16xf32> to vector<1x1x1x16xf32>
          tpu.vector_store %arg5[%swap3A_720, %swap3A_721, %swap3A_722, %swap3A_723], %swap3A_726 {add = true, strides = array<i32>} : memref<4x4x4x1024xf32, #tpu.memory_space<vmem>>, vector<1x1x1x16xf32>,
          %swap3A_727 = arith.constant 1 : i32
          %swap3A_728 = arith.constant 2 : i32
          %swap3A_729 = arith.index_cast %swap3A_727 : i32 to index
          %swap3A_730 = arith.index_cast %swap3A_728 : i32 to index
          %swap3A_731 = arith.index_cast %add3A_442 : i32 to index
          %swap3A_732 = arith.index_cast %mul3A_702 : i32 to index
          %swap3A_733 = tpu.vector_load %arg5[%swap3A_729, %swap3A_730, %swap3A_731, %swap3A_732] {strides = array<i32>} : memref<4x4x4x1024xf32, #tpu.memory_space<vmem>>, vector<1x1x1x16xf32>,
          %swap3A_734 = vector.shape_cast %swap3A_733 : vector<1x1x1x16xf32> to vector<16xf32>
          %swap3A_735 = vector.shape_cast %get3A_708 : vector<16xf32> to vector<1x1x1x16xf32>
          tpu.vector_store %arg5[%swap3A_729, %swap3A_730, %swap3A_731, %swap3A_732], %swap3A_735 {add = true, strides = array<i32>} : memref<4x4x4x1024xf32, #tpu.memory_space<vmem>>, vector<1x1x1x16xf32>,
          %swap3A_736 = arith.constant 1 : i32
          %swap3A_737 = arith.constant 3 : i32
          %swap3A_738 = arith.index_cast %swap3A_736 : i32 to index
          %swap3A_739 = arith.index_cast %swap3A_737 : i32 to index
          %swap3A_740 = arith.index_cast %add3A_442 : i32 to index
          %swap3A_741 = arith.index_cast %mul3A_702 : i32 to index
          %swap3A_742 = tpu.vector_load %arg5[%swap3A_738, %swap3A_739, %swap3A_740, %swap3A_741] {strides = array<i32>} : memref<4x4x4x1024xf32, #tpu.memory_space<vmem>>, vector<1x1x1x16xf32>,
          %swap3A_743 = vector.shape_cast %swap3A_742 : vector<1x1x1x16xf32> to vector<16xf32>
          %swap3A_744 = vector.shape_cast %get3A_708 : vector<16xf32> to vector<1x1x1x16xf32>
          tpu.vector_store %arg5[%swap3A_738, %swap3A_739, %swap3A_740, %swap3A_741], %swap3A_744 {add = true, strides = array<i32>} : memref<4x4x4x1024xf32, #tpu.memory_space<vmem>>, vector<1x1x1x16xf32>,
          %scan3A_745 = arith.constant 6 : i32
          %scan3A_746 = arith.addi %scan3A_448, %scan3A_745 : i32
          %mul3A_747 = arith.constant 1 : i32
          %mul3A_748 = arith.muli %scan3A_746, %mul3A_747 : i32
          %add3A_749 = arith.constant 0 : i32
          %add3A_750 = arith.addi %add3A_749, %mul3A_748 : i32
          %mul3A_751 = arith.constant 16 : i32
          %mul3A_752 = arith.muli %add3A_750, %mul3A_751 : i32
          %get3A_753 = arith.constant 1 : i32
          %get3A_754 = arith.index_cast %get3A_753 : i32 to index
          %get3A_755 = arith.index_cast %add3A_442 : i32 to index
          %get3A_756 = arith.index_cast %mul3A_752 : i32 to index
          %get3A_757 = tpu.vector_load %arg6[%get3A_754, %get3A_755, %get3A_756] {strides = array<i32>} : memref<4x4x1024xf32, #tpu.memory_space<vmem>>, vector<1x1x16xf32>,
          %get3A_758 = vector.shape_cast %get3A_757 : vector<1x1x16xf32> to vector<16xf32>
          %swap3A_759 = arith.constant 1 : i32
          %swap3A_760 = arith.constant 0 : i32
          %swap3A_761 = arith.index_cast %swap3A_759 : i32 to index
          %swap3A_762 = arith.index_cast %swap3A_760 : i32 to index
          %swap3A_763 = arith.index_cast %add3A_442 : i32 to index
          %swap3A_764 = arith.index_cast %mul3A_752 : i32 to index
          %swap3A_765 = tpu.vector_load %arg5[%swap3A_761, %swap3A_762, %swap3A_763, %swap3A_764] {strides = array<i32>} : memref<4x4x4x1024xf32, #tpu.memory_space<vmem>>, vector<1x1x1x16xf32>,
          %swap3A_766 = vector.shape_cast %swap3A_765 : vector<1x1x1x16xf32> to vector<16xf32>
          %swap3A_767 = vector.shape_cast %get3A_758 : vector<16xf32> to vector<1x1x1x16xf32>
          tpu.vector_store %arg5[%swap3A_761, %swap3A_762, %swap3A_763, %swap3A_764], %swap3A_767 {add = true, strides = array<i32>} : memref<4x4x4x1024xf32, #tpu.memory_space<vmem>>, vector<1x1x1x16xf32>,
          %swap3A_768 = arith.constant 1 : i32
          %swap3A_769 = arith.constant 1 : i32
          %swap3A_770 = arith.index_cast %swap3A_768 : i32 to index
          %swap3A_771 = arith.index_cast %swap3A_769 : i32 to index
          %swap3A_772 = arith.index_cast %add3A_442 : i32 to index
          %swap3A_773 = arith.index_cast %mul3A_752 : i32 to index
          %swap3A_774 = tpu.vector_load %arg5[%swap3A_770, %swap3A_771, %swap3A_772, %swap3A_773] {strides = array<i32>} : memref<4x4x4x1024xf32, #tpu.memory_space<vmem>>, vector<1x1x1x16xf32>,
          %swap3A_775 = vector.shape_cast %swap3A_774 : vector<1x1x1x16xf32> to vector<16xf32>
          %swap3A_776 = vector.shape_cast %get3A_758 : vector<16xf32> to vector<1x1x1x16xf32>
          tpu.vector_store %arg5[%swap3A_770, %swap3A_771, %swap3A_772, %swap3A_773], %swap3A_776 {add = true, strides = array<i32>} : memref<4x4x4x1024xf32, #tpu.memory_space<vmem>>, vector<1x1x1x16xf32>,
          %swap3A_777 = arith.constant 1 : i32
          %swap3A_778 = arith.constant 2 : i32
          %swap3A_779 = arith.index_cast %swap3A_777 : i32 to index
          %swap3A_780 = arith.index_cast %swap3A_778 : i32 to index
          %swap3A_781 = arith.index_cast %add3A_442 : i32 to index
          %swap3A_782 = arith.index_cast %mul3A_752 : i32 to index
          %swap3A_783 = tpu.vector_load %arg5[%swap3A_779, %swap3A_780, %swap3A_781, %swap3A_782] {strides = array<i32>} : memref<4x4x4x1024xf32, #tpu.memory_space<vmem>>, vector<1x1x1x16xf32>,
          %swap3A_784 = vector.shape_cast %swap3A_783 : vector<1x1x1x16xf32> to vector<16xf32>
          %swap3A_785 = vector.shape_cast %get3A_758 : vector<16xf32> to vector<1x1x1x16xf32>
          tpu.vector_store %arg5[%swap3A_779, %swap3A_780, %swap3A_781, %swap3A_782], %swap3A_785 {add = true, strides = array<i32>} : memref<4x4x4x1024xf32, #tpu.memory_space<vmem>>, vector<1x1x1x16xf32>,
          %swap3A_786 = arith.constant 1 : i32
          %swap3A_787 = arith.constant 3 : i32
          %swap3A_788 = arith.index_cast %swap3A_786 : i32 to index
          %swap3A_789 = arith.index_cast %swap3A_787 : i32 to index
          %swap3A_790 = arith.index_cast %add3A_442 : i32 to index
          %swap3A_791 = arith.index_cast %mul3A_752 : i32 to index
          %swap3A_792 = tpu.vector_load %arg5[%swap3A_788, %swap3A_789, %swap3A_790, %swap3A_791] {strides = array<i32>} : memref<4x4x4x1024xf32, #tpu.memory_space<vmem>>, vector<1x1x1x16xf32>,
          %swap3A_793 = vector.shape_cast %swap3A_792 : vector<1x1x1x16xf32> to vector<16xf32>
          %swap3A_794 = vector.shape_cast %get3A_758 : vector<16xf32> to vector<1x1x1x16xf32>
          tpu.vector_store %arg5[%swap3A_788, %swap3A_789, %swap3A_790, %swap3A_791], %swap3A_794 {add = true, strides = array<i32>} : memref<4x4x4x1024xf32, #tpu.memory_space<vmem>>, vector<1x1x1x16xf32>,
          %scan3A_795 = arith.constant 7 : i32
          %scan3A_796 = arith.addi %scan3A_448, %scan3A_795 : i32
          %mul3A_797 = arith.constant 1 : i32
          %mul3A_798 = arith.muli %scan3A_796, %mul3A_797 : i32
          %add3A_799 = arith.constant 0 : i32
          %add3A_800 = arith.addi %add3A_799, %mul3A_798 : i32
          %mul3A_801 = arith.constant 16 : i32
          %mul3A_802 = arith.muli %add3A_800, %mul3A_801 : i32
          %get3A_803 = arith.constant 1 : i32
          %get3A_804 = arith.index_cast %get3A_803 : i32 to index
          %get3A_805 = arith.index_cast %add3A_442 : i32 to index
          %get3A_806 = arith.index_cast %mul3A_802 : i32 to index
          %get3A_807 = tpu.vector_load %arg6[%get3A_804, %get3A_805, %get3A_806] {strides = array<i32>} : memref<4x4x1024xf32, #tpu.memory_space<vmem>>, vector<1x1x16xf32>,
          %get3A_808 = vector.shape_cast %get3A_807 : vector<1x1x16xf32> to vector<16xf32>
          %swap3A_809 = arith.constant 1 : i32
          %swap3A_810 = arith.constant 0 : i32
          %swap3A_811 = arith.index_cast %swap3A_809 : i32 to index
          %swap3A_812 = arith.index_cast %swap3A_810 : i32 to index
          %swap3A_813 = arith.index_cast %add3A_442 : i32 to index
          %swap3A_814 = arith.index_cast %mul3A_802 : i32 to index
          %swap3A_815 = tpu.vector_load %arg5[%swap3A_811, %swap3A_812, %swap3A_813, %swap3A_814] {strides = array<i32>} : memref<4x4x4x1024xf32, #tpu.memory_space<vmem>>, vector<1x1x1x16xf32>,
          %swap3A_816 = vector.shape_cast %swap3A_815 : vector<1x1x1x16xf32> to vector<16xf32>
          %swap3A_817 = vector.shape_cast %get3A_808 : vector<16xf32> to vector<1x1x1x16xf32>
          tpu.vector_store %arg5[%swap3A_811, %swap3A_812, %swap3A_813, %swap3A_814], %swap3A_817 {add = true, strides = array<i32>} : memref<4x4x4x1024xf32, #tpu.memory_space<vmem>>, vector<1x1x1x16xf32>,
          %swap3A_818 = arith.constant 1 : i32
          %swap3A_819 = arith.constant 1 : i32
          %swap3A_820 = arith.index_cast %swap3A_818 : i32 to index
          %swap3A_821 = arith.index_cast %swap3A_819 : i32 to index
          %swap3A_822 = arith.index_cast %add3A_442 : i32 to index
          %swap3A_823 = arith.index_cast %mul3A_802 : i32 to index
          %swap3A_824 = tpu.vector_load %arg5[%swap3A_820, %swap3A_821, %swap3A_822, %swap3A_823] {strides = array<i32>} : memref<4x4x4x1024xf32, #tpu.memory_space<vmem>>, vector<1x1x1x16xf32>,
          %swap3A_825 = vector.shape_cast %swap3A_824 : vector<1x1x1x16xf32> to vector<16xf32>
          %swap3A_826 = vector.shape_cast %get3A_808 : vector<16xf32> to vector<1x1x1x16xf32>
          tpu.vector_store %arg5[%swap3A_820, %swap3A_821, %swap3A_822, %swap3A_823], %swap3A_826 {add = true, strides = array<i32>} : memref<4x4x4x1024xf32, #tpu.memory_space<vmem>>, vector<1x1x1x16xf32>,
          %swap3A_827 = arith.constant 1 : i32
          %swap3A_828 = arith.constant 2 : i32
          %swap3A_829 = arith.index_cast %swap3A_827 : i32 to index
          %swap3A_830 = arith.index_cast %swap3A_828 : i32 to index
          %swap3A_831 = arith.index_cast %add3A_442 : i32 to index
          %swap3A_832 = arith.index_cast %mul3A_802 : i32 to index
          %swap3A_833 = tpu.vector_load %arg5[%swap3A_829, %swap3A_830, %swap3A_831, %swap3A_832] {strides = array<i32>} : memref<4x4x4x1024xf32, #tpu.memory_space<vmem>>, vector<1x1x1x16xf32>,
          %swap3A_834 = vector.shape_cast %swap3A_833 : vector<1x1x1x16xf32> to vector<16xf32>
          %swap3A_835 = vector.shape_cast %get3A_808 : vector<16xf32> to vector<1x1x1x16xf32>
          tpu.vector_store %arg5[%swap3A_829, %swap3A_830, %swap3A_831, %swap3A_832], %swap3A_835 {add = true, strides = array<i32>} : memref<4x4x4x1024xf32, #tpu.memory_space<vmem>>, vector<1x1x1x16xf32>,
          %swap3A_836 = arith.constant 1 : i32
          %swap3A_837 = arith.constant 3 : i32
          %swap3A_838 = arith.index_cast %swap3A_836 : i32 to index
          %swap3A_839 = arith.index_cast %swap3A_837 : i32 to index
          %swap3A_840 = arith.index_cast %add3A_442 : i32 to index
          %swap3A_841 = arith.index_cast %mul3A_802 : i32 to index
          %swap3A_842 = tpu.vector_load %arg5[%swap3A_838, %swap3A_839, %swap3A_840, %swap3A_841] {strides = array<i32>} : memref<4x4x4x1024xf32, #tpu.memory_space<vmem>>, vector<1x1x1x16xf32>,
          %swap3A_843 = vector.shape_cast %swap3A_842 : vector<1x1x1x16xf32> to vector<16xf32>
          %swap3A_844 = vector.shape_cast %get3A_808 : vector<16xf32> to vector<1x1x1x16xf32>
          tpu.vector_store %arg5[%swap3A_838, %swap3A_839, %swap3A_840, %swap3A_841], %swap3A_844 {add = true, strides = array<i32>} : memref<4x4x4x1024xf32, #tpu.memory_space<vmem>>, vector<1x1x1x16xf32>,
        }
        %scan3A_447 = arith.constant 64 : i32
      }
      %scan3A_258 = arith.constant 4 : i32
      %mul3A_259 = arith.constant 4 : i32
      %mul3A_260 = arith.muli %add3A_205, %mul3A_259 : i32
      %add3A_261 = arith.addi %mul3A_2, %mul3A_260 : i32
      %dma_start3A_262 = arith.constant 1 : i32
      %dma_start3A_263 = arith.constant 1 : i32
      %dma_start3A_264 = arith.constant 0 : i32
      %dma_start3A_265 = arith.constant 0 : i32
      %dma_start3A_266 = arith.constant 0 : i32
      %dma_start3A_267 = tpu.memref_slice %arg5[%dma_start3A_262, %dma_start3A_264, %dma_start3A_265, %dma_start3A_266] : memref<4x4x4x1024xf32, #tpu.memory_space<vmem>> -> memref<1x4x4x1024xf32, #tpu.memory_space<vmem>>
      %dma_start3A_268 = tpu.memref_squeeze %dma_start3A_267 : memref<1x4x4x1024xf32, #tpu.memory_space<vmem>> -> memref<4x4x1024xf32, #tpu.memory_space<vmem>>
      %dma_start3A_269 = arith.constant 0 : i32
      %dma_start3A_270 = arith.constant 0 : i32
      %dma_start3A_271 = tpu.memref_slice %arg4[%dma_start3A_269, %add3A_261, %dma_start3A_270] : memref<4x4096x1024xf32, #tpu.memory_space<hbm>> -> memref<4x4x1024xf32, #tpu.memory_space<hbm>>
      %dma_start3A_272 = tpu.memref_slice %arg9[%dma_start3A_263] : memref<4x!tpu.dma_semaphore, #tpu.memory_space<semaphore_mem>> -> memref<1x!tpu.dma_semaphore, #tpu.memory_space<semaphore_mem>>
      %dma_start3A_273 = tpu.memref_squeeze %dma_start3A_272 : memref<1x!tpu.dma_semaphore, #tpu.memory_space<semaphore_mem>> -> memref<!tpu.dma_semaphore, #tpu.memory_space<semaphore_mem>>
      %dma_start3A_274 = arith.constant 0 : i32
      %dma_start3A_275 = arith.constant 0 : i32
      %dma_start3A_276 = tpu.memref_slice %arg4[%dma_start3A_274, %add3A_261, %dma_start3A_275] : memref<4x4096x1024xf32, #tpu.memory_space<hbm>> -> memref<4x4x1024xf32, #tpu.memory_space<hbm>>
      %dma_start3A_277 = arith.constant 0 : i32
      %dma_start3A_278 = arith.constant 0 : i32
      %dma_start3A_279 = arith.constant 0 : i32
      %dma_start3A_280 = tpu.memref_slice %arg5[%dma_start3A_262, %dma_start3A_277, %dma_start3A_278, %dma_start3A_279] : memref<4x4x4x1024xf32, #tpu.memory_space<vmem>> -> memref<1x4x4x1024xf32, #tpu.memory_space<vmem>>
      %dma_start3A_281 = tpu.memref_squeeze %dma_start3A_280 : memref<1x4x4x1024xf32, #tpu.memory_space<vmem>> -> memref<4x4x1024xf32, #tpu.memory_space<vmem>>
      tpu.enqueue_dma source(%dma_start3A_281 : memref<4x4x1024xf32, #tpu.memory_space<vmem>>) target(%dma_start3A_276 : memref<4x4x1024xf32, #tpu.memory_space<hbm>>) target_semaphore(%dma_start3A_273 : memref<!tpu.dma_semaphore, #tpu.memory_space<semaphore_mem>>)
      %add3A_282 = arith.constant 2 : i32
      %add3A_283 = arith.addi %add3A_129, %add3A_282 : i32
      %ge3A_284 = arith.constant 2 : i32
      %ge3A_285 = arith.cmpi sge, %add3A_283, %ge3A_284 : i32
      %convert_element_type3A_286 = arith.extui %ge3A_285 : i1 to i32
      %cond3A_287 = arith.constant 0 : i32
      %cond3A_288 = arith.cmpi ne, %convert_element_type3A_286, %cond3A_287 : i32
      scf.if %cond3A_288 {
        %dma_wait3A_438 = arith.constant 0 : i32
        %dma_wait3A_439 = arith.constant 0 : i32
        %dma_wait3A_440 = arith.constant 0 : i32
        %dma_wait3A_441 = arith.constant 0 : i32
        %dma_wait3A_442 = arith.constant 0 : i32
        %dma_wait3A_443 = tpu.memref_slice %arg5[%dma_wait3A_438, %dma_wait3A_440, %dma_wait3A_441, %dma_wait3A_442] : memref<4x4x4x1024xf32, #tpu.memory_space<vmem>> -> memref<1x4x4x1024xf32, #tpu.memory_space<vmem>>
        %dma_wait3A_444 = tpu.memref_squeeze %dma_wait3A_443 : memref<1x4x4x1024xf32, #tpu.memory_space<vmem>> -> memref<4x4x1024xf32, #tpu.memory_space<vmem>>
        %dma_wait3A_445 = arith.constant 0 : i32
        %dma_wait3A_446 = arith.constant 0 : i32
        %dma_wait3A_447 = tpu.memref_slice %arg4[%dma_wait3A_445, %mul3A_2, %dma_wait3A_446] : memref<4x4096x1024xf32, #tpu.memory_space<hbm>> -> memref<4x4x1024xf32, #tpu.memory_space<hbm>>
        %dma_wait3A_448 = tpu.memref_slice %arg9[%dma_wait3A_439] : memref<4x!tpu.dma_semaphore, #tpu.memory_space<semaphore_mem>> -> memref<1x!tpu.dma_semaphore, #tpu.memory_space<semaphore_mem>>
        %dma_wait3A_449 = tpu.memref_squeeze %dma_wait3A_448 : memref<1x!tpu.dma_semaphore, #tpu.memory_space<semaphore_mem>> -> memref<!tpu.dma_semaphore, #tpu.memory_space<semaphore_mem>>
        %dma_wait3A_450 = arith.constant 0 : i32
        %dma_wait3A_451 = arith.constant 0 : i32
        %dma_wait3A_452 = tpu.memref_slice %arg4[%dma_wait3A_450, %mul3A_2, %dma_wait3A_451] : memref<4x4096x1024xf32, #tpu.memory_space<hbm>> -> memref<4x4x1024xf32, #tpu.memory_space<hbm>>
        %dma_wait3A_453 = arith.constant 0 : i32
        %dma_wait3A_454 = arith.constant 0 : i32
        %dma_wait3A_455 = arith.constant 0 : i32
        %dma_wait3A_456 = tpu.memref_slice %arg5[%dma_wait3A_438, %dma_wait3A_453, %dma_wait3A_454, %dma_wait3A_455] : memref<4x4x4x1024xf32, #tpu.memory_space<vmem>> -> memref<1x4x4x1024xf32, #tpu.memory_space<vmem>>
        %dma_wait3A_457 = tpu.memref_squeeze %dma_wait3A_456 : memref<1x4x4x1024xf32, #tpu.memory_space<vmem>> -> memref<4x4x1024xf32, #tpu.memory_space<vmem>>
        tpu.wait_dma2 semaphore(%dma_wait3A_449 : memref<!tpu.dma_semaphore, #tpu.memory_space<semaphore_mem>>) src(%dma_wait3A_457 : memref<4x4x1024xf32, #tpu.memory_space<vmem>>) dst(%dma_wait3A_452 : memref<4x4x1024xf32, #tpu.memory_space<hbm>>)
      } else {
      }
      %add3A_289 = arith.constant 2 : i32
      %add3A_290 = arith.addi %add3A_283, %add3A_289 : i32
      %lt3A_291 = arith.constant 32 : i32
      %lt3A_292 = arith.cmpi slt, %add3A_290, %lt3A_291 : i32
      %convert_element_type3A_293 = arith.extui %lt3A_292 : i1 to i32
      %cond3A_294 = arith.constant 0 : i32
      %cond3A_295 = arith.cmpi ne, %convert_element_type3A_293, %cond3A_294 : i32
      scf.if %cond3A_295 {
        %add3A_438 = arith.constant 2 : i32
        %add3A_439 = arith.addi %add3A_283, %add3A_438 : i32
        %mul3A_440 = arith.constant 4 : i32
        %mul3A_441 = arith.muli %add3A_439, %mul3A_440 : i32
        %add3A_442 = arith.addi %mul3A_2, %mul3A_441 : i32
        %dma_start3A_443 = arith.constant 0 : i32
        %dma_start3A_444 = arith.constant 0 : i32
        %dma_start3A_445 = arith.constant 0 : i32
        %dma_start3A_446 = arith.constant 0 : i32
        %dma_start3A_447 = arith.constant 0 : i32
        %dma_start3A_448 = tpu.memref_slice %arg5[%dma_start3A_443, %dma_start3A_445, %dma_start3A_446, %dma_start3A_447] : memref<4x4x4x1024xf32, #tpu.memory_space<vmem>> -> memref<1x4x4x1024xf32, #tpu.memory_space<vmem>>
        %dma_start3A_449 = tpu.memref_squeeze %dma_start3A_448 : memref<1x4x4x1024xf32, #tpu.memory_space<vmem>> -> memref<4x4x1024xf32, #tpu.memory_space<vmem>>
        %dma_start3A_450 = arith.constant 0 : i32
        %dma_start3A_451 = arith.constant 0 : i32
        %dma_start3A_452 = tpu.memref_slice %arg2[%dma_start3A_450, %add3A_442, %dma_start3A_451] : memref<4x4096x1024xf32, #tpu.memory_space<hbm>> -> memref<4x4x1024xf32, #tpu.memory_space<hbm>>
        %dma_start3A_453 = tpu.memref_slice %arg7[%dma_start3A_444] : memref<4x!tpu.dma_semaphore, #tpu.memory_space<semaphore_mem>> -> memref<1x!tpu.dma_semaphore, #tpu.memory_space<semaphore_mem>>
        %dma_start3A_454 = tpu.memref_squeeze %dma_start3A_453 : memref<1x!tpu.dma_semaphore, #tpu.memory_space<semaphore_mem>> -> memref<!tpu.dma_semaphore, #tpu.memory_space<semaphore_mem>>
        %dma_start3A_455 = arith.constant 0 : i32
        %dma_start3A_456 = arith.constant 0 : i32
        %dma_start3A_457 = arith.constant 0 : i32
        %dma_start3A_458 = tpu.memref_slice %arg5[%dma_start3A_443, %dma_start3A_455, %dma_start3A_456, %dma_start3A_457] : memref<4x4x4x1024xf32, #tpu.memory_space<vmem>> -> memref<1x4x4x1024xf32, #tpu.memory_space<vmem>>
        %dma_start3A_459 = tpu.memref_squeeze %dma_start3A_458 : memref<1x4x4x1024xf32, #tpu.memory_space<vmem>> -> memref<4x4x1024xf32, #tpu.memory_space<vmem>>
        %dma_start3A_460 = arith.constant 0 : i32
        %dma_start3A_461 = arith.constant 0 : i32
        %dma_start3A_462 = tpu.memref_slice %arg2[%dma_start3A_460, %add3A_442, %dma_start3A_461] : memref<4x4096x1024xf32, #tpu.memory_space<hbm>> -> memref<4x4x1024xf32, #tpu.memory_space<hbm>>
        tpu.enqueue_dma source(%dma_start3A_462 : memref<4x4x1024xf32, #tpu.memory_space<hbm>>) target(%dma_start3A_459 : memref<4x4x1024xf32, #tpu.memory_space<vmem>>) target_semaphore(%dma_start3A_454 : memref<!tpu.dma_semaphore, #tpu.memory_space<semaphore_mem>>)
        %add3A_463 = arith.constant 2 : i32
        %add3A_464 = arith.addi %add3A_283, %add3A_463 : i32
        %mul3A_465 = arith.constant 4 : i32
        %mul3A_466 = arith.muli %add3A_464, %mul3A_465 : i32
        %add3A_467 = arith.addi %mul3A_2, %mul3A_466 : i32
        %dma_start3A_468 = arith.constant 0 : i32
        %dma_start3A_469 = arith.constant 0 : i32
        %dma_start3A_470 = arith.constant 0 : i32
        %dma_start3A_471 = arith.constant 0 : i32
        %dma_start3A_472 = tpu.memref_slice %arg6[%dma_start3A_468, %dma_start3A_470, %dma_start3A_471] : memref<4x4x1024xf32, #tpu.memory_space<vmem>> -> memref<1x4x1024xf32, #tpu.memory_space<vmem>>
        %dma_start3A_473 = tpu.memref_squeeze %dma_start3A_472 : memref<1x4x1024xf32, #tpu.memory_space<vmem>> -> memref<4x1024xf32, #tpu.memory_space<vmem>>
        %dma_start3A_474 = arith.constant 0 : i32
        %dma_start3A_475 = tpu.memref_slice %arg3[%add3A_467, %dma_start3A_474] : memref<8192x1024xf32, #tpu.memory_space<hbm>> -> memref<4x1024xf32, #tpu.memory_space<hbm>>
        %dma_start3A_476 = tpu.memref_slice %arg8[%dma_start3A_469] : memref<4x!tpu.dma_semaphore, #tpu.memory_space<semaphore_mem>> -> memref<1x!tpu.dma_semaphore, #tpu.memory_space<semaphore_mem>>
        %dma_start3A_477 = tpu.memref_squeeze %dma_start3A_476 : memref<1x!tpu.dma_semaphore, #tpu.memory_space<semaphore_mem>> -> memref<!tpu.dma_semaphore, #tpu.memory_space<semaphore_mem>>
        %dma_start3A_478 = arith.constant 0 : i32
        %dma_start3A_479 = arith.constant 0 : i32
        %dma_start3A_480 = tpu.memref_slice %arg6[%dma_start3A_468, %dma_start3A_478, %dma_start3A_479] : memref<4x4x1024xf32, #tpu.memory_space<vmem>> -> memref<1x4x1024xf32, #tpu.memory_space<vmem>>
        %dma_start3A_481 = tpu.memref_squeeze %dma_start3A_480 : memref<1x4x1024xf32, #tpu.memory_space<vmem>> -> memref<4x1024xf32, #tpu.memory_space<vmem>>
        %dma_start3A_482 = arith.constant 0 : i32
        %dma_start3A_483 = tpu.memref_slice %arg3[%add3A_467, %dma_start3A_482] : memref<8192x1024xf32, #tpu.memory_space<hbm>> -> memref<4x1024xf32, #tpu.memory_space<hbm>>
        tpu.enqueue_dma source(%dma_start3A_483 : memref<4x1024xf32, #tpu.memory_space<hbm>>) target(%dma_start3A_481 : memref<4x1024xf32, #tpu.memory_space<vmem>>) target_semaphore(%dma_start3A_477 : memref<!tpu.dma_semaphore, #tpu.memory_space<semaphore_mem>>)
      } else {
      }
      %dma_wait3A_296 = arith.constant 2 : i32
      %dma_wait3A_297 = arith.constant 2 : i32
      %dma_wait3A_298 = arith.constant 0 : i32
      %dma_wait3A_299 = arith.constant 0 : i32
      %dma_wait3A_300 = arith.constant 0 : i32
      %dma_wait3A_301 = tpu.memref_slice %arg5[%dma_wait3A_296, %dma_wait3A_298, %dma_wait3A_299, %dma_wait3A_300] : memref<4x4x4x1024xf32, #tpu.memory_space<vmem>> -> memref<1x4x4x1024xf32, #tpu.memory_space<vmem>>
      %dma_wait3A_302 = tpu.memref_squeeze %dma_wait3A_301 : memref<1x4x4x1024xf32, #tpu.memory_space<vmem>> -> memref<4x4x1024xf32, #tpu.memory_space<vmem>>
      %dma_wait3A_303 = arith.constant 0 : i32
      %dma_wait3A_304 = arith.constant 0 : i32
      %dma_wait3A_305 = tpu.memref_slice %arg2[%dma_wait3A_303, %mul3A_2, %dma_wait3A_304] : memref<4x4096x1024xf32, #tpu.memory_space<hbm>> -> memref<4x4x1024xf32, #tpu.memory_space<hbm>>
      %dma_wait3A_306 = tpu.memref_slice %arg7[%dma_wait3A_297] : memref<4x!tpu.dma_semaphore, #tpu.memory_space<semaphore_mem>> -> memref<1x!tpu.dma_semaphore, #tpu.memory_space<semaphore_mem>>
      %dma_wait3A_307 = tpu.memref_squeeze %dma_wait3A_306 : memref<1x!tpu.dma_semaphore, #tpu.memory_space<semaphore_mem>> -> memref<!tpu.dma_semaphore, #tpu.memory_space<semaphore_mem>>
      %dma_wait3A_308 = arith.constant 0 : i32
      %dma_wait3A_309 = arith.constant 0 : i32
      %dma_wait3A_310 = arith.constant 0 : i32
      %dma_wait3A_311 = tpu.memref_slice %arg5[%dma_wait3A_296, %dma_wait3A_308, %dma_wait3A_309, %dma_wait3A_310] : memref<4x4x4x1024xf32, #tpu.memory_space<vmem>> -> memref<1x4x4x1024xf32, #tpu.memory_space<vmem>>
      %dma_wait3A_312 = tpu.memref_squeeze %dma_wait3A_311 : memref<1x4x4x1024xf32, #tpu.memory_space<vmem>> -> memref<4x4x1024xf32, #tpu.memory_space<vmem>>
      %dma_wait3A_313 = arith.constant 0 : i32
      %dma_wait3A_314 = arith.constant 0 : i32
      %dma_wait3A_315 = tpu.memref_slice %arg2[%dma_wait3A_313, %mul3A_2, %dma_wait3A_314] : memref<4x4096x1024xf32, #tpu.memory_space<hbm>> -> memref<4x4x1024xf32, #tpu.memory_space<hbm>>
      tpu.wait_dma2 semaphore(%dma_wait3A_307 : memref<!tpu.dma_semaphore, #tpu.memory_space<semaphore_mem>>) src(%dma_wait3A_315 : memref<4x4x1024xf32, #tpu.memory_space<hbm>>) dst(%dma_wait3A_312 : memref<4x4x1024xf32, #tpu.memory_space<vmem>>)
      %dma_wait3A_316 = arith.constant 2 : i32
      %dma_wait3A_317 = arith.constant 2 : i32
      %dma_wait3A_318 = arith.constant 0 : i32
      %dma_wait3A_319 = arith.constant 0 : i32
      %dma_wait3A_320 = tpu.memref_slice %arg6[%dma_wait3A_316, %dma_wait3A_318, %dma_wait3A_319] : memref<4x4x1024xf32, #tpu.memory_space<vmem>> -> memref<1x4x1024xf32, #tpu.memory_space<vmem>>
      %dma_wait3A_321 = tpu.memref_squeeze %dma_wait3A_320 : memref<1x4x1024xf32, #tpu.memory_space<vmem>> -> memref<4x1024xf32, #tpu.memory_space<vmem>>
      %dma_wait3A_322 = arith.constant 0 : i32
      %dma_wait3A_323 = tpu.memref_slice %arg3[%mul3A_2, %dma_wait3A_322] : memref<8192x1024xf32, #tpu.memory_space<hbm>> -> memref<4x1024xf32, #tpu.memory_space<hbm>>
      %dma_wait3A_324 = tpu.memref_slice %arg8[%dma_wait3A_317] : memref<4x!tpu.dma_semaphore, #tpu.memory_space<semaphore_mem>> -> memref<1x!tpu.dma_semaphore, #tpu.memory_space<semaphore_mem>>
      %dma_wait3A_325 = tpu.memref_squeeze %dma_wait3A_324 : memref<1x!tpu.dma_semaphore, #tpu.memory_space<semaphore_mem>> -> memref<!tpu.dma_semaphore, #tpu.memory_space<semaphore_mem>>
      %dma_wait3A_326 = arith.constant 0 : i32
      %dma_wait3A_327 = arith.constant 0 : i32
      %dma_wait3A_328 = tpu.memref_slice %arg6[%dma_wait3A_316, %dma_wait3A_326, %dma_wait3A_327] : memref<4x4x1024xf32, #tpu.memory_space<vmem>> -> memref<1x4x1024xf32, #tpu.memory_space<vmem>>
      %dma_wait3A_329 = tpu.memref_squeeze %dma_wait3A_328 : memref<1x4x1024xf32, #tpu.memory_space<vmem>> -> memref<4x1024xf32, #tpu.memory_space<vmem>>
      %dma_wait3A_330 = arith.constant 0 : i32
      %dma_wait3A_331 = tpu.memref_slice %arg3[%mul3A_2, %dma_wait3A_330] : memref<8192x1024xf32, #tpu.memory_space<hbm>> -> memref<4x1024xf32, #tpu.memory_space<hbm>>
      tpu.wait_dma2 semaphore(%dma_wait3A_325 : memref<!tpu.dma_semaphore, #tpu.memory_space<semaphore_mem>>) src(%dma_wait3A_331 : memref<4x1024xf32, #tpu.memory_space<hbm>>) dst(%dma_wait3A_329 : memref<4x1024xf32, #tpu.memory_space<vmem>>)
      %scan3A_332 = arith.constant 0 : i32
      %scan3A_333 = arith.constant 4 : i32
      %scan3A_334 = arith.addi %scan3A_332, %scan3A_333 : i32
      %scan3A_335 = arith.constant 1 : i32
      scf.for %scan3A_438 = %scan3A_332 to %scan3A_334 step %scan3A_335  : i32 {
        %mul3A_439 = arith.constant 1 : i32
        %mul3A_440 = arith.muli %scan3A_438, %mul3A_439 : i32
        %add3A_441 = arith.constant 0 : i32
        %add3A_442 = arith.addi %add3A_441, %mul3A_440 : i32
        %scan3A_443 = arith.constant 0 : i32
        %scan3A_444 = arith.constant 64 : i32
        %scan3A_445 = arith.addi %scan3A_443, %scan3A_444 : i32
        %scan3A_446 = arith.constant 8 : i32
        scf.for %scan3A_448 = %scan3A_443 to %scan3A_445 step %scan3A_446  : i32 {
          %mul3A_449 = arith.constant 1 : i32
          %mul3A_450 = arith.muli %scan3A_448, %mul3A_449 : i32
          %add3A_451 = arith.constant 0 : i32
          %add3A_452 = arith.addi %add3A_451, %mul3A_450 : i32
          %mul3A_453 = arith.constant 16 : i32
          %mul3A_454 = arith.muli %add3A_452, %mul3A_453 : i32
          %get3A = arith.constant 2 : i32
          %get3A_455 = arith.index_cast %get3A : i32 to index
          %get3A_456 = arith.index_cast %add3A_442 : i32 to index
          %get3A_457 = arith.index_cast %mul3A_454 : i32 to index
          %get3A_458 = tpu.vector_load %arg6[%get3A_455, %get3A_456, %get3A_457] {strides = array<i32>} : memref<4x4x1024xf32, #tpu.memory_space<vmem>>, vector<1x1x16xf32>,
          %get3A_459 = vector.shape_cast %get3A_458 : vector<1x1x16xf32> to vector<16xf32>
          %swap3A = arith.constant 2 : i32
          %swap3A_460 = arith.constant 0 : i32
          %swap3A_461 = arith.index_cast %swap3A : i32 to index
          %swap3A_462 = arith.index_cast %swap3A_460 : i32 to index
          %swap3A_463 = arith.index_cast %add3A_442 : i32 to index
          %swap3A_464 = arith.index_cast %mul3A_454 : i32 to index
          %swap3A_465 = tpu.vector_load %arg5[%swap3A_461, %swap3A_462, %swap3A_463, %swap3A_464] {strides = array<i32>} : memref<4x4x4x1024xf32, #tpu.memory_space<vmem>>, vector<1x1x1x16xf32>,
          %swap3A_466 = vector.shape_cast %swap3A_465 : vector<1x1x1x16xf32> to vector<16xf32>
          %swap3A_467 = vector.shape_cast %get3A_459 : vector<16xf32> to vector<1x1x1x16xf32>
          tpu.vector_store %arg5[%swap3A_461, %swap3A_462, %swap3A_463, %swap3A_464], %swap3A_467 {add = true, strides = array<i32>} : memref<4x4x4x1024xf32, #tpu.memory_space<vmem>>, vector<1x1x1x16xf32>,
          %swap3A_468 = arith.constant 2 : i32
          %swap3A_469 = arith.constant 1 : i32
          %swap3A_470 = arith.index_cast %swap3A_468 : i32 to index
          %swap3A_471 = arith.index_cast %swap3A_469 : i32 to index
          %swap3A_472 = arith.index_cast %add3A_442 : i32 to index
          %swap3A_473 = arith.index_cast %mul3A_454 : i32 to index
          %swap3A_474 = tpu.vector_load %arg5[%swap3A_470, %swap3A_471, %swap3A_472, %swap3A_473] {strides = array<i32>} : memref<4x4x4x1024xf32, #tpu.memory_space<vmem>>, vector<1x1x1x16xf32>,
          %swap3A_475 = vector.shape_cast %swap3A_474 : vector<1x1x1x16xf32> to vector<16xf32>
          %swap3A_476 = vector.shape_cast %get3A_459 : vector<16xf32> to vector<1x1x1x16xf32>
          tpu.vector_store %arg5[%swap3A_470, %swap3A_471, %swap3A_472, %swap3A_473], %swap3A_476 {add = true, strides = array<i32>} : memref<4x4x4x1024xf32, #tpu.memory_space<vmem>>, vector<1x1x1x16xf32>,
          %swap3A_477 = arith.constant 2 : i32
          %swap3A_478 = arith.constant 2 : i32
          %swap3A_479 = arith.index_cast %swap3A_477 : i32 to index
          %swap3A_480 = arith.index_cast %swap3A_478 : i32 to index
          %swap3A_481 = arith.index_cast %add3A_442 : i32 to index
          %swap3A_482 = arith.index_cast %mul3A_454 : i32 to index
          %swap3A_483 = tpu.vector_load %arg5[%swap3A_479, %swap3A_480, %swap3A_481, %swap3A_482] {strides = array<i32>} : memref<4x4x4x1024xf32, #tpu.memory_space<vmem>>, vector<1x1x1x16xf32>,
          %swap3A_484 = vector.shape_cast %swap3A_483 : vector<1x1x1x16xf32> to vector<16xf32>
          %swap3A_485 = vector.shape_cast %get3A_459 : vector<16xf32> to vector<1x1x1x16xf32>
          tpu.vector_store %arg5[%swap3A_479, %swap3A_480, %swap3A_481, %swap3A_482], %swap3A_485 {add = true, strides = array<i32>} : memref<4x4x4x1024xf32, #tpu.memory_space<vmem>>, vector<1x1x1x16xf32>,
          %swap3A_486 = arith.constant 2 : i32
          %swap3A_487 = arith.constant 3 : i32
          %swap3A_488 = arith.index_cast %swap3A_486 : i32 to index
          %swap3A_489 = arith.index_cast %swap3A_487 : i32 to index
          %swap3A_490 = arith.index_cast %add3A_442 : i32 to index
          %swap3A_491 = arith.index_cast %mul3A_454 : i32 to index
          %swap3A_492 = tpu.vector_load %arg5[%swap3A_488, %swap3A_489, %swap3A_490, %swap3A_491] {strides = array<i32>} : memref<4x4x4x1024xf32, #tpu.memory_space<vmem>>, vector<1x1x1x16xf32>,
          %swap3A_493 = vector.shape_cast %swap3A_492 : vector<1x1x1x16xf32> to vector<16xf32>
          %swap3A_494 = vector.shape_cast %get3A_459 : vector<16xf32> to vector<1x1x1x16xf32>
          tpu.vector_store %arg5[%swap3A_488, %swap3A_489, %swap3A_490, %swap3A_491], %swap3A_494 {add = true, strides = array<i32>} : memref<4x4x4x1024xf32, #tpu.memory_space<vmem>>, vector<1x1x1x16xf32>,
          %scan3A_495 = arith.constant 1 : i32
          %scan3A_496 = arith.addi %scan3A_448, %scan3A_495 : i32
          %mul3A_497 = arith.constant 1 : i32
          %mul3A_498 = arith.muli %scan3A_496, %mul3A_497 : i32
          %add3A_499 = arith.constant 0 : i32
          %add3A_500 = arith.addi %add3A_499, %mul3A_498 : i32
          %mul3A_501 = arith.constant 16 : i32
          %mul3A_502 = arith.muli %add3A_500, %mul3A_501 : i32
          %get3A_503 = arith.constant 2 : i32
          %get3A_504 = arith.index_cast %get3A_503 : i32 to index
          %get3A_505 = arith.index_cast %add3A_442 : i32 to index
          %get3A_506 = arith.index_cast %mul3A_502 : i32 to index
          %get3A_507 = tpu.vector_load %arg6[%get3A_504, %get3A_505, %get3A_506] {strides = array<i32>} : memref<4x4x1024xf32, #tpu.memory_space<vmem>>, vector<1x1x16xf32>,
          %get3A_508 = vector.shape_cast %get3A_507 : vector<1x1x16xf32> to vector<16xf32>
          %swap3A_509 = arith.constant 2 : i32
          %swap3A_510 = arith.constant 0 : i32
          %swap3A_511 = arith.index_cast %swap3A_509 : i32 to index
          %swap3A_512 = arith.index_cast %swap3A_510 : i32 to index
          %swap3A_513 = arith.index_cast %add3A_442 : i32 to index
          %swap3A_514 = arith.index_cast %mul3A_502 : i32 to index
          %swap3A_515 = tpu.vector_load %arg5[%swap3A_511, %swap3A_512, %swap3A_513, %swap3A_514] {strides = array<i32>} : memref<4x4x4x1024xf32, #tpu.memory_space<vmem>>, vector<1x1x1x16xf32>,
          %swap3A_516 = vector.shape_cast %swap3A_515 : vector<1x1x1x16xf32> to vector<16xf32>
          %swap3A_517 = vector.shape_cast %get3A_508 : vector<16xf32> to vector<1x1x1x16xf32>
          tpu.vector_store %arg5[%swap3A_511, %swap3A_512, %swap3A_513, %swap3A_514], %swap3A_517 {add = true, strides = array<i32>} : memref<4x4x4x1024xf32, #tpu.memory_space<vmem>>, vector<1x1x1x16xf32>,
          %swap3A_518 = arith.constant 2 : i32
          %swap3A_519 = arith.constant 1 : i32
          %swap3A_520 = arith.index_cast %swap3A_518 : i32 to index
          %swap3A_521 = arith.index_cast %swap3A_519 : i32 to index
          %swap3A_522 = arith.index_cast %add3A_442 : i32 to index
          %swap3A_523 = arith.index_cast %mul3A_502 : i32 to index
          %swap3A_524 = tpu.vector_load %arg5[%swap3A_520, %swap3A_521, %swap3A_522, %swap3A_523] {strides = array<i32>} : memref<4x4x4x1024xf32, #tpu.memory_space<vmem>>, vector<1x1x1x16xf32>,
          %swap3A_525 = vector.shape_cast %swap3A_524 : vector<1x1x1x16xf32> to vector<16xf32>
          %swap3A_526 = vector.shape_cast %get3A_508 : vector<16xf32> to vector<1x1x1x16xf32>
          tpu.vector_store %arg5[%swap3A_520, %swap3A_521, %swap3A_522, %swap3A_523], %swap3A_526 {add = true, strides = array<i32>} : memref<4x4x4x1024xf32, #tpu.memory_space<vmem>>, vector<1x1x1x16xf32>,
          %swap3A_527 = arith.constant 2 : i32
          %swap3A_528 = arith.constant 2 : i32
          %swap3A_529 = arith.index_cast %swap3A_527 : i32 to index
          %swap3A_530 = arith.index_cast %swap3A_528 : i32 to index
          %swap3A_531 = arith.index_cast %add3A_442 : i32 to index
          %swap3A_532 = arith.index_cast %mul3A_502 : i32 to index
          %swap3A_533 = tpu.vector_load %arg5[%swap3A_529, %swap3A_530, %swap3A_531, %swap3A_532] {strides = array<i32>} : memref<4x4x4x1024xf32, #tpu.memory_space<vmem>>, vector<1x1x1x16xf32>,
          %swap3A_534 = vector.shape_cast %swap3A_533 : vector<1x1x1x16xf32> to vector<16xf32>
          %swap3A_535 = vector.shape_cast %get3A_508 : vector<16xf32> to vector<1x1x1x16xf32>
          tpu.vector_store %arg5[%swap3A_529, %swap3A_530, %swap3A_531, %swap3A_532], %swap3A_535 {add = true, strides = array<i32>} : memref<4x4x4x1024xf32, #tpu.memory_space<vmem>>, vector<1x1x1x16xf32>,
          %swap3A_536 = arith.constant 2 : i32
          %swap3A_537 = arith.constant 3 : i32
          %swap3A_538 = arith.index_cast %swap3A_536 : i32 to index
          %swap3A_539 = arith.index_cast %swap3A_537 : i32 to index
          %swap3A_540 = arith.index_cast %add3A_442 : i32 to index
          %swap3A_541 = arith.index_cast %mul3A_502 : i32 to index
          %swap3A_542 = tpu.vector_load %arg5[%swap3A_538, %swap3A_539, %swap3A_540, %swap3A_541] {strides = array<i32>} : memref<4x4x4x1024xf32, #tpu.memory_space<vmem>>, vector<1x1x1x16xf32>,
          %swap3A_543 = vector.shape_cast %swap3A_542 : vector<1x1x1x16xf32> to vector<16xf32>
          %swap3A_544 = vector.shape_cast %get3A_508 : vector<16xf32> to vector<1x1x1x16xf32>
          tpu.vector_store %arg5[%swap3A_538, %swap3A_539, %swap3A_540, %swap3A_541], %swap3A_544 {add = true, strides = array<i32>} : memref<4x4x4x1024xf32, #tpu.memory_space<vmem>>, vector<1x1x1x16xf32>,
          %scan3A_545 = arith.constant 2 : i32
          %scan3A_546 = arith.addi %scan3A_448, %scan3A_545 : i32
          %mul3A_547 = arith.constant 1 : i32
          %mul3A_548 = arith.muli %scan3A_546, %mul3A_547 : i32
          %add3A_549 = arith.constant 0 : i32
          %add3A_550 = arith.addi %add3A_549, %mul3A_548 : i32
          %mul3A_551 = arith.constant 16 : i32
          %mul3A_552 = arith.muli %add3A_550, %mul3A_551 : i32
          %get3A_553 = arith.constant 2 : i32
          %get3A_554 = arith.index_cast %get3A_553 : i32 to index
          %get3A_555 = arith.index_cast %add3A_442 : i32 to index
          %get3A_556 = arith.index_cast %mul3A_552 : i32 to index
          %get3A_557 = tpu.vector_load %arg6[%get3A_554, %get3A_555, %get3A_556] {strides = array<i32>} : memref<4x4x1024xf32, #tpu.memory_space<vmem>>, vector<1x1x16xf32>,
          %get3A_558 = vector.shape_cast %get3A_557 : vector<1x1x16xf32> to vector<16xf32>
          %swap3A_559 = arith.constant 2 : i32
          %swap3A_560 = arith.constant 0 : i32
          %swap3A_561 = arith.index_cast %swap3A_559 : i32 to index
          %swap3A_562 = arith.index_cast %swap3A_560 : i32 to index
          %swap3A_563 = arith.index_cast %add3A_442 : i32 to index
          %swap3A_564 = arith.index_cast %mul3A_552 : i32 to index
          %swap3A_565 = tpu.vector_load %arg5[%swap3A_561, %swap3A_562, %swap3A_563, %swap3A_564] {strides = array<i32>} : memref<4x4x4x1024xf32, #tpu.memory_space<vmem>>, vector<1x1x1x16xf32>,
          %swap3A_566 = vector.shape_cast %swap3A_565 : vector<1x1x1x16xf32> to vector<16xf32>
          %swap3A_567 = vector.shape_cast %get3A_558 : vector<16xf32> to vector<1x1x1x16xf32>
          tpu.vector_store %arg5[%swap3A_561, %swap3A_562, %swap3A_563, %swap3A_564], %swap3A_567 {add = true, strides = array<i32>} : memref<4x4x4x1024xf32, #tpu.memory_space<vmem>>, vector<1x1x1x16xf32>,
          %swap3A_568 = arith.constant 2 : i32
          %swap3A_569 = arith.constant 1 : i32
          %swap3A_570 = arith.index_cast %swap3A_568 : i32 to index
          %swap3A_571 = arith.index_cast %swap3A_569 : i32 to index
          %swap3A_572 = arith.index_cast %add3A_442 : i32 to index
          %swap3A_573 = arith.index_cast %mul3A_552 : i32 to index
          %swap3A_574 = tpu.vector_load %arg5[%swap3A_570, %swap3A_571, %swap3A_572, %swap3A_573] {strides = array<i32>} : memref<4x4x4x1024xf32, #tpu.memory_space<vmem>>, vector<1x1x1x16xf32>,
          %swap3A_575 = vector.shape_cast %swap3A_574 : vector<1x1x1x16xf32> to vector<16xf32>
          %swap3A_576 = vector.shape_cast %get3A_558 : vector<16xf32> to vector<1x1x1x16xf32>
          tpu.vector_store %arg5[%swap3A_570, %swap3A_571, %swap3A_572, %swap3A_573], %swap3A_576 {add = true, strides = array<i32>} : memref<4x4x4x1024xf32, #tpu.memory_space<vmem>>, vector<1x1x1x16xf32>,
          %swap3A_577 = arith.constant 2 : i32
          %swap3A_578 = arith.constant 2 : i32
          %swap3A_579 = arith.index_cast %swap3A_577 : i32 to index
          %swap3A_580 = arith.index_cast %swap3A_578 : i32 to index
          %swap3A_581 = arith.index_cast %add3A_442 : i32 to index
          %swap3A_582 = arith.index_cast %mul3A_552 : i32 to index
          %swap3A_583 = tpu.vector_load %arg5[%swap3A_579, %swap3A_580, %swap3A_581, %swap3A_582] {strides = array<i32>} : memref<4x4x4x1024xf32, #tpu.memory_space<vmem>>, vector<1x1x1x16xf32>,
          %swap3A_584 = vector.shape_cast %swap3A_583 : vector<1x1x1x16xf32> to vector<16xf32>
          %swap3A_585 = vector.shape_cast %get3A_558 : vector<16xf32> to vector<1x1x1x16xf32>
          tpu.vector_store %arg5[%swap3A_579, %swap3A_580, %swap3A_581, %swap3A_582], %swap3A_585 {add = true, strides = array<i32>} : memref<4x4x4x1024xf32, #tpu.memory_space<vmem>>, vector<1x1x1x16xf32>,
          %swap3A_586 = arith.constant 2 : i32
          %swap3A_587 = arith.constant 3 : i32
          %swap3A_588 = arith.index_cast %swap3A_586 : i32 to index
          %swap3A_589 = arith.index_cast %swap3A_587 : i32 to index
          %swap3A_590 = arith.index_cast %add3A_442 : i32 to index
          %swap3A_591 = arith.index_cast %mul3A_552 : i32 to index
          %swap3A_592 = tpu.vector_load %arg5[%swap3A_588, %swap3A_589, %swap3A_590, %swap3A_591] {strides = array<i32>} : memref<4x4x4x1024xf32, #tpu.memory_space<vmem>>, vector<1x1x1x16xf32>,
          %swap3A_593 = vector.shape_cast %swap3A_592 : vector<1x1x1x16xf32> to vector<16xf32>
          %swap3A_594 = vector.shape_cast %get3A_558 : vector<16xf32> to vector<1x1x1x16xf32>
          tpu.vector_store %arg5[%swap3A_588, %swap3A_589, %swap3A_590, %swap3A_591], %swap3A_594 {add = true, strides = array<i32>} : memref<4x4x4x1024xf32, #tpu.memory_space<vmem>>, vector<1x1x1x16xf32>,
          %scan3A_595 = arith.constant 3 : i32
          %scan3A_596 = arith.addi %scan3A_448, %scan3A_595 : i32
          %mul3A_597 = arith.constant 1 : i32
          %mul3A_598 = arith.muli %scan3A_596, %mul3A_597 : i32
          %add3A_599 = arith.constant 0 : i32
          %add3A_600 = arith.addi %add3A_599, %mul3A_598 : i32
          %mul3A_601 = arith.constant 16 : i32
          %mul3A_602 = arith.muli %add3A_600, %mul3A_601 : i32
          %get3A_603 = arith.constant 2 : i32
          %get3A_604 = arith.index_cast %get3A_603 : i32 to index
          %get3A_605 = arith.index_cast %add3A_442 : i32 to index
          %get3A_606 = arith.index_cast %mul3A_602 : i32 to index
          %get3A_607 = tpu.vector_load %arg6[%get3A_604, %get3A_605, %get3A_606] {strides = array<i32>} : memref<4x4x1024xf32, #tpu.memory_space<vmem>>, vector<1x1x16xf32>,
          %get3A_608 = vector.shape_cast %get3A_607 : vector<1x1x16xf32> to vector<16xf32>
          %swap3A_609 = arith.constant 2 : i32
          %swap3A_610 = arith.constant 0 : i32
          %swap3A_611 = arith.index_cast %swap3A_609 : i32 to index
          %swap3A_612 = arith.index_cast %swap3A_610 : i32 to index
          %swap3A_613 = arith.index_cast %add3A_442 : i32 to index
          %swap3A_614 = arith.index_cast %mul3A_602 : i32 to index
          %swap3A_615 = tpu.vector_load %arg5[%swap3A_611, %swap3A_612, %swap3A_613, %swap3A_614] {strides = array<i32>} : memref<4x4x4x1024xf32, #tpu.memory_space<vmem>>, vector<1x1x1x16xf32>,
          %swap3A_616 = vector.shape_cast %swap3A_615 : vector<1x1x1x16xf32> to vector<16xf32>
          %swap3A_617 = vector.shape_cast %get3A_608 : vector<16xf32> to vector<1x1x1x16xf32>
          tpu.vector_store %arg5[%swap3A_611, %swap3A_612, %swap3A_613, %swap3A_614], %swap3A_617 {add = true, strides = array<i32>} : memref<4x4x4x1024xf32, #tpu.memory_space<vmem>>, vector<1x1x1x16xf32>,
          %swap3A_618 = arith.constant 2 : i32
          %swap3A_619 = arith.constant 1 : i32
          %swap3A_620 = arith.index_cast %swap3A_618 : i32 to index
          %swap3A_621 = arith.index_cast %swap3A_619 : i32 to index
          %swap3A_622 = arith.index_cast %add3A_442 : i32 to index
          %swap3A_623 = arith.index_cast %mul3A_602 : i32 to index
          %swap3A_624 = tpu.vector_load %arg5[%swap3A_620, %swap3A_621, %swap3A_622, %swap3A_623] {strides = array<i32>} : memref<4x4x4x1024xf32, #tpu.memory_space<vmem>>, vector<1x1x1x16xf32>,
          %swap3A_625 = vector.shape_cast %swap3A_624 : vector<1x1x1x16xf32> to vector<16xf32>
          %swap3A_626 = vector.shape_cast %get3A_608 : vector<16xf32> to vector<1x1x1x16xf32>
          tpu.vector_store %arg5[%swap3A_620, %swap3A_621, %swap3A_622, %swap3A_623], %swap3A_626 {add = true, strides = array<i32>} : memref<4x4x4x1024xf32, #tpu.memory_space<vmem>>, vector<1x1x1x16xf32>,
          %swap3A_627 = arith.constant 2 : i32
          %swap3A_628 = arith.constant 2 : i32
          %swap3A_629 = arith.index_cast %swap3A_627 : i32 to index
          %swap3A_630 = arith.index_cast %swap3A_628 : i32 to index
          %swap3A_631 = arith.index_cast %add3A_442 : i32 to index
          %swap3A_632 = arith.index_cast %mul3A_602 : i32 to index
          %swap3A_633 = tpu.vector_load %arg5[%swap3A_629, %swap3A_630, %swap3A_631, %swap3A_632] {strides = array<i32>} : memref<4x4x4x1024xf32, #tpu.memory_space<vmem>>, vector<1x1x1x16xf32>,
          %swap3A_634 = vector.shape_cast %swap3A_633 : vector<1x1x1x16xf32> to vector<16xf32>
          %swap3A_635 = vector.shape_cast %get3A_608 : vector<16xf32> to vector<1x1x1x16xf32>
          tpu.vector_store %arg5[%swap3A_629, %swap3A_630, %swap3A_631, %swap3A_632], %swap3A_635 {add = true, strides = array<i32>} : memref<4x4x4x1024xf32, #tpu.memory_space<vmem>>, vector<1x1x1x16xf32>,
          %swap3A_636 = arith.constant 2 : i32
          %swap3A_637 = arith.constant 3 : i32
          %swap3A_638 = arith.index_cast %swap3A_636 : i32 to index
          %swap3A_639 = arith.index_cast %swap3A_637 : i32 to index
          %swap3A_640 = arith.index_cast %add3A_442 : i32 to index
          %swap3A_641 = arith.index_cast %mul3A_602 : i32 to index
          %swap3A_642 = tpu.vector_load %arg5[%swap3A_638, %swap3A_639, %swap3A_640, %swap3A_641] {strides = array<i32>} : memref<4x4x4x1024xf32, #tpu.memory_space<vmem>>, vector<1x1x1x16xf32>,
          %swap3A_643 = vector.shape_cast %swap3A_642 : vector<1x1x1x16xf32> to vector<16xf32>
          %swap3A_644 = vector.shape_cast %get3A_608 : vector<16xf32> to vector<1x1x1x16xf32>
          tpu.vector_store %arg5[%swap3A_638, %swap3A_639, %swap3A_640, %swap3A_641], %swap3A_644 {add = true, strides = array<i32>} : memref<4x4x4x1024xf32, #tpu.memory_space<vmem>>, vector<1x1x1x16xf32>,
          %scan3A_645 = arith.constant 4 : i32
          %scan3A_646 = arith.addi %scan3A_448, %scan3A_645 : i32
          %mul3A_647 = arith.constant 1 : i32
          %mul3A_648 = arith.muli %scan3A_646, %mul3A_647 : i32
          %add3A_649 = arith.constant 0 : i32
          %add3A_650 = arith.addi %add3A_649, %mul3A_648 : i32
          %mul3A_651 = arith.constant 16 : i32
          %mul3A_652 = arith.muli %add3A_650, %mul3A_651 : i32
          %get3A_653 = arith.constant 2 : i32
          %get3A_654 = arith.index_cast %get3A_653 : i32 to index
          %get3A_655 = arith.index_cast %add3A_442 : i32 to index
          %get3A_656 = arith.index_cast %mul3A_652 : i32 to index
          %get3A_657 = tpu.vector_load %arg6[%get3A_654, %get3A_655, %get3A_656] {strides = array<i32>} : memref<4x4x1024xf32, #tpu.memory_space<vmem>>, vector<1x1x16xf32>,
          %get3A_658 = vector.shape_cast %get3A_657 : vector<1x1x16xf32> to vector<16xf32>
          %swap3A_659 = arith.constant 2 : i32
          %swap3A_660 = arith.constant 0 : i32
          %swap3A_661 = arith.index_cast %swap3A_659 : i32 to index
          %swap3A_662 = arith.index_cast %swap3A_660 : i32 to index
          %swap3A_663 = arith.index_cast %add3A_442 : i32 to index
          %swap3A_664 = arith.index_cast %mul3A_652 : i32 to index
          %swap3A_665 = tpu.vector_load %arg5[%swap3A_661, %swap3A_662, %swap3A_663, %swap3A_664] {strides = array<i32>} : memref<4x4x4x1024xf32, #tpu.memory_space<vmem>>, vector<1x1x1x16xf32>,
          %swap3A_666 = vector.shape_cast %swap3A_665 : vector<1x1x1x16xf32> to vector<16xf32>
          %swap3A_667 = vector.shape_cast %get3A_658 : vector<16xf32> to vector<1x1x1x16xf32>
          tpu.vector_store %arg5[%swap3A_661, %swap3A_662, %swap3A_663, %swap3A_664], %swap3A_667 {add = true, strides = array<i32>} : memref<4x4x4x1024xf32, #tpu.memory_space<vmem>>, vector<1x1x1x16xf32>,
          %swap3A_668 = arith.constant 2 : i32
          %swap3A_669 = arith.constant 1 : i32
          %swap3A_670 = arith.index_cast %swap3A_668 : i32 to index
          %swap3A_671 = arith.index_cast %swap3A_669 : i32 to index
          %swap3A_672 = arith.index_cast %add3A_442 : i32 to index
          %swap3A_673 = arith.index_cast %mul3A_652 : i32 to index
          %swap3A_674 = tpu.vector_load %arg5[%swap3A_670, %swap3A_671, %swap3A_672, %swap3A_673] {strides = array<i32>} : memref<4x4x4x1024xf32, #tpu.memory_space<vmem>>, vector<1x1x1x16xf32>,
          %swap3A_675 = vector.shape_cast %swap3A_674 : vector<1x1x1x16xf32> to vector<16xf32>
          %swap3A_676 = vector.shape_cast %get3A_658 : vector<16xf32> to vector<1x1x1x16xf32>
          tpu.vector_store %arg5[%swap3A_670, %swap3A_671, %swap3A_672, %swap3A_673], %swap3A_676 {add = true, strides = array<i32>} : memref<4x4x4x1024xf32, #tpu.memory_space<vmem>>, vector<1x1x1x16xf32>,
          %swap3A_677 = arith.constant 2 : i32
          %swap3A_678 = arith.constant 2 : i32
          %swap3A_679 = arith.index_cast %swap3A_677 : i32 to index
          %swap3A_680 = arith.index_cast %swap3A_678 : i32 to index
          %swap3A_681 = arith.index_cast %add3A_442 : i32 to index
          %swap3A_682 = arith.index_cast %mul3A_652 : i32 to index
          %swap3A_683 = tpu.vector_load %arg5[%swap3A_679, %swap3A_680, %swap3A_681, %swap3A_682] {strides = array<i32>} : memref<4x4x4x1024xf32, #tpu.memory_space<vmem>>, vector<1x1x1x16xf32>,
          %swap3A_684 = vector.shape_cast %swap3A_683 : vector<1x1x1x16xf32> to vector<16xf32>
          %swap3A_685 = vector.shape_cast %get3A_658 : vector<16xf32> to vector<1x1x1x16xf32>
          tpu.vector_store %arg5[%swap3A_679, %swap3A_680, %swap3A_681, %swap3A_682], %swap3A_685 {add = true, strides = array<i32>} : memref<4x4x4x1024xf32, #tpu.memory_space<vmem>>, vector<1x1x1x16xf32>,
          %swap3A_686 = arith.constant 2 : i32
          %swap3A_687 = arith.constant 3 : i32
          %swap3A_688 = arith.index_cast %swap3A_686 : i32 to index
          %swap3A_689 = arith.index_cast %swap3A_687 : i32 to index
          %swap3A_690 = arith.index_cast %add3A_442 : i32 to index
          %swap3A_691 = arith.index_cast %mul3A_652 : i32 to index
          %swap3A_692 = tpu.vector_load %arg5[%swap3A_688, %swap3A_689, %swap3A_690, %swap3A_691] {strides = array<i32>} : memref<4x4x4x1024xf32, #tpu.memory_space<vmem>>, vector<1x1x1x16xf32>,
          %swap3A_693 = vector.shape_cast %swap3A_692 : vector<1x1x1x16xf32> to vector<16xf32>
          %swap3A_694 = vector.shape_cast %get3A_658 : vector<16xf32> to vector<1x1x1x16xf32>
          tpu.vector_store %arg5[%swap3A_688, %swap3A_689, %swap3A_690, %swap3A_691], %swap3A_694 {add = true, strides = array<i32>} : memref<4x4x4x1024xf32, #tpu.memory_space<vmem>>, vector<1x1x1x16xf32>,
          %scan3A_695 = arith.constant 5 : i32
          %scan3A_696 = arith.addi %scan3A_448, %scan3A_695 : i32
          %mul3A_697 = arith.constant 1 : i32
          %mul3A_698 = arith.muli %scan3A_696, %mul3A_697 : i32
          %add3A_699 = arith.constant 0 : i32
          %add3A_700 = arith.addi %add3A_699, %mul3A_698 : i32
          %mul3A_701 = arith.constant 16 : i32
          %mul3A_702 = arith.muli %add3A_700, %mul3A_701 : i32
          %get3A_703 = arith.constant 2 : i32
          %get3A_704 = arith.index_cast %get3A_703 : i32 to index
          %get3A_705 = arith.index_cast %add3A_442 : i32 to index
          %get3A_706 = arith.index_cast %mul3A_702 : i32 to index
          %get3A_707 = tpu.vector_load %arg6[%get3A_704, %get3A_705, %get3A_706] {strides = array<i32>} : memref<4x4x1024xf32, #tpu.memory_space<vmem>>, vector<1x1x16xf32>,
          %get3A_708 = vector.shape_cast %get3A_707 : vector<1x1x16xf32> to vector<16xf32>
          %swap3A_709 = arith.constant 2 : i32
          %swap3A_710 = arith.constant 0 : i32
          %swap3A_711 = arith.index_cast %swap3A_709 : i32 to index
          %swap3A_712 = arith.index_cast %swap3A_710 : i32 to index
          %swap3A_713 = arith.index_cast %add3A_442 : i32 to index
          %swap3A_714 = arith.index_cast %mul3A_702 : i32 to index
          %swap3A_715 = tpu.vector_load %arg5[%swap3A_711, %swap3A_712, %swap3A_713, %swap3A_714] {strides = array<i32>} : memref<4x4x4x1024xf32, #tpu.memory_space<vmem>>, vector<1x1x1x16xf32>,
          %swap3A_716 = vector.shape_cast %swap3A_715 : vector<1x1x1x16xf32> to vector<16xf32>
          %swap3A_717 = vector.shape_cast %get3A_708 : vector<16xf32> to vector<1x1x1x16xf32>
          tpu.vector_store %arg5[%swap3A_711, %swap3A_712, %swap3A_713, %swap3A_714], %swap3A_717 {add = true, strides = array<i32>} : memref<4x4x4x1024xf32, #tpu.memory_space<vmem>>, vector<1x1x1x16xf32>,
          %swap3A_718 = arith.constant 2 : i32
          %swap3A_719 = arith.constant 1 : i32
          %swap3A_720 = arith.index_cast %swap3A_718 : i32 to index
          %swap3A_721 = arith.index_cast %swap3A_719 : i32 to index
          %swap3A_722 = arith.index_cast %add3A_442 : i32 to index
          %swap3A_723 = arith.index_cast %mul3A_702 : i32 to index
          %swap3A_724 = tpu.vector_load %arg5[%swap3A_720, %swap3A_721, %swap3A_722, %swap3A_723] {strides = array<i32>} : memref<4x4x4x1024xf32, #tpu.memory_space<vmem>>, vector<1x1x1x16xf32>,
          %swap3A_725 = vector.shape_cast %swap3A_724 : vector<1x1x1x16xf32> to vector<16xf32>
          %swap3A_726 = vector.shape_cast %get3A_708 : vector<16xf32> to vector<1x1x1x16xf32>
          tpu.vector_store %arg5[%swap3A_720, %swap3A_721, %swap3A_722, %swap3A_723], %swap3A_726 {add = true, strides = array<i32>} : memref<4x4x4x1024xf32, #tpu.memory_space<vmem>>, vector<1x1x1x16xf32>,
          %swap3A_727 = arith.constant 2 : i32
          %swap3A_728 = arith.constant 2 : i32
          %swap3A_729 = arith.index_cast %swap3A_727 : i32 to index
          %swap3A_730 = arith.index_cast %swap3A_728 : i32 to index
          %swap3A_731 = arith.index_cast %add3A_442 : i32 to index
          %swap3A_732 = arith.index_cast %mul3A_702 : i32 to index
          %swap3A_733 = tpu.vector_load %arg5[%swap3A_729, %swap3A_730, %swap3A_731, %swap3A_732] {strides = array<i32>} : memref<4x4x4x1024xf32, #tpu.memory_space<vmem>>, vector<1x1x1x16xf32>,
          %swap3A_734 = vector.shape_cast %swap3A_733 : vector<1x1x1x16xf32> to vector<16xf32>
          %swap3A_735 = vector.shape_cast %get3A_708 : vector<16xf32> to vector<1x1x1x16xf32>
          tpu.vector_store %arg5[%swap3A_729, %swap3A_730, %swap3A_731, %swap3A_732], %swap3A_735 {add = true, strides = array<i32>} : memref<4x4x4x1024xf32, #tpu.memory_space<vmem>>, vector<1x1x1x16xf32>,
          %swap3A_736 = arith.constant 2 : i32
          %swap3A_737 = arith.constant 3 : i32
          %swap3A_738 = arith.index_cast %swap3A_736 : i32 to index
          %swap3A_739 = arith.index_cast %swap3A_737 : i32 to index
          %swap3A_740 = arith.index_cast %add3A_442 : i32 to index
          %swap3A_741 = arith.index_cast %mul3A_702 : i32 to index
          %swap3A_742 = tpu.vector_load %arg5[%swap3A_738, %swap3A_739, %swap3A_740, %swap3A_741] {strides = array<i32>} : memref<4x4x4x1024xf32, #tpu.memory_space<vmem>>, vector<1x1x1x16xf32>,
          %swap3A_743 = vector.shape_cast %swap3A_742 : vector<1x1x1x16xf32> to vector<16xf32>
          %swap3A_744 = vector.shape_cast %get3A_708 : vector<16xf32> to vector<1x1x1x16xf32>
          tpu.vector_store %arg5[%swap3A_738, %swap3A_739, %swap3A_740, %swap3A_741], %swap3A_744 {add = true, strides = array<i32>} : memref<4x4x4x1024xf32, #tpu.memory_space<vmem>>, vector<1x1x1x16xf32>,
          %scan3A_745 = arith.constant 6 : i32
          %scan3A_746 = arith.addi %scan3A_448, %scan3A_745 : i32
          %mul3A_747 = arith.constant 1 : i32
          %mul3A_748 = arith.muli %scan3A_746, %mul3A_747 : i32
          %add3A_749 = arith.constant 0 : i32
          %add3A_750 = arith.addi %add3A_749, %mul3A_748 : i32
          %mul3A_751 = arith.constant 16 : i32
          %mul3A_752 = arith.muli %add3A_750, %mul3A_751 : i32
          %get3A_753 = arith.constant 2 : i32
          %get3A_754 = arith.index_cast %get3A_753 : i32 to index
          %get3A_755 = arith.index_cast %add3A_442 : i32 to index
          %get3A_756 = arith.index_cast %mul3A_752 : i32 to index
          %get3A_757 = tpu.vector_load %arg6[%get3A_754, %get3A_755, %get3A_756] {strides = array<i32>} : memref<4x4x1024xf32, #tpu.memory_space<vmem>>, vector<1x1x16xf32>,
          %get3A_758 = vector.shape_cast %get3A_757 : vector<1x1x16xf32> to vector<16xf32>
          %swap3A_759 = arith.constant 2 : i32
          %swap3A_760 = arith.constant 0 : i32
          %swap3A_761 = arith.index_cast %swap3A_759 : i32 to index
          %swap3A_762 = arith.index_cast %swap3A_760 : i32 to index
          %swap3A_763 = arith.index_cast %add3A_442 : i32 to index
          %swap3A_764 = arith.index_cast %mul3A_752 : i32 to index
          %swap3A_765 = tpu.vector_load %arg5[%swap3A_761, %swap3A_762, %swap3A_763, %swap3A_764] {strides = array<i32>} : memref<4x4x4x1024xf32, #tpu.memory_space<vmem>>, vector<1x1x1x16xf32>,
          %swap3A_766 = vector.shape_cast %swap3A_765 : vector<1x1x1x16xf32> to vector<16xf32>
          %swap3A_767 = vector.shape_cast %get3A_758 : vector<16xf32> to vector<1x1x1x16xf32>
          tpu.vector_store %arg5[%swap3A_761, %swap3A_762, %swap3A_763, %swap3A_764], %swap3A_767 {add = true, strides = array<i32>} : memref<4x4x4x1024xf32, #tpu.memory_space<vmem>>, vector<1x1x1x16xf32>,
          %swap3A_768 = arith.constant 2 : i32
          %swap3A_769 = arith.constant 1 : i32
          %swap3A_770 = arith.index_cast %swap3A_768 : i32 to index
          %swap3A_771 = arith.index_cast %swap3A_769 : i32 to index
          %swap3A_772 = arith.index_cast %add3A_442 : i32 to index
          %swap3A_773 = arith.index_cast %mul3A_752 : i32 to index
          %swap3A_774 = tpu.vector_load %arg5[%swap3A_770, %swap3A_771, %swap3A_772, %swap3A_773] {strides = array<i32>} : memref<4x4x4x1024xf32, #tpu.memory_space<vmem>>, vector<1x1x1x16xf32>,
          %swap3A_775 = vector.shape_cast %swap3A_774 : vector<1x1x1x16xf32> to vector<16xf32>
          %swap3A_776 = vector.shape_cast %get3A_758 : vector<16xf32> to vector<1x1x1x16xf32>
          tpu.vector_store %arg5[%swap3A_770, %swap3A_771, %swap3A_772, %swap3A_773], %swap3A_776 {add = true, strides = array<i32>} : memref<4x4x4x1024xf32, #tpu.memory_space<vmem>>, vector<1x1x1x16xf32>,
          %swap3A_777 = arith.constant 2 : i32
          %swap3A_778 = arith.constant 2 : i32
          %swap3A_779 = arith.index_cast %swap3A_777 : i32 to index
          %swap3A_780 = arith.index_cast %swap3A_778 : i32 to index
          %swap3A_781 = arith.index_cast %add3A_442 : i32 to index
          %swap3A_782 = arith.index_cast %mul3A_752 : i32 to index
          %swap3A_783 = tpu.vector_load %arg5[%swap3A_779, %swap3A_780, %swap3A_781, %swap3A_782] {strides = array<i32>} : memref<4x4x4x1024xf32, #tpu.memory_space<vmem>>, vector<1x1x1x16xf32>,
          %swap3A_784 = vector.shape_cast %swap3A_783 : vector<1x1x1x16xf32> to vector<16xf32>
          %swap3A_785 = vector.shape_cast %get3A_758 : vector<16xf32> to vector<1x1x1x16xf32>
          tpu.vector_store %arg5[%swap3A_779, %swap3A_780, %swap3A_781, %swap3A_782], %swap3A_785 {add = true, strides = array<i32>} : memref<4x4x4x1024xf32, #tpu.memory_space<vmem>>, vector<1x1x1x16xf32>,
          %swap3A_786 = arith.constant 2 : i32
          %swap3A_787 = arith.constant 3 : i32
          %swap3A_788 = arith.index_cast %swap3A_786 : i32 to index
          %swap3A_789 = arith.index_cast %swap3A_787 : i32 to index
          %swap3A_790 = arith.index_cast %add3A_442 : i32 to index
          %swap3A_791 = arith.index_cast %mul3A_752 : i32 to index
          %swap3A_792 = tpu.vector_load %arg5[%swap3A_788, %swap3A_789, %swap3A_790, %swap3A_791] {strides = array<i32>} : memref<4x4x4x1024xf32, #tpu.memory_space<vmem>>, vector<1x1x1x16xf32>,
          %swap3A_793 = vector.shape_cast %swap3A_792 : vector<1x1x1x16xf32> to vector<16xf32>
          %swap3A_794 = vector.shape_cast %get3A_758 : vector<16xf32> to vector<1x1x1x16xf32>
          tpu.vector_store %arg5[%swap3A_788, %swap3A_789, %swap3A_790, %swap3A_791], %swap3A_794 {add = true, strides = array<i32>} : memref<4x4x4x1024xf32, #tpu.memory_space<vmem>>, vector<1x1x1x16xf32>,
          %scan3A_795 = arith.constant 7 : i32
          %scan3A_796 = arith.addi %scan3A_448, %scan3A_795 : i32
          %mul3A_797 = arith.constant 1 : i32
          %mul3A_798 = arith.muli %scan3A_796, %mul3A_797 : i32
          %add3A_799 = arith.constant 0 : i32
          %add3A_800 = arith.addi %add3A_799, %mul3A_798 : i32
          %mul3A_801 = arith.constant 16 : i32
          %mul3A_802 = arith.muli %add3A_800, %mul3A_801 : i32
          %get3A_803 = arith.constant 2 : i32
          %get3A_804 = arith.index_cast %get3A_803 : i32 to index
          %get3A_805 = arith.index_cast %add3A_442 : i32 to index
          %get3A_806 = arith.index_cast %mul3A_802 : i32 to index
          %get3A_807 = tpu.vector_load %arg6[%get3A_804, %get3A_805, %get3A_806] {strides = array<i32>} : memref<4x4x1024xf32, #tpu.memory_space<vmem>>, vector<1x1x16xf32>,
          %get3A_808 = vector.shape_cast %get3A_807 : vector<1x1x16xf32> to vector<16xf32>
          %swap3A_809 = arith.constant 2 : i32
          %swap3A_810 = arith.constant 0 : i32
          %swap3A_811 = arith.index_cast %swap3A_809 : i32 to index
          %swap3A_812 = arith.index_cast %swap3A_810 : i32 to index
          %swap3A_813 = arith.index_cast %add3A_442 : i32 to index
          %swap3A_814 = arith.index_cast %mul3A_802 : i32 to index
          %swap3A_815 = tpu.vector_load %arg5[%swap3A_811, %swap3A_812, %swap3A_813, %swap3A_814] {strides = array<i32>} : memref<4x4x4x1024xf32, #tpu.memory_space<vmem>>, vector<1x1x1x16xf32>,
          %swap3A_816 = vector.shape_cast %swap3A_815 : vector<1x1x1x16xf32> to vector<16xf32>
          %swap3A_817 = vector.shape_cast %get3A_808 : vector<16xf32> to vector<1x1x1x16xf32>
          tpu.vector_store %arg5[%swap3A_811, %swap3A_812, %swap3A_813, %swap3A_814], %swap3A_817 {add = true, strides = array<i32>} : memref<4x4x4x1024xf32, #tpu.memory_space<vmem>>, vector<1x1x1x16xf32>,
          %swap3A_818 = arith.constant 2 : i32
          %swap3A_819 = arith.constant 1 : i32
          %swap3A_820 = arith.index_cast %swap3A_818 : i32 to index
          %swap3A_821 = arith.index_cast %swap3A_819 : i32 to index
          %swap3A_822 = arith.index_cast %add3A_442 : i32 to index
          %swap3A_823 = arith.index_cast %mul3A_802 : i32 to index
          %swap3A_824 = tpu.vector_load %arg5[%swap3A_820, %swap3A_821, %swap3A_822, %swap3A_823] {strides = array<i32>} : memref<4x4x4x1024xf32, #tpu.memory_space<vmem>>, vector<1x1x1x16xf32>,
          %swap3A_825 = vector.shape_cast %swap3A_824 : vector<1x1x1x16xf32> to vector<16xf32>
          %swap3A_826 = vector.shape_cast %get3A_808 : vector<16xf32> to vector<1x1x1x16xf32>
          tpu.vector_store %arg5[%swap3A_820, %swap3A_821, %swap3A_822, %swap3A_823], %swap3A_826 {add = true, strides = array<i32>} : memref<4x4x4x1024xf32, #tpu.memory_space<vmem>>, vector<1x1x1x16xf32>,
          %swap3A_827 = arith.constant 2 : i32
          %swap3A_828 = arith.constant 2 : i32
          %swap3A_829 = arith.index_cast %swap3A_827 : i32 to index
          %swap3A_830 = arith.index_cast %swap3A_828 : i32 to index
          %swap3A_831 = arith.index_cast %add3A_442 : i32 to index
          %swap3A_832 = arith.index_cast %mul3A_802 : i32 to index
          %swap3A_833 = tpu.vector_load %arg5[%swap3A_829, %swap3A_830, %swap3A_831, %swap3A_832] {strides = array<i32>} : memref<4x4x4x1024xf32, #tpu.memory_space<vmem>>, vector<1x1x1x16xf32>,
          %swap3A_834 = vector.shape_cast %swap3A_833 : vector<1x1x1x16xf32> to vector<16xf32>
          %swap3A_835 = vector.shape_cast %get3A_808 : vector<16xf32> to vector<1x1x1x16xf32>
          tpu.vector_store %arg5[%swap3A_829, %swap3A_830, %swap3A_831, %swap3A_832], %swap3A_835 {add = true, strides = array<i32>} : memref<4x4x4x1024xf32, #tpu.memory_space<vmem>>, vector<1x1x1x16xf32>,
          %swap3A_836 = arith.constant 2 : i32
          %swap3A_837 = arith.constant 3 : i32
          %swap3A_838 = arith.index_cast %swap3A_836 : i32 to index
          %swap3A_839 = arith.index_cast %swap3A_837 : i32 to index
          %swap3A_840 = arith.index_cast %add3A_442 : i32 to index
          %swap3A_841 = arith.index_cast %mul3A_802 : i32 to index
          %swap3A_842 = tpu.vector_load %arg5[%swap3A_838, %swap3A_839, %swap3A_840, %swap3A_841] {strides = array<i32>} : memref<4x4x4x1024xf32, #tpu.memory_space<vmem>>, vector<1x1x1x16xf32>,
          %swap3A_843 = vector.shape_cast %swap3A_842 : vector<1x1x1x16xf32> to vector<16xf32>
          %swap3A_844 = vector.shape_cast %get3A_808 : vector<16xf32> to vector<1x1x1x16xf32>
          tpu.vector_store %arg5[%swap3A_838, %swap3A_839, %swap3A_840, %swap3A_841], %swap3A_844 {add = true, strides = array<i32>} : memref<4x4x4x1024xf32, #tpu.memory_space<vmem>>, vector<1x1x1x16xf32>,
        }
        %scan3A_447 = arith.constant 64 : i32
      }
      %scan3A_336 = arith.constant 4 : i32
      %mul3A_337 = arith.constant 4 : i32
      %mul3A_338 = arith.muli %add3A_283, %mul3A_337 : i32
      %add3A_339 = arith.addi %mul3A_2, %mul3A_338 : i32
      %dma_start3A_340 = arith.constant 2 : i32
      %dma_start3A_341 = arith.constant 2 : i32
      %dma_start3A_342 = arith.constant 0 : i32
      %dma_start3A_343 = arith.constant 0 : i32
      %dma_start3A_344 = arith.constant 0 : i32
      %dma_start3A_345 = tpu.memref_slice %arg5[%dma_start3A_340, %dma_start3A_342, %dma_start3A_343, %dma_start3A_344] : memref<4x4x4x1024xf32, #tpu.memory_space<vmem>> -> memref<1x4x4x1024xf32, #tpu.memory_space<vmem>>
      %dma_start3A_346 = tpu.memref_squeeze %dma_start3A_345 : memref<1x4x4x1024xf32, #tpu.memory_space<vmem>> -> memref<4x4x1024xf32, #tpu.memory_space<vmem>>
      %dma_start3A_347 = arith.constant 0 : i32
      %dma_start3A_348 = arith.constant 0 : i32
      %dma_start3A_349 = tpu.memref_slice %arg4[%dma_start3A_347, %add3A_339, %dma_start3A_348] : memref<4x4096x1024xf32, #tpu.memory_space<hbm>> -> memref<4x4x1024xf32, #tpu.memory_space<hbm>>
      %dma_start3A_350 = tpu.memref_slice %arg9[%dma_start3A_341] : memref<4x!tpu.dma_semaphore, #tpu.memory_space<semaphore_mem>> -> memref<1x!tpu.dma_semaphore, #tpu.memory_space<semaphore_mem>>
      %dma_start3A_351 = tpu.memref_squeeze %dma_start3A_350 : memref<1x!tpu.dma_semaphore, #tpu.memory_space<semaphore_mem>> -> memref<!tpu.dma_semaphore, #tpu.memory_space<semaphore_mem>>
      %dma_start3A_352 = arith.constant 0 : i32
      %dma_start3A_353 = arith.constant 0 : i32
      %dma_start3A_354 = tpu.memref_slice %arg4[%dma_start3A_352, %add3A_339, %dma_start3A_353] : memref<4x4096x1024xf32, #tpu.memory_space<hbm>> -> memref<4x4x1024xf32, #tpu.memory_space<hbm>>
      %dma_start3A_355 = arith.constant 0 : i32
      %dma_start3A_356 = arith.constant 0 : i32
      %dma_start3A_357 = arith.constant 0 : i32
      %dma_start3A_358 = tpu.memref_slice %arg5[%dma_start3A_340, %dma_start3A_355, %dma_start3A_356, %dma_start3A_357] : memref<4x4x4x1024xf32, #tpu.memory_space<vmem>> -> memref<1x4x4x1024xf32, #tpu.memory_space<vmem>>
      %dma_start3A_359 = tpu.memref_squeeze %dma_start3A_358 : memref<1x4x4x1024xf32, #tpu.memory_space<vmem>> -> memref<4x4x1024xf32, #tpu.memory_space<vmem>>
      tpu.enqueue_dma source(%dma_start3A_359 : memref<4x4x1024xf32, #tpu.memory_space<vmem>>) target(%dma_start3A_354 : memref<4x4x1024xf32, #tpu.memory_space<hbm>>) target_semaphore(%dma_start3A_351 : memref<!tpu.dma_semaphore, #tpu.memory_space<semaphore_mem>>)
      %add3A_360 = arith.constant 3 : i32
      %add3A_361 = arith.addi %add3A_129, %add3A_360 : i32
      %ge3A_362 = arith.constant 2 : i32
      %ge3A_363 = arith.cmpi sge, %add3A_361, %ge3A_362 : i32
      %convert_element_type3A_364 = arith.extui %ge3A_363 : i1 to i32
      %cond3A_365 = arith.constant 0 : i32
      %cond3A_366 = arith.cmpi ne, %convert_element_type3A_364, %cond3A_365 : i32
      scf.if %cond3A_366 {
        %dma_wait3A_438 = arith.constant 1 : i32
        %dma_wait3A_439 = arith.constant 1 : i32
        %dma_wait3A_440 = arith.constant 0 : i32
        %dma_wait3A_441 = arith.constant 0 : i32
        %dma_wait3A_442 = arith.constant 0 : i32
        %dma_wait3A_443 = tpu.memref_slice %arg5[%dma_wait3A_438, %dma_wait3A_440, %dma_wait3A_441, %dma_wait3A_442] : memref<4x4x4x1024xf32, #tpu.memory_space<vmem>> -> memref<1x4x4x1024xf32, #tpu.memory_space<vmem>>
        %dma_wait3A_444 = tpu.memref_squeeze %dma_wait3A_443 : memref<1x4x4x1024xf32, #tpu.memory_space<vmem>> -> memref<4x4x1024xf32, #tpu.memory_space<vmem>>
        %dma_wait3A_445 = arith.constant 0 : i32
        %dma_wait3A_446 = arith.constant 0 : i32
        %dma_wait3A_447 = tpu.memref_slice %arg4[%dma_wait3A_445, %mul3A_2, %dma_wait3A_446] : memref<4x4096x1024xf32, #tpu.memory_space<hbm>> -> memref<4x4x1024xf32, #tpu.memory_space<hbm>>
        %dma_wait3A_448 = tpu.memref_slice %arg9[%dma_wait3A_439] : memref<4x!tpu.dma_semaphore, #tpu.memory_space<semaphore_mem>> -> memref<1x!tpu.dma_semaphore, #tpu.memory_space<semaphore_mem>>
        %dma_wait3A_449 = tpu.memref_squeeze %dma_wait3A_448 : memref<1x!tpu.dma_semaphore, #tpu.memory_space<semaphore_mem>> -> memref<!tpu.dma_semaphore, #tpu.memory_space<semaphore_mem>>
        %dma_wait3A_450 = arith.constant 0 : i32
        %dma_wait3A_451 = arith.constant 0 : i32
        %dma_wait3A_452 = tpu.memref_slice %arg4[%dma_wait3A_450, %mul3A_2, %dma_wait3A_451] : memref<4x4096x1024xf32, #tpu.memory_space<hbm>> -> memref<4x4x1024xf32, #tpu.memory_space<hbm>>
        %dma_wait3A_453 = arith.constant 0 : i32
        %dma_wait3A_454 = arith.constant 0 : i32
        %dma_wait3A_455 = arith.constant 0 : i32
        %dma_wait3A_456 = tpu.memref_slice %arg5[%dma_wait3A_438, %dma_wait3A_453, %dma_wait3A_454, %dma_wait3A_455] : memref<4x4x4x1024xf32, #tpu.memory_space<vmem>> -> memref<1x4x4x1024xf32, #tpu.memory_space<vmem>>
        %dma_wait3A_457 = tpu.memref_squeeze %dma_wait3A_456 : memref<1x4x4x1024xf32, #tpu.memory_space<vmem>> -> memref<4x4x1024xf32, #tpu.memory_space<vmem>>
        tpu.wait_dma2 semaphore(%dma_wait3A_449 : memref<!tpu.dma_semaphore, #tpu.memory_space<semaphore_mem>>) src(%dma_wait3A_457 : memref<4x4x1024xf32, #tpu.memory_space<vmem>>) dst(%dma_wait3A_452 : memref<4x4x1024xf32, #tpu.memory_space<hbm>>)
      } else {
      }
      %add3A_367 = arith.constant 2 : i32
      %add3A_368 = arith.addi %add3A_361, %add3A_367 : i32
      %lt3A_369 = arith.constant 32 : i32
      %lt3A_370 = arith.cmpi slt, %add3A_368, %lt3A_369 : i32
      %convert_element_type3A_371 = arith.extui %lt3A_370 : i1 to i32
      %cond3A_372 = arith.constant 0 : i32
      %cond3A_373 = arith.cmpi ne, %convert_element_type3A_371, %cond3A_372 : i32
      scf.if %cond3A_373 {
        %add3A_438 = arith.constant 2 : i32
        %add3A_439 = arith.addi %add3A_361, %add3A_438 : i32
        %mul3A_440 = arith.constant 4 : i32
        %mul3A_441 = arith.muli %add3A_439, %mul3A_440 : i32
        %add3A_442 = arith.addi %mul3A_2, %mul3A_441 : i32
        %dma_start3A_443 = arith.constant 1 : i32
        %dma_start3A_444 = arith.constant 1 : i32
        %dma_start3A_445 = arith.constant 0 : i32
        %dma_start3A_446 = arith.constant 0 : i32
        %dma_start3A_447 = arith.constant 0 : i32
        %dma_start3A_448 = tpu.memref_slice %arg5[%dma_start3A_443, %dma_start3A_445, %dma_start3A_446, %dma_start3A_447] : memref<4x4x4x1024xf32, #tpu.memory_space<vmem>> -> memref<1x4x4x1024xf32, #tpu.memory_space<vmem>>
        %dma_start3A_449 = tpu.memref_squeeze %dma_start3A_448 : memref<1x4x4x1024xf32, #tpu.memory_space<vmem>> -> memref<4x4x1024xf32, #tpu.memory_space<vmem>>
        %dma_start3A_450 = arith.constant 0 : i32
        %dma_start3A_451 = arith.constant 0 : i32
        %dma_start3A_452 = tpu.memref_slice %arg2[%dma_start3A_450, %add3A_442, %dma_start3A_451] : memref<4x4096x1024xf32, #tpu.memory_space<hbm>> -> memref<4x4x1024xf32, #tpu.memory_space<hbm>>
        %dma_start3A_453 = tpu.memref_slice %arg7[%dma_start3A_444] : memref<4x!tpu.dma_semaphore, #tpu.memory_space<semaphore_mem>> -> memref<1x!tpu.dma_semaphore, #tpu.memory_space<semaphore_mem>>
        %dma_start3A_454 = tpu.memref_squeeze %dma_start3A_453 : memref<1x!tpu.dma_semaphore, #tpu.memory_space<semaphore_mem>> -> memref<!tpu.dma_semaphore, #tpu.memory_space<semaphore_mem>>
        %dma_start3A_455 = arith.constant 0 : i32
        %dma_start3A_456 = arith.constant 0 : i32
        %dma_start3A_457 = arith.constant 0 : i32
        %dma_start3A_458 = tpu.memref_slice %arg5[%dma_start3A_443, %dma_start3A_455, %dma_start3A_456, %dma_start3A_457] : memref<4x4x4x1024xf32, #tpu.memory_space<vmem>> -> memref<1x4x4x1024xf32, #tpu.memory_space<vmem>>
        %dma_start3A_459 = tpu.memref_squeeze %dma_start3A_458 : memref<1x4x4x1024xf32, #tpu.memory_space<vmem>> -> memref<4x4x1024xf32, #tpu.memory_space<vmem>>
        %dma_start3A_460 = arith.constant 0 : i32
        %dma_start3A_461 = arith.constant 0 : i32
        %dma_start3A_462 = tpu.memref_slice %arg2[%dma_start3A_460, %add3A_442, %dma_start3A_461] : memref<4x4096x1024xf32, #tpu.memory_space<hbm>> -> memref<4x4x1024xf32, #tpu.memory_space<hbm>>
        tpu.enqueue_dma source(%dma_start3A_462 : memref<4x4x1024xf32, #tpu.memory_space<hbm>>) target(%dma_start3A_459 : memref<4x4x1024xf32, #tpu.memory_space<vmem>>) target_semaphore(%dma_start3A_454 : memref<!tpu.dma_semaphore, #tpu.memory_space<semaphore_mem>>)
        %add3A_463 = arith.constant 2 : i32
        %add3A_464 = arith.addi %add3A_361, %add3A_463 : i32
        %mul3A_465 = arith.constant 4 : i32
        %mul3A_466 = arith.muli %add3A_464, %mul3A_465 : i32
        %add3A_467 = arith.addi %mul3A_2, %mul3A_466 : i32
        %dma_start3A_468 = arith.constant 1 : i32
        %dma_start3A_469 = arith.constant 1 : i32
        %dma_start3A_470 = arith.constant 0 : i32
        %dma_start3A_471 = arith.constant 0 : i32
        %dma_start3A_472 = tpu.memref_slice %arg6[%dma_start3A_468, %dma_start3A_470, %dma_start3A_471] : memref<4x4x1024xf32, #tpu.memory_space<vmem>> -> memref<1x4x1024xf32, #tpu.memory_space<vmem>>
        %dma_start3A_473 = tpu.memref_squeeze %dma_start3A_472 : memref<1x4x1024xf32, #tpu.memory_space<vmem>> -> memref<4x1024xf32, #tpu.memory_space<vmem>>
        %dma_start3A_474 = arith.constant 0 : i32
        %dma_start3A_475 = tpu.memref_slice %arg3[%add3A_467, %dma_start3A_474] : memref<8192x1024xf32, #tpu.memory_space<hbm>> -> memref<4x1024xf32, #tpu.memory_space<hbm>>
        %dma_start3A_476 = tpu.memref_slice %arg8[%dma_start3A_469] : memref<4x!tpu.dma_semaphore, #tpu.memory_space<semaphore_mem>> -> memref<1x!tpu.dma_semaphore, #tpu.memory_space<semaphore_mem>>
        %dma_start3A_477 = tpu.memref_squeeze %dma_start3A_476 : memref<1x!tpu.dma_semaphore, #tpu.memory_space<semaphore_mem>> -> memref<!tpu.dma_semaphore, #tpu.memory_space<semaphore_mem>>
        %dma_start3A_478 = arith.constant 0 : i32
        %dma_start3A_479 = arith.constant 0 : i32
        %dma_start3A_480 = tpu.memref_slice %arg6[%dma_start3A_468, %dma_start3A_478, %dma_start3A_479] : memref<4x4x1024xf32, #tpu.memory_space<vmem>> -> memref<1x4x1024xf32, #tpu.memory_space<vmem>>
        %dma_start3A_481 = tpu.memref_squeeze %dma_start3A_480 : memref<1x4x1024xf32, #tpu.memory_space<vmem>> -> memref<4x1024xf32, #tpu.memory_space<vmem>>
        %dma_start3A_482 = arith.constant 0 : i32
        %dma_start3A_483 = tpu.memref_slice %arg3[%add3A_467, %dma_start3A_482] : memref<8192x1024xf32, #tpu.memory_space<hbm>> -> memref<4x1024xf32, #tpu.memory_space<hbm>>
        tpu.enqueue_dma source(%dma_start3A_483 : memref<4x1024xf32, #tpu.memory_space<hbm>>) target(%dma_start3A_481 : memref<4x1024xf32, #tpu.memory_space<vmem>>) target_semaphore(%dma_start3A_477 : memref<!tpu.dma_semaphore, #tpu.memory_space<semaphore_mem>>)
      } else {
      }
      %dma_wait3A_374 = arith.constant 3 : i32
      %dma_wait3A_375 = arith.constant 3 : i32
      %dma_wait3A_376 = arith.constant 0 : i32
      %dma_wait3A_377 = arith.constant 0 : i32
      %dma_wait3A_378 = arith.constant 0 : i32
      %dma_wait3A_379 = tpu.memref_slice %arg5[%dma_wait3A_374, %dma_wait3A_376, %dma_wait3A_377, %dma_wait3A_378] : memref<4x4x4x1024xf32, #tpu.memory_space<vmem>> -> memref<1x4x4x1024xf32, #tpu.memory_space<vmem>>
      %dma_wait3A_380 = tpu.memref_squeeze %dma_wait3A_379 : memref<1x4x4x1024xf32, #tpu.memory_space<vmem>> -> memref<4x4x1024xf32, #tpu.memory_space<vmem>>
      %dma_wait3A_381 = arith.constant 0 : i32
      %dma_wait3A_382 = arith.constant 0 : i32
      %dma_wait3A_383 = tpu.memref_slice %arg2[%dma_wait3A_381, %mul3A_2, %dma_wait3A_382] : memref<4x4096x1024xf32, #tpu.memory_space<hbm>> -> memref<4x4x1024xf32, #tpu.memory_space<hbm>>
      %dma_wait3A_384 = tpu.memref_slice %arg7[%dma_wait3A_375] : memref<4x!tpu.dma_semaphore, #tpu.memory_space<semaphore_mem>> -> memref<1x!tpu.dma_semaphore, #tpu.memory_space<semaphore_mem>>
      %dma_wait3A_385 = tpu.memref_squeeze %dma_wait3A_384 : memref<1x!tpu.dma_semaphore, #tpu.memory_space<semaphore_mem>> -> memref<!tpu.dma_semaphore, #tpu.memory_space<semaphore_mem>>
      %dma_wait3A_386 = arith.constant 0 : i32
      %dma_wait3A_387 = arith.constant 0 : i32
      %dma_wait3A_388 = arith.constant 0 : i32
      %dma_wait3A_389 = tpu.memref_slice %arg5[%dma_wait3A_374, %dma_wait3A_386, %dma_wait3A_387, %dma_wait3A_388] : memref<4x4x4x1024xf32, #tpu.memory_space<vmem>> -> memref<1x4x4x1024xf32, #tpu.memory_space<vmem>>
      %dma_wait3A_390 = tpu.memref_squeeze %dma_wait3A_389 : memref<1x4x4x1024xf32, #tpu.memory_space<vmem>> -> memref<4x4x1024xf32, #tpu.memory_space<vmem>>
      %dma_wait3A_391 = arith.constant 0 : i32
      %dma_wait3A_392 = arith.constant 0 : i32
      %dma_wait3A_393 = tpu.memref_slice %arg2[%dma_wait3A_391, %mul3A_2, %dma_wait3A_392] : memref<4x4096x1024xf32, #tpu.memory_space<hbm>> -> memref<4x4x1024xf32, #tpu.memory_space<hbm>>
      tpu.wait_dma2 semaphore(%dma_wait3A_385 : memref<!tpu.dma_semaphore, #tpu.memory_space<semaphore_mem>>) src(%dma_wait3A_393 : memref<4x4x1024xf32, #tpu.memory_space<hbm>>) dst(%dma_wait3A_390 : memref<4x4x1024xf32, #tpu.memory_space<vmem>>)
      %dma_wait3A_394 = arith.constant 3 : i32
      %dma_wait3A_395 = arith.constant 3 : i32
      %dma_wait3A_396 = arith.constant 0 : i32
      %dma_wait3A_397 = arith.constant 0 : i32
      %dma_wait3A_398 = tpu.memref_slice %arg6[%dma_wait3A_394, %dma_wait3A_396, %dma_wait3A_397] : memref<4x4x1024xf32, #tpu.memory_space<vmem>> -> memref<1x4x1024xf32, #tpu.memory_space<vmem>>
      %dma_wait3A_399 = tpu.memref_squeeze %dma_wait3A_398 : memref<1x4x1024xf32, #tpu.memory_space<vmem>> -> memref<4x1024xf32, #tpu.memory_space<vmem>>
      %dma_wait3A_400 = arith.constant 0 : i32
      %dma_wait3A_401 = tpu.memref_slice %arg3[%mul3A_2, %dma_wait3A_400] : memref<8192x1024xf32, #tpu.memory_space<hbm>> -> memref<4x1024xf32, #tpu.memory_space<hbm>>
      %dma_wait3A_402 = tpu.memref_slice %arg8[%dma_wait3A_395] : memref<4x!tpu.dma_semaphore, #tpu.memory_space<semaphore_mem>> -> memref<1x!tpu.dma_semaphore, #tpu.memory_space<semaphore_mem>>
      %dma_wait3A_403 = tpu.memref_squeeze %dma_wait3A_402 : memref<1x!tpu.dma_semaphore, #tpu.memory_space<semaphore_mem>> -> memref<!tpu.dma_semaphore, #tpu.memory_space<semaphore_mem>>
      %dma_wait3A_404 = arith.constant 0 : i32
      %dma_wait3A_405 = arith.constant 0 : i32
      %dma_wait3A_406 = tpu.memref_slice %arg6[%dma_wait3A_394, %dma_wait3A_404, %dma_wait3A_405] : memref<4x4x1024xf32, #tpu.memory_space<vmem>> -> memref<1x4x1024xf32, #tpu.memory_space<vmem>>
      %dma_wait3A_407 = tpu.memref_squeeze %dma_wait3A_406 : memref<1x4x1024xf32, #tpu.memory_space<vmem>> -> memref<4x1024xf32, #tpu.memory_space<vmem>>
      %dma_wait3A_408 = arith.constant 0 : i32
      %dma_wait3A_409 = tpu.memref_slice %arg3[%mul3A_2, %dma_wait3A_408] : memref<8192x1024xf32, #tpu.memory_space<hbm>> -> memref<4x1024xf32, #tpu.memory_space<hbm>>
      tpu.wait_dma2 semaphore(%dma_wait3A_403 : memref<!tpu.dma_semaphore, #tpu.memory_space<semaphore_mem>>) src(%dma_wait3A_409 : memref<4x1024xf32, #tpu.memory_space<hbm>>) dst(%dma_wait3A_407 : memref<4x1024xf32, #tpu.memory_space<vmem>>)
      %scan3A_410 = arith.constant 0 : i32
      %scan3A_411 = arith.constant 4 : i32
      %scan3A_412 = arith.addi %scan3A_410, %scan3A_411 : i32
      %scan3A_413 = arith.constant 1 : i32
      scf.for %scan3A_438 = %scan3A_410 to %scan3A_412 step %scan3A_413  : i32 {
        %mul3A_439 = arith.constant 1 : i32
        %mul3A_440 = arith.muli %scan3A_438, %mul3A_439 : i32
        %add3A_441 = arith.constant 0 : i32
        %add3A_442 = arith.addi %add3A_441, %mul3A_440 : i32
        %scan3A_443 = arith.constant 0 : i32
        %scan3A_444 = arith.constant 64 : i32
        %scan3A_445 = arith.addi %scan3A_443, %scan3A_444 : i32
        %scan3A_446 = arith.constant 8 : i32
        scf.for %scan3A_448 = %scan3A_443 to %scan3A_445 step %scan3A_446  : i32 {
          %mul3A_449 = arith.constant 1 : i32
          %mul3A_450 = arith.muli %scan3A_448, %mul3A_449 : i32
          %add3A_451 = arith.constant 0 : i32
          %add3A_452 = arith.addi %add3A_451, %mul3A_450 : i32
          %mul3A_453 = arith.constant 16 : i32
          %mul3A_454 = arith.muli %add3A_452, %mul3A_453 : i32
          %get3A = arith.constant 3 : i32
          %get3A_455 = arith.index_cast %get3A : i32 to index
          %get3A_456 = arith.index_cast %add3A_442 : i32 to index
          %get3A_457 = arith.index_cast %mul3A_454 : i32 to index
          %get3A_458 = tpu.vector_load %arg6[%get3A_455, %get3A_456, %get3A_457] {strides = array<i32>} : memref<4x4x1024xf32, #tpu.memory_space<vmem>>, vector<1x1x16xf32>,
          %get3A_459 = vector.shape_cast %get3A_458 : vector<1x1x16xf32> to vector<16xf32>
          %swap3A = arith.constant 3 : i32
          %swap3A_460 = arith.constant 0 : i32
          %swap3A_461 = arith.index_cast %swap3A : i32 to index
          %swap3A_462 = arith.index_cast %swap3A_460 : i32 to index
          %swap3A_463 = arith.index_cast %add3A_442 : i32 to index
          %swap3A_464 = arith.index_cast %mul3A_454 : i32 to index
          %swap3A_465 = tpu.vector_load %arg5[%swap3A_461, %swap3A_462, %swap3A_463, %swap3A_464] {strides = array<i32>} : memref<4x4x4x1024xf32, #tpu.memory_space<vmem>>, vector<1x1x1x16xf32>,
          %swap3A_466 = vector.shape_cast %swap3A_465 : vector<1x1x1x16xf32> to vector<16xf32>
          %swap3A_467 = vector.shape_cast %get3A_459 : vector<16xf32> to vector<1x1x1x16xf32>
          tpu.vector_store %arg5[%swap3A_461, %swap3A_462, %swap3A_463, %swap3A_464], %swap3A_467 {add = true, strides = array<i32>} : memref<4x4x4x1024xf32, #tpu.memory_space<vmem>>, vector<1x1x1x16xf32>,
          %swap3A_468 = arith.constant 3 : i32
          %swap3A_469 = arith.constant 1 : i32
          %swap3A_470 = arith.index_cast %swap3A_468 : i32 to index
          %swap3A_471 = arith.index_cast %swap3A_469 : i32 to index
          %swap3A_472 = arith.index_cast %add3A_442 : i32 to index
          %swap3A_473 = arith.index_cast %mul3A_454 : i32 to index
          %swap3A_474 = tpu.vector_load %arg5[%swap3A_470, %swap3A_471, %swap3A_472, %swap3A_473] {strides = array<i32>} : memref<4x4x4x1024xf32, #tpu.memory_space<vmem>>, vector<1x1x1x16xf32>,
          %swap3A_475 = vector.shape_cast %swap3A_474 : vector<1x1x1x16xf32> to vector<16xf32>
          %swap3A_476 = vector.shape_cast %get3A_459 : vector<16xf32> to vector<1x1x1x16xf32>
          tpu.vector_store %arg5[%swap3A_470, %swap3A_471, %swap3A_472, %swap3A_473], %swap3A_476 {add = true, strides = array<i32>} : memref<4x4x4x1024xf32, #tpu.memory_space<vmem>>, vector<1x1x1x16xf32>,
          %swap3A_477 = arith.constant 3 : i32
          %swap3A_478 = arith.constant 2 : i32
          %swap3A_479 = arith.index_cast %swap3A_477 : i32 to index
          %swap3A_480 = arith.index_cast %swap3A_478 : i32 to index
          %swap3A_481 = arith.index_cast %add3A_442 : i32 to index
          %swap3A_482 = arith.index_cast %mul3A_454 : i32 to index
          %swap3A_483 = tpu.vector_load %arg5[%swap3A_479, %swap3A_480, %swap3A_481, %swap3A_482] {strides = array<i32>} : memref<4x4x4x1024xf32, #tpu.memory_space<vmem>>, vector<1x1x1x16xf32>,
          %swap3A_484 = vector.shape_cast %swap3A_483 : vector<1x1x1x16xf32> to vector<16xf32>
          %swap3A_485 = vector.shape_cast %get3A_459 : vector<16xf32> to vector<1x1x1x16xf32>
          tpu.vector_store %arg5[%swap3A_479, %swap3A_480, %swap3A_481, %swap3A_482], %swap3A_485 {add = true, strides = array<i32>} : memref<4x4x4x1024xf32, #tpu.memory_space<vmem>>, vector<1x1x1x16xf32>,
          %swap3A_486 = arith.constant 3 : i32
          %swap3A_487 = arith.constant 3 : i32
          %swap3A_488 = arith.index_cast %swap3A_486 : i32 to index
          %swap3A_489 = arith.index_cast %swap3A_487 : i32 to index
          %swap3A_490 = arith.index_cast %add3A_442 : i32 to index
          %swap3A_491 = arith.index_cast %mul3A_454 : i32 to index
          %swap3A_492 = tpu.vector_load %arg5[%swap3A_488, %swap3A_489, %swap3A_490, %swap3A_491] {strides = array<i32>} : memref<4x4x4x1024xf32, #tpu.memory_space<vmem>>, vector<1x1x1x16xf32>,
          %swap3A_493 = vector.shape_cast %swap3A_492 : vector<1x1x1x16xf32> to vector<16xf32>
          %swap3A_494 = vector.shape_cast %get3A_459 : vector<16xf32> to vector<1x1x1x16xf32>
          tpu.vector_store %arg5[%swap3A_488, %swap3A_489, %swap3A_490, %swap3A_491], %swap3A_494 {add = true, strides = array<i32>} : memref<4x4x4x1024xf32, #tpu.memory_space<vmem>>, vector<1x1x1x16xf32>,
          %scan3A_495 = arith.constant 1 : i32
          %scan3A_496 = arith.addi %scan3A_448, %scan3A_495 : i32
          %mul3A_497 = arith.constant 1 : i32
          %mul3A_498 = arith.muli %scan3A_496, %mul3A_497 : i32
          %add3A_499 = arith.constant 0 : i32
          %add3A_500 = arith.addi %add3A_499, %mul3A_498 : i32
          %mul3A_501 = arith.constant 16 : i32
          %mul3A_502 = arith.muli %add3A_500, %mul3A_501 : i32
          %get3A_503 = arith.constant 3 : i32
          %get3A_504 = arith.index_cast %get3A_503 : i32 to index
          %get3A_505 = arith.index_cast %add3A_442 : i32 to index
          %get3A_506 = arith.index_cast %mul3A_502 : i32 to index
          %get3A_507 = tpu.vector_load %arg6[%get3A_504, %get3A_505, %get3A_506] {strides = array<i32>} : memref<4x4x1024xf32, #tpu.memory_space<vmem>>, vector<1x1x16xf32>,
          %get3A_508 = vector.shape_cast %get3A_507 : vector<1x1x16xf32> to vector<16xf32>
          %swap3A_509 = arith.constant 3 : i32
          %swap3A_510 = arith.constant 0 : i32
          %swap3A_511 = arith.index_cast %swap3A_509 : i32 to index
          %swap3A_512 = arith.index_cast %swap3A_510 : i32 to index
          %swap3A_513 = arith.index_cast %add3A_442 : i32 to index
          %swap3A_514 = arith.index_cast %mul3A_502 : i32 to index
          %swap3A_515 = tpu.vector_load %arg5[%swap3A_511, %swap3A_512, %swap3A_513, %swap3A_514] {strides = array<i32>} : memref<4x4x4x1024xf32, #tpu.memory_space<vmem>>, vector<1x1x1x16xf32>,
          %swap3A_516 = vector.shape_cast %swap3A_515 : vector<1x1x1x16xf32> to vector<16xf32>
          %swap3A_517 = vector.shape_cast %get3A_508 : vector<16xf32> to vector<1x1x1x16xf32>
          tpu.vector_store %arg5[%swap3A_511, %swap3A_512, %swap3A_513, %swap3A_514], %swap3A_517 {add = true, strides = array<i32>} : memref<4x4x4x1024xf32, #tpu.memory_space<vmem>>, vector<1x1x1x16xf32>,
          %swap3A_518 = arith.constant 3 : i32
          %swap3A_519 = arith.constant 1 : i32
          %swap3A_520 = arith.index_cast %swap3A_518 : i32 to index
          %swap3A_521 = arith.index_cast %swap3A_519 : i32 to index
          %swap3A_522 = arith.index_cast %add3A_442 : i32 to index
          %swap3A_523 = arith.index_cast %mul3A_502 : i32 to index
          %swap3A_524 = tpu.vector_load %arg5[%swap3A_520, %swap3A_521, %swap3A_522, %swap3A_523] {strides = array<i32>} : memref<4x4x4x1024xf32, #tpu.memory_space<vmem>>, vector<1x1x1x16xf32>,
          %swap3A_525 = vector.shape_cast %swap3A_524 : vector<1x1x1x16xf32> to vector<16xf32>
          %swap3A_526 = vector.shape_cast %get3A_508 : vector<16xf32> to vector<1x1x1x16xf32>
          tpu.vector_store %arg5[%swap3A_520, %swap3A_521, %swap3A_522, %swap3A_523], %swap3A_526 {add = true, strides = array<i32>} : memref<4x4x4x1024xf32, #tpu.memory_space<vmem>>, vector<1x1x1x16xf32>,
          %swap3A_527 = arith.constant 3 : i32
          %swap3A_528 = arith.constant 2 : i32
          %swap3A_529 = arith.index_cast %swap3A_527 : i32 to index
          %swap3A_530 = arith.index_cast %swap3A_528 : i32 to index
          %swap3A_531 = arith.index_cast %add3A_442 : i32 to index
          %swap3A_532 = arith.index_cast %mul3A_502 : i32 to index
          %swap3A_533 = tpu.vector_load %arg5[%swap3A_529, %swap3A_530, %swap3A_531, %swap3A_532] {strides = array<i32>} : memref<4x4x4x1024xf32, #tpu.memory_space<vmem>>, vector<1x1x1x16xf32>,
          %swap3A_534 = vector.shape_cast %swap3A_533 : vector<1x1x1x16xf32> to vector<16xf32>
          %swap3A_535 = vector.shape_cast %get3A_508 : vector<16xf32> to vector<1x1x1x16xf32>
          tpu.vector_store %arg5[%swap3A_529, %swap3A_530, %swap3A_531, %swap3A_532], %swap3A_535 {add = true, strides = array<i32>} : memref<4x4x4x1024xf32, #tpu.memory_space<vmem>>, vector<1x1x1x16xf32>,
          %swap3A_536 = arith.constant 3 : i32
          %swap3A_537 = arith.constant 3 : i32
          %swap3A_538 = arith.index_cast %swap3A_536 : i32 to index
          %swap3A_539 = arith.index_cast %swap3A_537 : i32 to index
          %swap3A_540 = arith.index_cast %add3A_442 : i32 to index
          %swap3A_541 = arith.index_cast %mul3A_502 : i32 to index
          %swap3A_542 = tpu.vector_load %arg5[%swap3A_538, %swap3A_539, %swap3A_540, %swap3A_541] {strides = array<i32>} : memref<4x4x4x1024xf32, #tpu.memory_space<vmem>>, vector<1x1x1x16xf32>,
          %swap3A_543 = vector.shape_cast %swap3A_542 : vector<1x1x1x16xf32> to vector<16xf32>
          %swap3A_544 = vector.shape_cast %get3A_508 : vector<16xf32> to vector<1x1x1x16xf32>
          tpu.vector_store %arg5[%swap3A_538, %swap3A_539, %swap3A_540, %swap3A_541], %swap3A_544 {add = true, strides = array<i32>} : memref<4x4x4x1024xf32, #tpu.memory_space<vmem>>, vector<1x1x1x16xf32>,
          %scan3A_545 = arith.constant 2 : i32
          %scan3A_546 = arith.addi %scan3A_448, %scan3A_545 : i32
          %mul3A_547 = arith.constant 1 : i32
          %mul3A_548 = arith.muli %scan3A_546, %mul3A_547 : i32
          %add3A_549 = arith.constant 0 : i32
          %add3A_550 = arith.addi %add3A_549, %mul3A_548 : i32
          %mul3A_551 = arith.constant 16 : i32
          %mul3A_552 = arith.muli %add3A_550, %mul3A_551 : i32
          %get3A_553 = arith.constant 3 : i32
          %get3A_554 = arith.index_cast %get3A_553 : i32 to index
          %get3A_555 = arith.index_cast %add3A_442 : i32 to index
          %get3A_556 = arith.index_cast %mul3A_552 : i32 to index
          %get3A_557 = tpu.vector_load %arg6[%get3A_554, %get3A_555, %get3A_556] {strides = array<i32>} : memref<4x4x1024xf32, #tpu.memory_space<vmem>>, vector<1x1x16xf32>,
          %get3A_558 = vector.shape_cast %get3A_557 : vector<1x1x16xf32> to vector<16xf32>
          %swap3A_559 = arith.constant 3 : i32
          %swap3A_560 = arith.constant 0 : i32
          %swap3A_561 = arith.index_cast %swap3A_559 : i32 to index
          %swap3A_562 = arith.index_cast %swap3A_560 : i32 to index
          %swap3A_563 = arith.index_cast %add3A_442 : i32 to index
          %swap3A_564 = arith.index_cast %mul3A_552 : i32 to index
          %swap3A_565 = tpu.vector_load %arg5[%swap3A_561, %swap3A_562, %swap3A_563, %swap3A_564] {strides = array<i32>} : memref<4x4x4x1024xf32, #tpu.memory_space<vmem>>, vector<1x1x1x16xf32>,
          %swap3A_566 = vector.shape_cast %swap3A_565 : vector<1x1x1x16xf32> to vector<16xf32>
          %swap3A_567 = vector.shape_cast %get3A_558 : vector<16xf32> to vector<1x1x1x16xf32>
          tpu.vector_store %arg5[%swap3A_561, %swap3A_562, %swap3A_563, %swap3A_564], %swap3A_567 {add = true, strides = array<i32>} : memref<4x4x4x1024xf32, #tpu.memory_space<vmem>>, vector<1x1x1x16xf32>,
          %swap3A_568 = arith.constant 3 : i32
          %swap3A_569 = arith.constant 1 : i32
          %swap3A_570 = arith.index_cast %swap3A_568 : i32 to index
          %swap3A_571 = arith.index_cast %swap3A_569 : i32 to index
          %swap3A_572 = arith.index_cast %add3A_442 : i32 to index
          %swap3A_573 = arith.index_cast %mul3A_552 : i32 to index
          %swap3A_574 = tpu.vector_load %arg5[%swap3A_570, %swap3A_571, %swap3A_572, %swap3A_573] {strides = array<i32>} : memref<4x4x4x1024xf32, #tpu.memory_space<vmem>>, vector<1x1x1x16xf32>,
          %swap3A_575 = vector.shape_cast %swap3A_574 : vector<1x1x1x16xf32> to vector<16xf32>
          %swap3A_576 = vector.shape_cast %get3A_558 : vector<16xf32> to vector<1x1x1x16xf32>
          tpu.vector_store %arg5[%swap3A_570, %swap3A_571, %swap3A_572, %swap3A_573], %swap3A_576 {add = true, strides = array<i32>} : memref<4x4x4x1024xf32, #tpu.memory_space<vmem>>, vector<1x1x1x16xf32>,
          %swap3A_577 = arith.constant 3 : i32
          %swap3A_578 = arith.constant 2 : i32
          %swap3A_579 = arith.index_cast %swap3A_577 : i32 to index
          %swap3A_580 = arith.index_cast %swap3A_578 : i32 to index
          %swap3A_581 = arith.index_cast %add3A_442 : i32 to index
          %swap3A_582 = arith.index_cast %mul3A_552 : i32 to index
          %swap3A_583 = tpu.vector_load %arg5[%swap3A_579, %swap3A_580, %swap3A_581, %swap3A_582] {strides = array<i32>} : memref<4x4x4x1024xf32, #tpu.memory_space<vmem>>, vector<1x1x1x16xf32>,
          %swap3A_584 = vector.shape_cast %swap3A_583 : vector<1x1x1x16xf32> to vector<16xf32>
          %swap3A_585 = vector.shape_cast %get3A_558 : vector<16xf32> to vector<1x1x1x16xf32>
          tpu.vector_store %arg5[%swap3A_579, %swap3A_580, %swap3A_581, %swap3A_582], %swap3A_585 {add = true, strides = array<i32>} : memref<4x4x4x1024xf32, #tpu.memory_space<vmem>>, vector<1x1x1x16xf32>,
          %swap3A_586 = arith.constant 3 : i32
          %swap3A_587 = arith.constant 3 : i32
          %swap3A_588 = arith.index_cast %swap3A_586 : i32 to index
          %swap3A_589 = arith.index_cast %swap3A_587 : i32 to index
          %swap3A_590 = arith.index_cast %add3A_442 : i32 to index
          %swap3A_591 = arith.index_cast %mul3A_552 : i32 to index
          %swap3A_592 = tpu.vector_load %arg5[%swap3A_588, %swap3A_589, %swap3A_590, %swap3A_591] {strides = array<i32>} : memref<4x4x4x1024xf32, #tpu.memory_space<vmem>>, vector<1x1x1x16xf32>,
          %swap3A_593 = vector.shape_cast %swap3A_592 : vector<1x1x1x16xf32> to vector<16xf32>
          %swap3A_594 = vector.shape_cast %get3A_558 : vector<16xf32> to vector<1x1x1x16xf32>
          tpu.vector_store %arg5[%swap3A_588, %swap3A_589, %swap3A_590, %swap3A_591], %swap3A_594 {add = true, strides = array<i32>} : memref<4x4x4x1024xf32, #tpu.memory_space<vmem>>, vector<1x1x1x16xf32>,
          %scan3A_595 = arith.constant 3 : i32
          %scan3A_596 = arith.addi %scan3A_448, %scan3A_595 : i32
          %mul3A_597 = arith.constant 1 : i32
          %mul3A_598 = arith.muli %scan3A_596, %mul3A_597 : i32
          %add3A_599 = arith.constant 0 : i32
          %add3A_600 = arith.addi %add3A_599, %mul3A_598 : i32
          %mul3A_601 = arith.constant 16 : i32
          %mul3A_602 = arith.muli %add3A_600, %mul3A_601 : i32
          %get3A_603 = arith.constant 3 : i32
          %get3A_604 = arith.index_cast %get3A_603 : i32 to index
          %get3A_605 = arith.index_cast %add3A_442 : i32 to index
          %get3A_606 = arith.index_cast %mul3A_602 : i32 to index
          %get3A_607 = tpu.vector_load %arg6[%get3A_604, %get3A_605, %get3A_606] {strides = array<i32>} : memref<4x4x1024xf32, #tpu.memory_space<vmem>>, vector<1x1x16xf32>,
          %get3A_608 = vector.shape_cast %get3A_607 : vector<1x1x16xf32> to vector<16xf32>
          %swap3A_609 = arith.constant 3 : i32
          %swap3A_610 = arith.constant 0 : i32
          %swap3A_611 = arith.index_cast %swap3A_609 : i32 to index
          %swap3A_612 = arith.index_cast %swap3A_610 : i32 to index
          %swap3A_613 = arith.index_cast %add3A_442 : i32 to index
          %swap3A_614 = arith.index_cast %mul3A_602 : i32 to index
          %swap3A_615 = tpu.vector_load %arg5[%swap3A_611, %swap3A_612, %swap3A_613, %swap3A_614] {strides = array<i32>} : memref<4x4x4x1024xf32, #tpu.memory_space<vmem>>, vector<1x1x1x16xf32>,
          %swap3A_616 = vector.shape_cast %swap3A_615 : vector<1x1x1x16xf32> to vector<16xf32>
          %swap3A_617 = vector.shape_cast %get3A_608 : vector<16xf32> to vector<1x1x1x16xf32>
          tpu.vector_store %arg5[%swap3A_611, %swap3A_612, %swap3A_613, %swap3A_614], %swap3A_617 {add = true, strides = array<i32>} : memref<4x4x4x1024xf32, #tpu.memory_space<vmem>>, vector<1x1x1x16xf32>,
          %swap3A_618 = arith.constant 3 : i32
          %swap3A_619 = arith.constant 1 : i32
          %swap3A_620 = arith.index_cast %swap3A_618 : i32 to index
          %swap3A_621 = arith.index_cast %swap3A_619 : i32 to index
          %swap3A_622 = arith.index_cast %add3A_442 : i32 to index
          %swap3A_623 = arith.index_cast %mul3A_602 : i32 to index
          %swap3A_624 = tpu.vector_load %arg5[%swap3A_620, %swap3A_621, %swap3A_622, %swap3A_623] {strides = array<i32>} : memref<4x4x4x1024xf32, #tpu.memory_space<vmem>>, vector<1x1x1x16xf32>,
          %swap3A_625 = vector.shape_cast %swap3A_624 : vector<1x1x1x16xf32> to vector<16xf32>
          %swap3A_626 = vector.shape_cast %get3A_608 : vector<16xf32> to vector<1x1x1x16xf32>
          tpu.vector_store %arg5[%swap3A_620, %swap3A_621, %swap3A_622, %swap3A_623], %swap3A_626 {add = true, strides = array<i32>} : memref<4x4x4x1024xf32, #tpu.memory_space<vmem>>, vector<1x1x1x16xf32>,
          %swap3A_627 = arith.constant 3 : i32
          %swap3A_628 = arith.constant 2 : i32
          %swap3A_629 = arith.index_cast %swap3A_627 : i32 to index
          %swap3A_630 = arith.index_cast %swap3A_628 : i32 to index
          %swap3A_631 = arith.index_cast %add3A_442 : i32 to index
          %swap3A_632 = arith.index_cast %mul3A_602 : i32 to index
          %swap3A_633 = tpu.vector_load %arg5[%swap3A_629, %swap3A_630, %swap3A_631, %swap3A_632] {strides = array<i32>} : memref<4x4x4x1024xf32, #tpu.memory_space<vmem>>, vector<1x1x1x16xf32>,
          %swap3A_634 = vector.shape_cast %swap3A_633 : vector<1x1x1x16xf32> to vector<16xf32>
          %swap3A_635 = vector.shape_cast %get3A_608 : vector<16xf32> to vector<1x1x1x16xf32>
          tpu.vector_store %arg5[%swap3A_629, %swap3A_630, %swap3A_631, %swap3A_632], %swap3A_635 {add = true, strides = array<i32>} : memref<4x4x4x1024xf32, #tpu.memory_space<vmem>>, vector<1x1x1x16xf32>,
          %swap3A_636 = arith.constant 3 : i32
          %swap3A_637 = arith.constant 3 : i32
          %swap3A_638 = arith.index_cast %swap3A_636 : i32 to index
          %swap3A_639 = arith.index_cast %swap3A_637 : i32 to index
          %swap3A_640 = arith.index_cast %add3A_442 : i32 to index
          %swap3A_641 = arith.index_cast %mul3A_602 : i32 to index
          %swap3A_642 = tpu.vector_load %arg5[%swap3A_638, %swap3A_639, %swap3A_640, %swap3A_641] {strides = array<i32>} : memref<4x4x4x1024xf32, #tpu.memory_space<vmem>>, vector<1x1x1x16xf32>,
          %swap3A_643 = vector.shape_cast %swap3A_642 : vector<1x1x1x16xf32> to vector<16xf32>
          %swap3A_644 = vector.shape_cast %get3A_608 : vector<16xf32> to vector<1x1x1x16xf32>
          tpu.vector_store %arg5[%swap3A_638, %swap3A_639, %swap3A_640, %swap3A_641], %swap3A_644 {add = true, strides = array<i32>} : memref<4x4x4x1024xf32, #tpu.memory_space<vmem>>, vector<1x1x1x16xf32>,
          %scan3A_645 = arith.constant 4 : i32
          %scan3A_646 = arith.addi %scan3A_448, %scan3A_645 : i32
          %mul3A_647 = arith.constant 1 : i32
          %mul3A_648 = arith.muli %scan3A_646, %mul3A_647 : i32
          %add3A_649 = arith.constant 0 : i32
          %add3A_650 = arith.addi %add3A_649, %mul3A_648 : i32
          %mul3A_651 = arith.constant 16 : i32
          %mul3A_652 = arith.muli %add3A_650, %mul3A_651 : i32
          %get3A_653 = arith.constant 3 : i32
          %get3A_654 = arith.index_cast %get3A_653 : i32 to index
          %get3A_655 = arith.index_cast %add3A_442 : i32 to index
          %get3A_656 = arith.index_cast %mul3A_652 : i32 to index
          %get3A_657 = tpu.vector_load %arg6[%get3A_654, %get3A_655, %get3A_656] {strides = array<i32>} : memref<4x4x1024xf32, #tpu.memory_space<vmem>>, vector<1x1x16xf32>,
          %get3A_658 = vector.shape_cast %get3A_657 : vector<1x1x16xf32> to vector<16xf32>
          %swap3A_659 = arith.constant 3 : i32
          %swap3A_660 = arith.constant 0 : i32
          %swap3A_661 = arith.index_cast %swap3A_659 : i32 to index
          %swap3A_662 = arith.index_cast %swap3A_660 : i32 to index
          %swap3A_663 = arith.index_cast %add3A_442 : i32 to index
          %swap3A_664 = arith.index_cast %mul3A_652 : i32 to index
          %swap3A_665 = tpu.vector_load %arg5[%swap3A_661, %swap3A_662, %swap3A_663, %swap3A_664] {strides = array<i32>} : memref<4x4x4x1024xf32, #tpu.memory_space<vmem>>, vector<1x1x1x16xf32>,
          %swap3A_666 = vector.shape_cast %swap3A_665 : vector<1x1x1x16xf32> to vector<16xf32>
          %swap3A_667 = vector.shape_cast %get3A_658 : vector<16xf32> to vector<1x1x1x16xf32>
          tpu.vector_store %arg5[%swap3A_661, %swap3A_662, %swap3A_663, %swap3A_664], %swap3A_667 {add = true, strides = array<i32>} : memref<4x4x4x1024xf32, #tpu.memory_space<vmem>>, vector<1x1x1x16xf32>,
          %swap3A_668 = arith.constant 3 : i32
          %swap3A_669 = arith.constant 1 : i32
          %swap3A_670 = arith.index_cast %swap3A_668 : i32 to index
          %swap3A_671 = arith.index_cast %swap3A_669 : i32 to index
          %swap3A_672 = arith.index_cast %add3A_442 : i32 to index
          %swap3A_673 = arith.index_cast %mul3A_652 : i32 to index
          %swap3A_674 = tpu.vector_load %arg5[%swap3A_670, %swap3A_671, %swap3A_672, %swap3A_673] {strides = array<i32>} : memref<4x4x4x1024xf32, #tpu.memory_space<vmem>>, vector<1x1x1x16xf32>,
          %swap3A_675 = vector.shape_cast %swap3A_674 : vector<1x1x1x16xf32> to vector<16xf32>
          %swap3A_676 = vector.shape_cast %get3A_658 : vector<16xf32> to vector<1x1x1x16xf32>
          tpu.vector_store %arg5[%swap3A_670, %swap3A_671, %swap3A_672, %swap3A_673], %swap3A_676 {add = true, strides = array<i32>} : memref<4x4x4x1024xf32, #tpu.memory_space<vmem>>, vector<1x1x1x16xf32>,
          %swap3A_677 = arith.constant 3 : i32
          %swap3A_678 = arith.constant 2 : i32
          %swap3A_679 = arith.index_cast %swap3A_677 : i32 to index
          %swap3A_680 = arith.index_cast %swap3A_678 : i32 to index
          %swap3A_681 = arith.index_cast %add3A_442 : i32 to index
          %swap3A_682 = arith.index_cast %mul3A_652 : i32 to index
          %swap3A_683 = tpu.vector_load %arg5[%swap3A_679, %swap3A_680, %swap3A_681, %swap3A_682] {strides = array<i32>} : memref<4x4x4x1024xf32, #tpu.memory_space<vmem>>, vector<1x1x1x16xf32>,
          %swap3A_684 = vector.shape_cast %swap3A_683 : vector<1x1x1x16xf32> to vector<16xf32>
          %swap3A_685 = vector.shape_cast %get3A_658 : vector<16xf32> to vector<1x1x1x16xf32>
          tpu.vector_store %arg5[%swap3A_679, %swap3A_680, %swap3A_681, %swap3A_682], %swap3A_685 {add = true, strides = array<i32>} : memref<4x4x4x1024xf32, #tpu.memory_space<vmem>>, vector<1x1x1x16xf32>,
          %swap3A_686 = arith.constant 3 : i32
          %swap3A_687 = arith.constant 3 : i32
          %swap3A_688 = arith.index_cast %swap3A_686 : i32 to index
          %swap3A_689 = arith.index_cast %swap3A_687 : i32 to index
          %swap3A_690 = arith.index_cast %add3A_442 : i32 to index
          %swap3A_691 = arith.index_cast %mul3A_652 : i32 to index
          %swap3A_692 = tpu.vector_load %arg5[%swap3A_688, %swap3A_689, %swap3A_690, %swap3A_691] {strides = array<i32>} : memref<4x4x4x1024xf32, #tpu.memory_space<vmem>>, vector<1x1x1x16xf32>,
          %swap3A_693 = vector.shape_cast %swap3A_692 : vector<1x1x1x16xf32> to vector<16xf32>
          %swap3A_694 = vector.shape_cast %get3A_658 : vector<16xf32> to vector<1x1x1x16xf32>
          tpu.vector_store %arg5[%swap3A_688, %swap3A_689, %swap3A_690, %swap3A_691], %swap3A_694 {add = true, strides = array<i32>} : memref<4x4x4x1024xf32, #tpu.memory_space<vmem>>, vector<1x1x1x16xf32>,
          %scan3A_695 = arith.constant 5 : i32
          %scan3A_696 = arith.addi %scan3A_448, %scan3A_695 : i32
          %mul3A_697 = arith.constant 1 : i32
          %mul3A_698 = arith.muli %scan3A_696, %mul3A_697 : i32
          %add3A_699 = arith.constant 0 : i32
          %add3A_700 = arith.addi %add3A_699, %mul3A_698 : i32
          %mul3A_701 = arith.constant 16 : i32
          %mul3A_702 = arith.muli %add3A_700, %mul3A_701 : i32
          %get3A_703 = arith.constant 3 : i32
          %get3A_704 = arith.index_cast %get3A_703 : i32 to index
          %get3A_705 = arith.index_cast %add3A_442 : i32 to index
          %get3A_706 = arith.index_cast %mul3A_702 : i32 to index
          %get3A_707 = tpu.vector_load %arg6[%get3A_704, %get3A_705, %get3A_706] {strides = array<i32>} : memref<4x4x1024xf32, #tpu.memory_space<vmem>>, vector<1x1x16xf32>,
          %get3A_708 = vector.shape_cast %get3A_707 : vector<1x1x16xf32> to vector<16xf32>
          %swap3A_709 = arith.constant 3 : i32
          %swap3A_710 = arith.constant 0 : i32
          %swap3A_711 = arith.index_cast %swap3A_709 : i32 to index
          %swap3A_712 = arith.index_cast %swap3A_710 : i32 to index
          %swap3A_713 = arith.index_cast %add3A_442 : i32 to index
          %swap3A_714 = arith.index_cast %mul3A_702 : i32 to index
          %swap3A_715 = tpu.vector_load %arg5[%swap3A_711, %swap3A_712, %swap3A_713, %swap3A_714] {strides = array<i32>} : memref<4x4x4x1024xf32, #tpu.memory_space<vmem>>, vector<1x1x1x16xf32>,
          %swap3A_716 = vector.shape_cast %swap3A_715 : vector<1x1x1x16xf32> to vector<16xf32>
          %swap3A_717 = vector.shape_cast %get3A_708 : vector<16xf32> to vector<1x1x1x16xf32>
          tpu.vector_store %arg5[%swap3A_711, %swap3A_712, %swap3A_713, %swap3A_714], %swap3A_717 {add = true, strides = array<i32>} : memref<4x4x4x1024xf32, #tpu.memory_space<vmem>>, vector<1x1x1x16xf32>,
          %swap3A_718 = arith.constant 3 : i32
          %swap3A_719 = arith.constant 1 : i32
          %swap3A_720 = arith.index_cast %swap3A_718 : i32 to index
          %swap3A_721 = arith.index_cast %swap3A_719 : i32 to index
          %swap3A_722 = arith.index_cast %add3A_442 : i32 to index
          %swap3A_723 = arith.index_cast %mul3A_702 : i32 to index
          %swap3A_724 = tpu.vector_load %arg5[%swap3A_720, %swap3A_721, %swap3A_722, %swap3A_723] {strides = array<i32>} : memref<4x4x4x1024xf32, #tpu.memory_space<vmem>>, vector<1x1x1x16xf32>,
          %swap3A_725 = vector.shape_cast %swap3A_724 : vector<1x1x1x16xf32> to vector<16xf32>
          %swap3A_726 = vector.shape_cast %get3A_708 : vector<16xf32> to vector<1x1x1x16xf32>
          tpu.vector_store %arg5[%swap3A_720, %swap3A_721, %swap3A_722, %swap3A_723], %swap3A_726 {add = true, strides = array<i32>} : memref<4x4x4x1024xf32, #tpu.memory_space<vmem>>, vector<1x1x1x16xf32>,
          %swap3A_727 = arith.constant 3 : i32
          %swap3A_728 = arith.constant 2 : i32
          %swap3A_729 = arith.index_cast %swap3A_727 : i32 to index
          %swap3A_730 = arith.index_cast %swap3A_728 : i32 to index
          %swap3A_731 = arith.index_cast %add3A_442 : i32 to index
          %swap3A_732 = arith.index_cast %mul3A_702 : i32 to index
          %swap3A_733 = tpu.vector_load %arg5[%swap3A_729, %swap3A_730, %swap3A_731, %swap3A_732] {strides = array<i32>} : memref<4x4x4x1024xf32, #tpu.memory_space<vmem>>, vector<1x1x1x16xf32>,
          %swap3A_734 = vector.shape_cast %swap3A_733 : vector<1x1x1x16xf32> to vector<16xf32>
          %swap3A_735 = vector.shape_cast %get3A_708 : vector<16xf32> to vector<1x1x1x16xf32>
          tpu.vector_store %arg5[%swap3A_729, %swap3A_730, %swap3A_731, %swap3A_732], %swap3A_735 {add = true, strides = array<i32>} : memref<4x4x4x1024xf32, #tpu.memory_space<vmem>>, vector<1x1x1x16xf32>,
          %swap3A_736 = arith.constant 3 : i32
          %swap3A_737 = arith.constant 3 : i32
          %swap3A_738 = arith.index_cast %swap3A_736 : i32 to index
          %swap3A_739 = arith.index_cast %swap3A_737 : i32 to index
          %swap3A_740 = arith.index_cast %add3A_442 : i32 to index
          %swap3A_741 = arith.index_cast %mul3A_702 : i32 to index
          %swap3A_742 = tpu.vector_load %arg5[%swap3A_738, %swap3A_739, %swap3A_740, %swap3A_741] {strides = array<i32>} : memref<4x4x4x1024xf32, #tpu.memory_space<vmem>>, vector<1x1x1x16xf32>,
          %swap3A_743 = vector.shape_cast %swap3A_742 : vector<1x1x1x16xf32> to vector<16xf32>
          %swap3A_744 = vector.shape_cast %get3A_708 : vector<16xf32> to vector<1x1x1x16xf32>
          tpu.vector_store %arg5[%swap3A_738, %swap3A_739, %swap3A_740, %swap3A_741], %swap3A_744 {add = true, strides = array<i32>} : memref<4x4x4x1024xf32, #tpu.memory_space<vmem>>, vector<1x1x1x16xf32>,
          %scan3A_745 = arith.constant 6 : i32
          %scan3A_746 = arith.addi %scan3A_448, %scan3A_745 : i32
          %mul3A_747 = arith.constant 1 : i32
          %mul3A_748 = arith.muli %scan3A_746, %mul3A_747 : i32
          %add3A_749 = arith.constant 0 : i32
          %add3A_750 = arith.addi %add3A_749, %mul3A_748 : i32
          %mul3A_751 = arith.constant 16 : i32
          %mul3A_752 = arith.muli %add3A_750, %mul3A_751 : i32
          %get3A_753 = arith.constant 3 : i32
          %get3A_754 = arith.index_cast %get3A_753 : i32 to index
          %get3A_755 = arith.index_cast %add3A_442 : i32 to index
          %get3A_756 = arith.index_cast %mul3A_752 : i32 to index
          %get3A_757 = tpu.vector_load %arg6[%get3A_754, %get3A_755, %get3A_756] {strides = array<i32>} : memref<4x4x1024xf32, #tpu.memory_space<vmem>>, vector<1x1x16xf32>,
          %get3A_758 = vector.shape_cast %get3A_757 : vector<1x1x16xf32> to vector<16xf32>
          %swap3A_759 = arith.constant 3 : i32
          %swap3A_760 = arith.constant 0 : i32
          %swap3A_761 = arith.index_cast %swap3A_759 : i32 to index
          %swap3A_762 = arith.index_cast %swap3A_760 : i32 to index
          %swap3A_763 = arith.index_cast %add3A_442 : i32 to index
          %swap3A_764 = arith.index_cast %mul3A_752 : i32 to index
          %swap3A_765 = tpu.vector_load %arg5[%swap3A_761, %swap3A_762, %swap3A_763, %swap3A_764] {strides = array<i32>} : memref<4x4x4x1024xf32, #tpu.memory_space<vmem>>, vector<1x1x1x16xf32>,
          %swap3A_766 = vector.shape_cast %swap3A_765 : vector<1x1x1x16xf32> to vector<16xf32>
          %swap3A_767 = vector.shape_cast %get3A_758 : vector<16xf32> to vector<1x1x1x16xf32>
          tpu.vector_store %arg5[%swap3A_761, %swap3A_762, %swap3A_763, %swap3A_764], %swap3A_767 {add = true, strides = array<i32>} : memref<4x4x4x1024xf32, #tpu.memory_space<vmem>>, vector<1x1x1x16xf32>,
          %swap3A_768 = arith.constant 3 : i32
          %swap3A_769 = arith.constant 1 : i32
          %swap3A_770 = arith.index_cast %swap3A_768 : i32 to index
          %swap3A_771 = arith.index_cast %swap3A_769 : i32 to index
          %swap3A_772 = arith.index_cast %add3A_442 : i32 to index
          %swap3A_773 = arith.index_cast %mul3A_752 : i32 to index
          %swap3A_774 = tpu.vector_load %arg5[%swap3A_770, %swap3A_771, %swap3A_772, %swap3A_773] {strides = array<i32>} : memref<4x4x4x1024xf32, #tpu.memory_space<vmem>>, vector<1x1x1x16xf32>,
          %swap3A_775 = vector.shape_cast %swap3A_774 : vector<1x1x1x16xf32> to vector<16xf32>
          %swap3A_776 = vector.shape_cast %get3A_758 : vector<16xf32> to vector<1x1x1x16xf32>
          tpu.vector_store %arg5[%swap3A_770, %swap3A_771, %swap3A_772, %swap3A_773], %swap3A_776 {add = true, strides = array<i32>} : memref<4x4x4x1024xf32, #tpu.memory_space<vmem>>, vector<1x1x1x16xf32>,
          %swap3A_777 = arith.constant 3 : i32
          %swap3A_778 = arith.constant 2 : i32
          %swap3A_779 = arith.index_cast %swap3A_777 : i32 to index
          %swap3A_780 = arith.index_cast %swap3A_778 : i32 to index
          %swap3A_781 = arith.index_cast %add3A_442 : i32 to index
          %swap3A_782 = arith.index_cast %mul3A_752 : i32 to index
          %swap3A_783 = tpu.vector_load %arg5[%swap3A_779, %swap3A_780, %swap3A_781, %swap3A_782] {strides = array<i32>} : memref<4x4x4x1024xf32, #tpu.memory_space<vmem>>, vector<1x1x1x16xf32>,
          %swap3A_784 = vector.shape_cast %swap3A_783 : vector<1x1x1x16xf32> to vector<16xf32>
          %swap3A_785 = vector.shape_cast %get3A_758 : vector<16xf32> to vector<1x1x1x16xf32>
          tpu.vector_store %arg5[%swap3A_779, %swap3A_780, %swap3A_781, %swap3A_782], %swap3A_785 {add = true, strides = array<i32>} : memref<4x4x4x1024xf32, #tpu.memory_space<vmem>>, vector<1x1x1x16xf32>,
          %swap3A_786 = arith.constant 3 : i32
          %swap3A_787 = arith.constant 3 : i32
          %swap3A_788 = arith.index_cast %swap3A_786 : i32 to index
          %swap3A_789 = arith.index_cast %swap3A_787 : i32 to index
          %swap3A_790 = arith.index_cast %add3A_442 : i32 to index
          %swap3A_791 = arith.index_cast %mul3A_752 : i32 to index
          %swap3A_792 = tpu.vector_load %arg5[%swap3A_788, %swap3A_789, %swap3A_790, %swap3A_791] {strides = array<i32>} : memref<4x4x4x1024xf32, #tpu.memory_space<vmem>>, vector<1x1x1x16xf32>,
          %swap3A_793 = vector.shape_cast %swap3A_792 : vector<1x1x1x16xf32> to vector<16xf32>
          %swap3A_794 = vector.shape_cast %get3A_758 : vector<16xf32> to vector<1x1x1x16xf32>
          tpu.vector_store %arg5[%swap3A_788, %swap3A_789, %swap3A_790, %swap3A_791], %swap3A_794 {add = true, strides = array<i32>} : memref<4x4x4x1024xf32, #tpu.memory_space<vmem>>, vector<1x1x1x16xf32>,
          %scan3A_795 = arith.constant 7 : i32
          %scan3A_796 = arith.addi %scan3A_448, %scan3A_795 : i32
          %mul3A_797 = arith.constant 1 : i32
          %mul3A_798 = arith.muli %scan3A_796, %mul3A_797 : i32
          %add3A_799 = arith.constant 0 : i32
          %add3A_800 = arith.addi %add3A_799, %mul3A_798 : i32
          %mul3A_801 = arith.constant 16 : i32
          %mul3A_802 = arith.muli %add3A_800, %mul3A_801 : i32
          %get3A_803 = arith.constant 3 : i32
          %get3A_804 = arith.index_cast %get3A_803 : i32 to index
          %get3A_805 = arith.index_cast %add3A_442 : i32 to index
          %get3A_806 = arith.index_cast %mul3A_802 : i32 to index
          %get3A_807 = tpu.vector_load %arg6[%get3A_804, %get3A_805, %get3A_806] {strides = array<i32>} : memref<4x4x1024xf32, #tpu.memory_space<vmem>>, vector<1x1x16xf32>,
          %get3A_808 = vector.shape_cast %get3A_807 : vector<1x1x16xf32> to vector<16xf32>
          %swap3A_809 = arith.constant 3 : i32
          %swap3A_810 = arith.constant 0 : i32
          %swap3A_811 = arith.index_cast %swap3A_809 : i32 to index
          %swap3A_812 = arith.index_cast %swap3A_810 : i32 to index
          %swap3A_813 = arith.index_cast %add3A_442 : i32 to index
          %swap3A_814 = arith.index_cast %mul3A_802 : i32 to index
          %swap3A_815 = tpu.vector_load %arg5[%swap3A_811, %swap3A_812, %swap3A_813, %swap3A_814] {strides = array<i32>} : memref<4x4x4x1024xf32, #tpu.memory_space<vmem>>, vector<1x1x1x16xf32>,
          %swap3A_816 = vector.shape_cast %swap3A_815 : vector<1x1x1x16xf32> to vector<16xf32>
          %swap3A_817 = vector.shape_cast %get3A_808 : vector<16xf32> to vector<1x1x1x16xf32>
          tpu.vector_store %arg5[%swap3A_811, %swap3A_812, %swap3A_813, %swap3A_814], %swap3A_817 {add = true, strides = array<i32>} : memref<4x4x4x1024xf32, #tpu.memory_space<vmem>>, vector<1x1x1x16xf32>,
          %swap3A_818 = arith.constant 3 : i32
          %swap3A_819 = arith.constant 1 : i32
          %swap3A_820 = arith.index_cast %swap3A_818 : i32 to index
          %swap3A_821 = arith.index_cast %swap3A_819 : i32 to index
          %swap3A_822 = arith.index_cast %add3A_442 : i32 to index
          %swap3A_823 = arith.index_cast %mul3A_802 : i32 to index
          %swap3A_824 = tpu.vector_load %arg5[%swap3A_820, %swap3A_821, %swap3A_822, %swap3A_823] {strides = array<i32>} : memref<4x4x4x1024xf32, #tpu.memory_space<vmem>>, vector<1x1x1x16xf32>,
          %swap3A_825 = vector.shape_cast %swap3A_824 : vector<1x1x1x16xf32> to vector<16xf32>
          %swap3A_826 = vector.shape_cast %get3A_808 : vector<16xf32> to vector<1x1x1x16xf32>
          tpu.vector_store %arg5[%swap3A_820, %swap3A_821, %swap3A_822, %swap3A_823], %swap3A_826 {add = true, strides = array<i32>} : memref<4x4x4x1024xf32, #tpu.memory_space<vmem>>, vector<1x1x1x16xf32>,
          %swap3A_827 = arith.constant 3 : i32
          %swap3A_828 = arith.constant 2 : i32
          %swap3A_829 = arith.index_cast %swap3A_827 : i32 to index
          %swap3A_830 = arith.index_cast %swap3A_828 : i32 to index
          %swap3A_831 = arith.index_cast %add3A_442 : i32 to index
          %swap3A_832 = arith.index_cast %mul3A_802 : i32 to index
          %swap3A_833 = tpu.vector_load %arg5[%swap3A_829, %swap3A_830, %swap3A_831, %swap3A_832] {strides = array<i32>} : memref<4x4x4x1024xf32, #tpu.memory_space<vmem>>, vector<1x1x1x16xf32>,
          %swap3A_834 = vector.shape_cast %swap3A_833 : vector<1x1x1x16xf32> to vector<16xf32>
          %swap3A_835 = vector.shape_cast %get3A_808 : vector<16xf32> to vector<1x1x1x16xf32>
          tpu.vector_store %arg5[%swap3A_829, %swap3A_830, %swap3A_831, %swap3A_832], %swap3A_835 {add = true, strides = array<i32>} : memref<4x4x4x1024xf32, #tpu.memory_space<vmem>>, vector<1x1x1x16xf32>,
          %swap3A_836 = arith.constant 3 : i32
          %swap3A_837 = arith.constant 3 : i32
          %swap3A_838 = arith.index_cast %swap3A_836 : i32 to index
          %swap3A_839 = arith.index_cast %swap3A_837 : i32 to index
          %swap3A_840 = arith.index_cast %add3A_442 : i32 to index
          %swap3A_841 = arith.index_cast %mul3A_802 : i32 to index
          %swap3A_842 = tpu.vector_load %arg5[%swap3A_838, %swap3A_839, %swap3A_840, %swap3A_841] {strides = array<i32>} : memref<4x4x4x1024xf32, #tpu.memory_space<vmem>>, vector<1x1x1x16xf32>,
          %swap3A_843 = vector.shape_cast %swap3A_842 : vector<1x1x1x16xf32> to vector<16xf32>
          %swap3A_844 = vector.shape_cast %get3A_808 : vector<16xf32> to vector<1x1x1x16xf32>
          tpu.vector_store %arg5[%swap3A_838, %swap3A_839, %swap3A_840, %swap3A_841], %swap3A_844 {add = true, strides = array<i32>} : memref<4x4x4x1024xf32, #tpu.memory_space<vmem>>, vector<1x1x1x16xf32>,
        }
        %scan3A_447 = arith.constant 64 : i32
      }
      %scan3A_414 = arith.constant 4 : i32
      %mul3A_415 = arith.constant 4 : i32
      %mul3A_416 = arith.muli %add3A_361, %mul3A_415 : i32
      %add3A_417 = arith.addi %mul3A_2, %mul3A_416 : i32
      %dma_start3A_418 = arith.constant 3 : i32
      %dma_start3A_419 = arith.constant 3 : i32
      %dma_start3A_420 = arith.constant 0 : i32
      %dma_start3A_421 = arith.constant 0 : i32
      %dma_start3A_422 = arith.constant 0 : i32
      %dma_start3A_423 = tpu.memref_slice %arg5[%dma_start3A_418, %dma_start3A_420, %dma_start3A_421, %dma_start3A_422] : memref<4x4x4x1024xf32, #tpu.memory_space<vmem>> -> memref<1x4x4x1024xf32, #tpu.memory_space<vmem>>
      %dma_start3A_424 = tpu.memref_squeeze %dma_start3A_423 : memref<1x4x4x1024xf32, #tpu.memory_space<vmem>> -> memref<4x4x1024xf32, #tpu.memory_space<vmem>>
      %dma_start3A_425 = arith.constant 0 : i32
      %dma_start3A_426 = arith.constant 0 : i32
      %dma_start3A_427 = tpu.memref_slice %arg4[%dma_start3A_425, %add3A_417, %dma_start3A_426] : memref<4x4096x1024xf32, #tpu.memory_space<hbm>> -> memref<4x4x1024xf32, #tpu.memory_space<hbm>>
      %dma_start3A_428 = tpu.memref_slice %arg9[%dma_start3A_419] : memref<4x!tpu.dma_semaphore, #tpu.memory_space<semaphore_mem>> -> memref<1x!tpu.dma_semaphore, #tpu.memory_space<semaphore_mem>>
      %dma_start3A_429 = tpu.memref_squeeze %dma_start3A_428 : memref<1x!tpu.dma_semaphore, #tpu.memory_space<semaphore_mem>> -> memref<!tpu.dma_semaphore, #tpu.memory_space<semaphore_mem>>
      %dma_start3A_430 = arith.constant 0 : i32
      %dma_start3A_431 = arith.constant 0 : i32
      %dma_start3A_432 = tpu.memref_slice %arg4[%dma_start3A_430, %add3A_417, %dma_start3A_431] : memref<4x4096x1024xf32, #tpu.memory_space<hbm>> -> memref<4x4x1024xf32, #tpu.memory_space<hbm>>
      %dma_start3A_433 = arith.constant 0 : i32
      %dma_start3A_434 = arith.constant 0 : i32
      %dma_start3A_435 = arith.constant 0 : i32
      %dma_start3A_436 = tpu.memref_slice %arg5[%dma_start3A_418, %dma_start3A_433, %dma_start3A_434, %dma_start3A_435] : memref<4x4x4x1024xf32, #tpu.memory_space<vmem>> -> memref<1x4x4x1024xf32, #tpu.memory_space<vmem>>
      %dma_start3A_437 = tpu.memref_squeeze %dma_start3A_436 : memref<1x4x4x1024xf32, #tpu.memory_space<vmem>> -> memref<4x4x1024xf32, #tpu.memory_space<vmem>>
      tpu.enqueue_dma source(%dma_start3A_437 : memref<4x4x1024xf32, #tpu.memory_space<vmem>>) target(%dma_start3A_432 : memref<4x4x1024xf32, #tpu.memory_space<hbm>>) target_semaphore(%dma_start3A_429 : memref<!tpu.dma_semaphore, #tpu.memory_space<semaphore_mem>>)
    }
    %scan3A_85 = arith.constant 8 : i32
    %dma_wait3A = arith.constant 2 : i32
    %dma_wait3A_86 = arith.constant 2 : i32
    %dma_wait3A_87 = arith.constant 0 : i32
    %dma_wait3A_88 = arith.constant 0 : i32
    %dma_wait3A_89 = arith.constant 0 : i32
    %dma_wait3A_90 = tpu.memref_slice %arg5[%dma_wait3A, %dma_wait3A_87, %dma_wait3A_88, %dma_wait3A_89] : memref<4x4x4x1024xf32, #tpu.memory_space<vmem>> -> memref<1x4x4x1024xf32, #tpu.memory_space<vmem>>
    %dma_wait3A_91 = tpu.memref_squeeze %dma_wait3A_90 : memref<1x4x4x1024xf32, #tpu.memory_space<vmem>> -> memref<4x4x1024xf32, #tpu.memory_space<vmem>>
    %dma_wait3A_92 = arith.constant 0 : i32
    %dma_wait3A_93 = arith.constant 0 : i32
    %dma_wait3A_94 = tpu.memref_slice %arg4[%dma_wait3A_92, %mul3A_2, %dma_wait3A_93] : memref<4x4096x1024xf32, #tpu.memory_space<hbm>> -> memref<4x4x1024xf32, #tpu.memory_space<hbm>>
    %dma_wait3A_95 = tpu.memref_slice %arg9[%dma_wait3A_86] : memref<4x!tpu.dma_semaphore, #tpu.memory_space<semaphore_mem>> -> memref<1x!tpu.dma_semaphore, #tpu.memory_space<semaphore_mem>>
    %dma_wait3A_96 = tpu.memref_squeeze %dma_wait3A_95 : memref<1x!tpu.dma_semaphore, #tpu.memory_space<semaphore_mem>> -> memref<!tpu.dma_semaphore, #tpu.memory_space<semaphore_mem>>
    %dma_wait3A_97 = arith.constant 0 : i32
    %dma_wait3A_98 = arith.constant 0 : i32
    %dma_wait3A_99 = tpu.memref_slice %arg4[%dma_wait3A_97, %mul3A_2, %dma_wait3A_98] : memref<4x4096x1024xf32, #tpu.memory_space<hbm>> -> memref<4x4x1024xf32, #tpu.memory_space<hbm>>
    %dma_wait3A_100 = arith.constant 0 : i32
    %dma_wait3A_101 = arith.constant 0 : i32
    %dma_wait3A_102 = arith.constant 0 : i32
    %dma_wait3A_103 = tpu.memref_slice %arg5[%dma_wait3A, %dma_wait3A_100, %dma_wait3A_101, %dma_wait3A_102] : memref<4x4x4x1024xf32, #tpu.memory_space<vmem>> -> memref<1x4x4x1024xf32, #tpu.memory_space<vmem>>
    %dma_wait3A_104 = tpu.memref_squeeze %dma_wait3A_103 : memref<1x4x4x1024xf32, #tpu.memory_space<vmem>> -> memref<4x4x1024xf32, #tpu.memory_space<vmem>>
    tpu.wait_dma2 semaphore(%dma_wait3A_96 : memref<!tpu.dma_semaphore, #tpu.memory_space<semaphore_mem>>) src(%dma_wait3A_104 : memref<4x4x1024xf32, #tpu.memory_space<vmem>>) dst(%dma_wait3A_99 : memref<4x4x1024xf32, #tpu.memory_space<hbm>>)
    %dma_wait3A_105 = arith.constant 3 : i32
    %dma_wait3A_106 = arith.constant 3 : i32
    %dma_wait3A_107 = arith.constant 0 : i32
    %dma_wait3A_108 = arith.constant 0 : i32
    %dma_wait3A_109 = arith.constant 0 : i32
    %dma_wait3A_110 = tpu.memref_slice %arg5[%dma_wait3A_105, %dma_wait3A_107, %dma_wait3A_108, %dma_wait3A_109] : memref<4x4x4x1024xf32, #tpu.memory_space<vmem>> -> memref<1x4x4x1024xf32, #tpu.memory_space<vmem>>
    %dma_wait3A_111 = tpu.memref_squeeze %dma_wait3A_110 : memref<1x4x4x1024xf32, #tpu.memory_space<vmem>> -> memref<4x4x1024xf32, #tpu.memory_space<vmem>>
    %dma_wait3A_112 = arith.constant 0 : i32
    %dma_wait3A_113 = arith.constant 0 : i32
    %dma_wait3A_114 = tpu.memref_slice %arg4[%dma_wait3A_112, %mul3A_2, %dma_wait3A_113] : memref<4x4096x1024xf32, #tpu.memory_space<hbm>> -> memref<4x4x1024xf32, #tpu.memory_space<hbm>>
    %dma_wait3A_115 = tpu.memref_slice %arg9[%dma_wait3A_106] : memref<4x!tpu.dma_semaphore, #tpu.memory_space<semaphore_mem>> -> memref<1x!tpu.dma_semaphore, #tpu.memory_space<semaphore_mem>>
    %dma_wait3A_116 = tpu.memref_squeeze %dma_wait3A_115 : memref<1x!tpu.dma_semaphore, #tpu.memory_space<semaphore_mem>> -> memref<!tpu.dma_semaphore, #tpu.memory_space<semaphore_mem>>
    %dma_wait3A_117 = arith.constant 0 : i32
    %dma_wait3A_118 = arith.constant 0 : i32
    %dma_wait3A_119 = tpu.memref_slice %arg4[%dma_wait3A_117, %mul3A_2, %dma_wait3A_118] : memref<4x4096x1024xf32, #tpu.memory_space<hbm>> -> memref<4x4x1024xf32, #tpu.memory_space<hbm>>
    %dma_wait3A_120 = arith.constant 0 : i32
    %dma_wait3A_121 = arith.constant 0 : i32
    %dma_wait3A_122 = arith.constant 0 : i32
    %dma_wait3A_123 = tpu.memref_slice %arg5[%dma_wait3A_105, %dma_wait3A_120, %dma_wait3A_121, %dma_wait3A_122] : memref<4x4x4x1024xf32, #tpu.memory_space<vmem>> -> memref<1x4x4x1024xf32, #tpu.memory_space<vmem>>
    %dma_wait3A_124 = tpu.memref_squeeze %dma_wait3A_123 : memref<1x4x4x1024xf32, #tpu.memory_space<vmem>> -> memref<4x4x1024xf32, #tpu.memory_space<vmem>>
    tpu.wait_dma2 semaphore(%dma_wait3A_116 : memref<!tpu.dma_semaphore, #tpu.memory_space<semaphore_mem>>) src(%dma_wait3A_124 : memref<4x4x1024xf32, #tpu.memory_space<vmem>>) dst(%dma_wait3A_119 : memref<4x4x1024xf32, #tpu.memory_space<hbm>>)
    return
  }
}

</mosaic_0001>

<sc_bundles>
// kernel: kernel.3.cloned.1.call-start
scs
__scs_entry_jumppad:
0x0: {  	(pc) =	sbr.rel $0x88, $3  }
0x1: {  	(tag) =	ssettag $0x0;
	lr =	simm.s32 $0x1  }
0x2: {  	[smem:$0x3F9F] =	sst lr;
	_ =	strace $0xD0000000  }
0x3: {  	_ = 	snop  }
0x4: {  	_ = 	snop  }
0x5: {  	_ = 	snop  }
0x6: {  	_ = 	snop  }
0x7: {  	_ = 	snop  }
__scs_overlays_trampoline_lowered:
0x8: {  	[smem:$0x3FAE] =	sst s0  }
0x9: {  	[smem:$0x3FAF] =	sst s1  }
0xa: {  	[smem:$0x3FB0] =	sst s2  }
0xb: {  	[smem:$0x3FB1] =	sst s3  }
0xc: {  	[smem:$0x3FB2] =	sst s4  }
0xd: {  	[smem:$0x3FB3] =	sst s5  }
0xe: {  	[smem:$0x3FB4] =	sst s6  }
0xf: {  	[smem:$0x3FB5] =	sst s7  }
0x10: {  	[smem:$0x3FB6] =	sst s8  }
0x11: {  	[smem:$0x3FB7] =	sst s9;
	s0 =	simm.s32 @!p0 $0x0  }
0x12: {  	s1 =	sld [smem:$0x3F9D];
	s0 =	simm.s32 @p0 $0x1  }
0x13: {  	[smem:$0x3FB8] =	sst s0;
	s0 =	simm.s32 @!p1 $0x0  }
0x14: {  	s2 =	sld [smem:$0x3F9C];
	s0 =	simm.s32 @p1 $0x1  }
0x15: {  	[smem:$0x3FB9] =	sst s0;
	s0 =	simm.s32 @!p2 $0x0  }
0x16: {  	s3 =	sld [smem:$0x3FDB];
	s0 =	simm.s32 @p2 $0x1  }
0x17: {  	s4 =	simm.s32 $0x1BF5;
	[smem:$0x3FBB] =	sst s0  }
0x18: {  	s0 =	sld [smem:$0x3F9E];
	_ =	swait.ge [sflag:s4], $0x0  }
0x19: {  	s7 =	sld [smem:$0x3F9F]  }
0x1a: {  	s8 =	sadd.s32 $0xFFFFE003, lr  }
0x1b: {  	s9 =	sadd.s32 $0xFFFFFEF7, lr;
	s5 =	simm.s32 $0xFFFFFFFF;
	p2 =	slt.u32 s8, $0xFFFFF086  }
0x1c: {  	p1 =	slt.u32 s9, $0xF7A;
	s5 =	simm.s32 @!p2 $0x0  }
0x1d: {  	s5 =	simm.s32 @p1 $0x1;
	p0 =	seq.s32 s7, s2  }
0x1e: {  	s7 =	smul.u32 @!p0 $0xF7A, s2;
	p2 =	seq.s32 @!p0 s5, $0x0  }
0x1f: {  	s9 =	smul.u32 $0xF7A, s1;
	s8 =	simm.s32 @!p0 $0x1BF5;
	p2 =	por !p2, p0  }
0x20: {  	[sflag:s8] =	ssyncset.s32 @!p0 $0xFFFFF086;
	s6 =	sadd.s32 @!p0 s3, s7;
	s7 =	simm.s32 @!p0 $0x108  }
0x21: {  	s3 =	sadd.s32 s3, s9;
	s6 =	sadd.s32 @!p0 $0x88, s6;
	s7 =	simm.s32 @p2 $0x1082  }
0x22: {  	[simem:s7], [sflag:s8] =	dma.local @!p0 [hbm:s6], $0xF7A  }
0x23: {  	s9 =	sor.u32 $0xD0000000, s2;
	s6 =	simm.s32 $0x108;
	_ =	swait.ge @!p0 [sflag:s8], $0x0  }
0x24: {  	s3 =	sadd.s32 $0x88, s3;
	s6 =	simm.s32 @!p1 $0x1082;
	[sflag:s4] =	ssyncset.s32 $0xFFFFF086  }
0x25: {  	[simem:s6], [sflag:s4] =	dma.local [hbm:s3], $0xF7A  }
0x26: {  	[smem:$0x3F9F] =	sst s1;
	(tag) =	ssettag s2;
	_ =	strace s9  }
0x27: {  	s1 =	sld [smem:$0x3FAF]  }
0x28: {  	s2 =	sld [smem:$0x3FB0]  }
0x29: {  	s4 =	sld [smem:$0x3FB2]  }
0x2a: {  	p0 =	seq.s32 s5, $0x0;
	s5 =	sld [smem:$0x3FB3]  }
0x2b: {  	s6 =	sld [smem:$0x3FB4]  }
0x2c: {  	s7 =	sld [smem:$0x3FB5]  }
0x2d: {  	s3 =	simm.s32 $0x108;
	s8 =	sld [smem:$0x3FB6]  }
0x2e: {  	s3 =	simm.s32 @!p0 $0x1082;
	s9 =	sld [smem:$0x3FB7]  }
0x2f: {  	lr =	sadd.s32 s0, s3;
	s0 =	sld [smem:$0x3FAE]  }
0x30: {  	s3 =	sld [smem:$0x3FB1]  }
0x31: {  	[smem:$0x3FBA] =	sst s10  }
0x32: {  	s10 =	sld [smem:$0x3FB8];
	_ =	sdelay $0x3  }
0x33: {  	p0 =	seq.s32 s10, $0x1;
	s10 =	sld [smem:$0x3FBA];
	_ =	sdelay $0x3  }
0x34: {  	[smem:$0x3FBA] =	sst s10  }
0x35: {  	s10 =	sld [smem:$0x3FB9];
	_ =	sdelay $0x3  }
0x36: {  	p1 =	seq.s32 s10, $0x1;
	s10 =	sld [smem:$0x3FBA];
	_ =	sdelay $0x3  }
0x37: {  	[smem:$0x3FBA] =	sst s10  }
0x38: {  	s10 =	sld [smem:$0x3FBB]  }
0x39: {  	_ = 	snop;
	(pc) =	sbr.ind lr, $3  }
0x3a: {  	_ = 	snop  }
0x3b: {  	_ = 	snop  }
0x3c: {  	p2 =	seq.s32 s10, $0x1;
	s10 =	sld [smem:$0x3FBA]  }
0x3d: {  	_ =	shalt  }
0x3e: {  	_ =	shalt  }
0x3f: {  	_ =	shalt  }
0x40: {  	_ =	shalt  }
0x41: {  	_ =	shalt  }
0x42: {  	_ =	shalt  }
0x43: {  	_ =	shalt  }
0x44: {  	_ =	shalt  }
0x45: {  	_ =	shalt  }
0x46: {  	_ =	shalt  }
0x47: {  	_ =	shalt  }
0x48: {  	_ =	shalt  }
0x49: {  	_ =	shalt  }
0x4a: {  	_ =	shalt  }
0x4b: {  	_ =	shalt  }
0x4c: {  	_ =	shalt  }
0x4d: {  	_ =	shalt  }
0x4e: {  	_ =	shalt  }
0x4f: {  	_ =	shalt  }
0x50: {  	_ =	shalt  }
0x51: {  	_ =	shalt  }
0x52: {  	_ =	shalt  }
0x53: {  	_ =	shalt  }
0x54: {  	_ =	shalt  }
0x55: {  	_ =	shalt  }
0x56: {  	_ =	shalt  }
0x57: {  	_ =	shalt  }
0x58: {  	_ =	shalt  }
0x59: {  	_ =	shalt  }
0x5a: {  	_ =	shalt  }
0x5b: {  	_ =	shalt  }
0x5c: {  	_ =	shalt  }
0x5d: {  	_ =	shalt  }
0x5e: {  	_ =	shalt  }
0x5f: {  	_ =	shalt  }
0x60: {  	_ =	shalt  }
0x61: {  	_ =	shalt  }
0x62: {  	_ =	shalt  }
0x63: {  	_ =	shalt  }
0x64: {  	_ =	shalt  }
0x65: {  	_ =	shalt  }
0x66: {  	_ =	shalt  }
0x67: {  	_ =	shalt  }
0x68: {  	_ =	shalt  }
0x69: {  	_ =	shalt  }
0x6a: {  	_ =	shalt  }
0x6b: {  	_ =	shalt  }
0x6c: {  	_ =	shalt  }
0x6d: {  	_ =	shalt  }
0x6e: {  	_ =	shalt  }
0x6f: {  	_ =	shalt  }
0x70: {  	_ =	shalt  }
0x71: {  	_ =	shalt  }
0x72: {  	_ =	shalt  }
0x73: {  	_ =	shalt  }
0x74: {  	_ =	shalt  }
0x75: {  	_ =	shalt  }
0x76: {  	_ =	shalt  }
0x77: {  	_ =	shalt  }
0x78: {  	_ =	shalt  }
0x79: {  	_ =	shalt  }
0x7a: {  	_ =	shalt  }
0x7b: {  	_ =	shalt  }
0x7c: {  	_ =	shalt  }
0x7d: {  	_ =	shalt  }
0x7e: {  	_ =	shalt  }
0x7f: {  	_ =	shalt  }
0x80: {  	_ =	shalt  }
0x81: {  	_ =	shalt  }
0x82: {  	_ =	shalt  }
0x83: {  	_ =	shalt  }
0x84: {  	_ =	shalt  }
0x85: {  	_ =	shalt  }
0x86: {  	_ =	shalt  }
0x87: {  	_ =	shalt  }
.Lfunc_end0:
.L_simem_size_0:
called_computation_lowered:
.L_overlay_start_0:
0x88: {  	s2 =	sld [smem:$0x3FD9]  }
0x89: {  	s3 =	sld [smem:$0x3FFE];
	_ =	sdelay $0x1  }
0x8a: {  	s1 =	srdreg.scid  }
0x8b: {  	s0 =	sand.u32 $0x1, s1  }
0x8c: {  	s18 =	sshll.u32 s0, $0xA;
	s2 =	sadd.s32 s3, s2  }
0x8d: {  	s2 =	sadd.s32 s2, s18  }
0x8e: {  	[smem:$0x3FC6] =	sst s2  }
0x8f: {  	_ = 	snop  }
0x90: {  	s2 =	sld [smem:$0x3FC9]  }
0x91: {  	s19 =	sld [smem:$0x3FC8]  }
0x92: {  	s4 =	sld [smem:$0x3FD0];
	(tm) =	ssettm $0x1  }
0x93: {  	s5 =	sld [smem:$0x3FFB];
	_ =	sdelay $0x3  }
0x94: {  	_ =	strace s5  }
0x95: {  	s5 =	sld [smem:$0x3FFC];
	_ =	sdelay $0x3  }
0x96: {  	_ =	strace s5  }
0x97: {  	s5 =	sld [smem:$0x3FFD];
	_ =	sdelay $0x3  }
0x98: {  	_ =	strace s5  }
0x99: {  	_ =	strace $0x8FFFFFFF  }
0x9a: {  	s20 =	sld [smem:$0x3FDB];
	_ =	sdelay $0x1  }
0x9b: {  	s6 =	simm.s32 $_scs_section_size  }
0x9c: {  	s7 =	simm.s32 $_size__tile_overlayer_lowered;
	s8 =	simm.s32 $_tile_overlayer_lowered  }
0x9d: {  	s23 =	simm.s32 $0x1BFF;
	s22 =	sshll.u32 s8, $0x1;
	s5 =	sadd.s32 s6, s20  }
0x9e: {  	s9 =	simm.s32 $0x0;
	s21 =	sshll.u32 s7, $0x1;
	s7 =	sadd.s32 s22, s5  }
0x9f: {  	[timem:s9], [sflag:s23] =	dma.local [hbm:s7], s21  }
0xa0: {  	_ =	swait.ge [sflag:s23], s21  }
0xa1: {  	s6 =	ssub.s32 $0x0, s21;
	[sflag:s23] =	ssyncset.done $0x0  }
0xa2: {  	[sflag:s23] =	ssyncadd.s32 s6;
	_ =	sdelay $0x1  }
0xa3: {  	s24 =	simm.s32 $0x1B8B  }
0xa4: {  	_ =	swait.ge [sflag:s24], $0x1  }
0xa5: {  	[sflag:s24] =	ssyncset.done $0x0  }
0xa6: {  	s25 =	simm.s32 $0x1B8E;
	[sflag:s24] =	ssyncadd.s32 $0xFFFFFFFF  }
0xa7: {  	s26 =	simm.s32 $execute0_lowered;
	[smem:$0x3FD2] =	sst s25  }
0xa8: {  	s6 =	sshll.u32 s26, $0x1;
	_ =	strace $0x80000046;
	[dreg:$0x1] =	wrdreg $0xFFFFFFFF  }
0xa9: {  	s28 =	simm.s32 $_size_execute0_lowered;
	s5 =	sadd.s32 s5, s6;
	[dreg:$0x0] =	wrdreg $0x0  }
0xaa: {  	s6 =	sshll.u32 s28, $0x1;
	[dreg:$0x2] =	wrdreg s5  }
0xab: {  	[dreg:$0x3] =	wrdreg s6  }
0xac: {  	[dreg:$0x4] =	wrdreg $0xC0  }
0xad: {  	_ =	task [dreg:s9], $0x5FFFF  }
0xae: {  	[dreg:$0x1] =	wrdreg $0xFFFFFFFF  }
0xaf: {  	[dreg:$0x0] =	wrdreg $0x60  }
0xb0: {  	[dreg:$0x2] =	wrdreg s2  }
0xb1: {  	[dreg:$0x3] =	wrdreg s19  }
0xb2: {  	[dreg:$0x4] =	wrdreg s4  }
0xb3: {  	[dreg:$0x5] =	wrdreg $0x9  }
0xb4: {  	_ =	task.clear_ibuf [dreg:s9], $0x6FFFF;
	_ =	strace $0x90000046  }
0xb5: {  	s29 =	simm.s32 $0x9;
	_ =	strace $0x80000048  }
0xb6: {  	_ =	swait.ge [sflag:s29], $0x1  }
0xb7: {  	[sflag:s29] =	ssyncadd.s32 $0xFFFFFFFF  }
0xb8: {  	_ =	strace $0x90000048  }
0xb9: {  	_ =	sfence  }
0xba: {  	s30 =	sld [smem:$0x0];
	_ =	sdelay $0x2  }
0xbb: {  	s31 =	sshll.u32 s1, $0xD;
	s1 =	sshrl.u32 s1, $0x2  }
0xbc: {  	s3 =	sand.u32 $0x4000, s31;
	s1 =	sadd.s32 s1, s30  }
0xbd: {  	s0 =	sor.u32 s3, s0;
	s1 =	sshll.u32 s1, $0x11  }
0xbe: {  	s0 =	sor.u32 s1, s0  }
0xbf: {  	s0 =	sadd.s32 $0x8F2B, s0  }
0xc0: {  	[sflag:s0] =	ssyncadd.remote.s32 $0x1  }
0xc1: {  	_ =	sfence.sel $0xFFFF  }
0xc2: {  	[dreg:$0x0] =	wrdreg $0xFFFFFFFF;
	(pc) =	sbr.abs _section_cstart, $3  }
0xc3: {  	[dreg:$0x1] =	wrdreg $0xFFFFFFFF  }
0xc4: {  	_ =	task.clear_ibuf [dreg:s9], $0x2FFFF;
	_ =	strace $0x9FFFFFFF  }
0xc5: {  	(tm) =	ssettm $0x7FFFFFFF  }
tec
execute0_lowered:
.L_overlay_start_1:
0x0: {  	(tag) =	ssettag $0x1  }
0x1: {  	s1 =	rddreg [dreg:$0x0]  }
0x2: {  	s2 =	rddreg [dreg:$0x1]  }
0x3: {  	s3 =	rddreg [dreg:$0x2];
	s0 =	srdreg.scid  }
0x4: {  	s4 =	simm.s32 $0x0;
	s6 =	stileid.u32;
	s29 =	simm.s32 $0x9000  }
0x5: {  	s10 =	simm.s32 $0xA000;
	s9 =	simm.s32 $0x9;
	s28 =	simm.s32 $0xA  }
0x6: {  	s0 =	sand.u32 $0x1, s0;
	[smem:$0x7FF] =	sst s4;
	s6 =	sshll.u32 s6, $0xF  }
0x7: {  	s17 =	sadd.s32 $0x40, s3;
	s12 =	ssub.s32 $0x2, s0;
	s0 =	sshll.u32 s0, $0xE  }
0x8: {  	_ =	strace $0x80000047;
	[dreg:$0xb] =	wrdreg s17;
	s13 =	sor.u32 s0, s6  }
0x9: {  	s30 =	simm.s32 $0x4;
	s0 =	sadd.s32 s2, s13;
	[dreg:$0x4] =	wrdreg s13  }
0xa: {  	s31 =	simm.s32 $0x8;
	s15 =	sor.u32 $0x400, s13;
	[dreg:$0x6] =	wrdreg s0  }
0xb: {  	s17 =	simm.s32 $0x6;
	s16 =	sor.u32 $0x440, s13;
	[dreg:$0x9] =	wrdreg s15  }
0xc: {  	s5 =	sshrl.u32 s12, $0x1;
	s18 =	sor.u32 $0x800, s13;
	[dreg:$0xa] =	wrdreg s16  }
0xd: {  	s4 =	ssub.s32 s12, s5;
	s19 =	sor.u32 $0x840, s13;
	[dreg:$0xc] =	wrdreg s18  }
0xe: {  	s6 =	sadd.s32 s1, s13;
	s14 =	sor.u32 $0x40, s13;
	[dreg:$0xd] =	wrdreg s19  }
0xf: {  	s5 =	simm.s32 $0x2;
	s0 =	sadd.s32 s2, s14;
	[dreg:$0x5] =	wrdreg s6  }
0x10: {  	s7 =	sadd.s32 s1, s14;
	s20 =	smax.u32 s4, $0x1;
	[dreg:$0x8] =	wrdreg s0  }
0x11: {  	s21 =	sadd.s32 $0x80000, s6;
	s22 =	sadd.s32 $0x100000, s6;
	[dreg:$0xe] =	wrdreg s20  }
0x12: {  	s23 =	sadd.s32 $0x180000, s6;
	s15 =	simm.s32 $0x8000;
	[dreg:$0xf] =	wrdreg s21  }
0x13: {  	s16 =	simm.s32 $0xB000;
	s18 =	simm.s32 $0x1;
	[dreg:$0x10] =	wrdreg s22  }
0x14: {  	s19 =	simm.s32 $0x5;
	s6 =	simm.s32 $0x0;
	[dreg:$0x11] =	wrdreg s23  }
0x15: {  	s24 =	sadd.s32 $0x80000, s7;
	s25 =	sadd.s32 $0x100000, s7;
	[dreg:$0x7] =	wrdreg s7  }
0x16: {  	s26 =	sadd.s32 $0x180000, s7;
	s23 =	simm.s32 $0x200;
	[dreg:$0x12] =	wrdreg s24  }
0x17: {  	s20 =	simm.s32 $0xC000;
	s21 =	simm.s32 $0xD000;
	[dreg:$0x13] =	wrdreg s25  }
0x18: {  	s22 =	simm.s32 $0xE000;
	s7 =	simm.s32 $0xF000;
	[dreg:$0x14] =	wrdreg s26  }
0x19: {  	s24 =	simm.s32 $0x400;
	s25 =	simm.s32 $0x3;
	s26 =	simm.s32 $0x7  }
.LBB2_1:
0x1a: {  	[dreg:$0x15] =	wrdreg s6  }
0x1b: {  	s0 =	simm.s32 $0x0;
	s4 =	rddreg [dreg:$0x5]  }
0x1c: {  	[tilespmem:s0], [sflag:$0x1] =	stream.strided.gather [hbm4b:s4+s23], $0x1000, s24, s23, $0x38;
	[tilespmem:$0x14000] =	vst v63  }
0x1d: {  	s6 =	rddreg [dreg:$0xf];
	s8 =	simm.s32 $0x1000  }
0x1e: {  	[tilespmem:s8], [sflag:$0x1] =	stream.strided.gather [hbm4b:s6+s23], $0x1000, s24, s23, $0x38;
	[tilespmem:$0x14000] =	vst v63  }
0x1f: {  	s11 =	rddreg [dreg:$0x10];
	s12 =	simm.s32 $0x2000  }
0x20: {  	[tilespmem:s12], [sflag:$0x1] =	stream.strided.gather [hbm4b:s11+s23], $0x1000, s24, s23, $0x38;
	[tilespmem:$0x14000] =	vst v63  }
0x21: {  	s13 =	rddreg [dreg:$0x11];
	s14 =	simm.s32 $0x3000  }
0x22: {  	[tilespmem:s14], [sflag:$0x1] =	stream.strided.gather [hbm4b:s13+s23], $0x1000, s24, s23, $0x38;
	[tilespmem:$0x14000] =	vst v63  }
0x23: {  	s6 =	rddreg [dreg:$0x6];
	s8 =	simm.s32 $0x10000  }
0x24: {  	[tilespmem:s8], [sflag:$0x5] =	stream.strided.gather [hbm4b:s6+s23], $0x1000, s24, s23, $0x38;
	[tilespmem:$0x14000] =	vst v63  }
0x25: {  	s11 =	rddreg [dreg:$0x7];
	s12 =	simm.s32 $0x4000  }
0x26: {  	[tilespmem:s12], [sflag:$0x2] =	stream.strided.gather [hbm4b:s11+s23], $0x1000, s24, s23, $0x38;
	[tilespmem:$0x14000] =	vst v63  }
0x27: {  	s13 =	rddreg [dreg:$0x12];
	s14 =	simm.s32 $0x5000  }
0x28: {  	[tilespmem:s14], [sflag:$0x2] =	stream.strided.gather [hbm4b:s13+s23], $0x1000, s24, s23, $0x38;
	[tilespmem:$0x14000] =	vst v63  }
0x29: {  	s6 =	rddreg [dreg:$0x13];
	s8 =	simm.s32 $0x6000  }
0x2a: {  	[tilespmem:s8], [sflag:$0x2] =	stream.strided.gather [hbm4b:s6+s23], $0x1000, s24, s23, $0x38;
	[tilespmem:$0x14000] =	vst v63  }
0x2b: {  	s11 =	rddreg [dreg:$0x14];
	s12 =	simm.s32 $0x7000  }
0x2c: {  	[tilespmem:s12], [sflag:$0x2] =	stream.strided.gather [hbm4b:s11+s23], $0x1000, s24, s23, $0x38;
	[tilespmem:$0x14000] =	vst v63  }
0x2d: {  	s0 =	simm.s32 $0x0;
	s13 =	rddreg [dreg:$0x8];
	s14 =	simm.s32 $0x11000  }
0x2e: {  	[tilespmem:s14], [sflag:$0x6] =	stream.strided.gather [hbm4b:s13+s23], $0x1000, s24, s23, $0x38;
	[tilespmem:$0x14000] =	vst v63  }
.LBB2_2:
0x2f: {  	p0 =	seq.s32 s0, $0x0  }
0x30: {  	s6 =	simm.s32 @!p0 $0xB  }
0x31: {  	_ =	swait.ge @!p0 [sflag:s6], $0x4000  }
0x32: {  	s4 =	sshll.u32 s0, $0xB;
	s8 =	rddreg [dreg:$0x9]  }
0x33: {  	[sflag:s6] =	ssyncset.done @!p0 $0x0;
	s11 =	sadd.s32 s8, s4  }
0x34: {  	[sflag:s6] =	ssyncadd.s32 @!p0 $0xFFFFC000;
	s12 =	sadd.s32 s1, s11  }
0x35: {  	[tilespmem:s15], [sflag:$0x3] =	stream.strided.gather [hbm4b:s12+s23], $0x1000, s24, s23, $0x38;
	[tilespmem:$0x14000] =	vst v63  }
0x36: {  	s13 =	sadd.s32 $0x80000, s12  }
0x37: {  	[tilespmem:s29], [sflag:$0x3] =	stream.strided.gather [hbm4b:s13+s23], $0x1000, s24, s23, $0x38;
	[tilespmem:$0x14000] =	vst v63  }
0x38: {  	s14 =	sadd.s32 $0x100000, s12  }
0x39: {  	[tilespmem:s10], [sflag:$0x3] =	stream.strided.gather [hbm4b:s14+s23], $0x1000, s24, s23, $0x38;
	[tilespmem:$0x14000] =	vst v63  }
0x3a: {  	s6 =	sadd.s32 $0x180000, s12  }
0x3b: {  	[tilespmem:s16], [sflag:$0x3] =	stream.strided.gather [hbm4b:s6+s23], $0x1000, s24, s23, $0x38;
	[tilespmem:$0x14000] =	vst v63  }
0x3c: {  	s15 =	sadd.s32 s2, s11;
	s29 =	simm.s32 $0x12000  }
0x3d: {  	[tilespmem:s29], [sflag:$0x7] =	stream.strided.gather [hbm4b:s15+s23], $0x1000, s24, s23, $0x38;
	[tilespmem:$0x14000] =	vst v63  }
0x3e: {  	_ =	swait.ge [sflag:s18], $0x4000  }
0x3f: {  	[sflag:s18] =	ssyncset.done $0x0  }
0x40: {  	[sflag:s18] =	ssyncadd.s32 $0xFFFFC000  }
0x41: {  	_ =	swait.ge [sflag:s19], $0x1000  }
0x42: {  	[sflag:s19] =	ssyncset.done $0x0  }
0x43: {  	s12 =	simm.s32 $0x0;
	s6 =	simm.s32 $0x0;
	[sflag:s19] =	ssyncadd.s32 $0xFFFFF000  }
.LBB2_3:
0x44: {  	s13 =	sshra.s32 s6, $0x2  }
0x45: {  	v0 =	vld [tilespmem:s13+$0x10070]  }
0x46: {  	v1 =	vld [tilespmem:s13+$0x10000]  }
0x47: {  	v2 =	vld [tilespmem:s13+$0x10010]  }
0x48: {  	v3 =	vld [tilespmem:s13+$0x10020]  }
0x49: {  	v4 =	vld [tilespmem:s13+$0x10030]  }
0x4a: {  	v5 =	vld [tilespmem:s13+$0x10040]  }
0x4b: {  	v6 =	vld [tilespmem:s13+$0x10050]  }
0x4c: {  	v7 =	vld [tilespmem:s13+$0x10060]  }
0x4d: {  	[tilespmem:s13+$0x3070] =	vst.add.f32.msk $0xffff, v0  }
0x4e: {  	[tilespmem:s13+$0x0] =	vst.add.f32.msk $0xffff, v1  }
0x4f: {  	[tilespmem:s13+$0x1000] =	vst.add.f32.msk $0xffff, v1  }
0x50: {  	[tilespmem:s13+$0x2000] =	vst.add.f32.msk $0xffff, v1  }
0x51: {  	[tilespmem:s13+$0x3000] =	vst.add.f32.msk $0xffff, v1  }
0x52: {  	[tilespmem:s13+$0x10] =	vst.add.f32.msk $0xffff, v2  }
0x53: {  	[tilespmem:s13+$0x1010] =	vst.add.f32.msk $0xffff, v2  }
0x54: {  	[tilespmem:s13+$0x2010] =	vst.add.f32.msk $0xffff, v2  }
0x55: {  	[tilespmem:s13+$0x3010] =	vst.add.f32.msk $0xffff, v2  }
0x56: {  	[tilespmem:s13+$0x20] =	vst.add.f32.msk $0xffff, v3  }
0x57: {  	[tilespmem:s13+$0x1020] =	vst.add.f32.msk $0xffff, v3  }
0x58: {  	[tilespmem:s13+$0x2020] =	vst.add.f32.msk $0xffff, v3  }
0x59: {  	[tilespmem:s13+$0x3020] =	vst.add.f32.msk $0xffff, v3  }
0x5a: {  	[tilespmem:s13+$0x30] =	vst.add.f32.msk $0xffff, v4  }
0x5b: {  	[tilespmem:s13+$0x1030] =	vst.add.f32.msk $0xffff, v4  }
0x5c: {  	[tilespmem:s13+$0x2030] =	vst.add.f32.msk $0xffff, v4  }
0x5d: {  	[tilespmem:s13+$0x3030] =	vst.add.f32.msk $0xffff, v4  }
0x5e: {  	[tilespmem:s13+$0x40] =	vst.add.f32.msk $0xffff, v5  }
0x5f: {  	[tilespmem:s13+$0x1040] =	vst.add.f32.msk $0xffff, v5  }
0x60: {  	[tilespmem:s13+$0x2040] =	vst.add.f32.msk $0xffff, v5  }
0x61: {  	[tilespmem:s13+$0x3040] =	vst.add.f32.msk $0xffff, v5  }
0x62: {  	[tilespmem:s13+$0x50] =	vst.add.f32.msk $0xffff, v6  }
0x63: {  	[tilespmem:s13+$0x1050] =	vst.add.f32.msk $0xffff, v6  }
0x64: {  	[tilespmem:s13+$0x2050] =	vst.add.f32.msk $0xffff, v6  }
0x65: {  	[tilespmem:s13+$0x3050] =	vst.add.f32.msk $0xffff, v6  }
0x66: {  	[tilespmem:s13+$0x60] =	vst.add.f32.msk $0xffff, v7  }
0x67: {  	[tilespmem:s13+$0x1060] =	vst.add.f32.msk $0xffff, v7  }
0x68: {  	[tilespmem:s13+$0x2060] =	vst.add.f32.msk $0xffff, v7  }
0x69: {  	[tilespmem:s13+$0x3060] =	vst.add.f32.msk $0xffff, v7  }
0x6a: {  	[tilespmem:s13+$0x70] =	vst.add.f32.msk $0xffff, v0  }
0x6b: {  	s14 =	simm.s32 $0x0;
	s15 =	sadd.s32 $0x800, s6;
	[tilespmem:s13+$0x1070] =	vst.add.f32.msk $0xffff, v0  }
.LBB2_4:
0x6c: {  	s14 =	sadd.s32 $0x8, s14;
	[tilespmem:s13+$0x2070] =	vst.add.f32.msk $0xffff, v0;
	s13 =	sshra.s32 s15, $0x2  }
0x6d: {  	v0 =	vld [tilespmem:s13+$0x10070];
	p1 =	slt.u32 s14, $0x38  }
0x6e: {  	v1 =	vld [tilespmem:s13+$0x10000]  }
0x6f: {  	v2 =	vld [tilespmem:s13+$0x10010]  }
0x70: {  	v3 =	vld [tilespmem:s13+$0x10020]  }
0x71: {  	v4 =	vld [tilespmem:s13+$0x10030]  }
0x72: {  	[tilespmem:s13+$0x3070] =	vst.add.f32.msk $0xffff, v0  }
0x73: {  	v5 =	vld [tilespmem:s13+$0x10040]  }
0x74: {  	v6 =	vld [tilespmem:s13+$0x10050]  }
0x75: {  	v7 =	vld [tilespmem:s13+$0x10060]  }
0x76: {  	[tilespmem:s13+$0x0] =	vst.add.f32.msk $0xffff, v1  }
0x77: {  	[tilespmem:s13+$0x1000] =	vst.add.f32.msk $0xffff, v1  }
0x78: {  	[tilespmem:s13+$0x2000] =	vst.add.f32.msk $0xffff, v1  }
0x79: {  	[tilespmem:s13+$0x3000] =	vst.add.f32.msk $0xffff, v1  }
0x7a: {  	[tilespmem:s13+$0x10] =	vst.add.f32.msk $0xffff, v2  }
0x7b: {  	[tilespmem:s13+$0x1010] =	vst.add.f32.msk $0xffff, v2  }
0x7c: {  	[tilespmem:s13+$0x2010] =	vst.add.f32.msk $0xffff, v2  }
0x7d: {  	[tilespmem:s13+$0x3010] =	vst.add.f32.msk $0xffff, v2  }
0x7e: {  	[tilespmem:s13+$0x20] =	vst.add.f32.msk $0xffff, v3  }
0x7f: {  	[tilespmem:s13+$0x1020] =	vst.add.f32.msk $0xffff, v3  }
0x80: {  	[tilespmem:s13+$0x2020] =	vst.add.f32.msk $0xffff, v3  }
0x81: {  	[tilespmem:s13+$0x3020] =	vst.add.f32.msk $0xffff, v3  }
0x82: {  	[tilespmem:s13+$0x30] =	vst.add.f32.msk $0xffff, v4  }
0x83: {  	[tilespmem:s13+$0x1030] =	vst.add.f32.msk $0xffff, v4  }
0x84: {  	[tilespmem:s13+$0x2030] =	vst.add.f32.msk $0xffff, v4  }
0x85: {  	[tilespmem:s13+$0x3030] =	vst.add.f32.msk $0xffff, v4  }
0x86: {  	[tilespmem:s13+$0x40] =	vst.add.f32.msk $0xffff, v5  }
0x87: {  	[tilespmem:s13+$0x1040] =	vst.add.f32.msk $0xffff, v5  }
0x88: {  	[tilespmem:s13+$0x2040] =	vst.add.f32.msk $0xffff, v5  }
0x89: {  	[tilespmem:s13+$0x3040] =	vst.add.f32.msk $0xffff, v5  }
0x8a: {  	[tilespmem:s13+$0x50] =	vst.add.f32.msk $0xffff, v6  }
0x8b: {  	[tilespmem:s13+$0x1050] =	vst.add.f32.msk $0xffff, v6  }
0x8c: {  	[tilespmem:s13+$0x2050] =	vst.add.f32.msk $0xffff, v6  }
0x8d: {  	[tilespmem:s13+$0x3050] =	vst.add.f32.msk $0xffff, v6  }
0x8e: {  	[tilespmem:s13+$0x60] =	vst.add.f32.msk $0xffff, v7  }
.Ltmp0:
0x8f: {  	[tilespmem:s13+$0x1060] =	vst.add.f32.msk $0xffff, v7;
	(pc) =	sbr.rel @p1 .LBB2_4-.Ltmp0, $4  }
0x90: {  	[tilespmem:s13+$0x2060] =	vst.add.f32.msk $0xffff, v7  }
0x91: {  	[tilespmem:s13+$0x3060] =	vst.add.f32.msk $0xffff, v7  }
0x92: {  	[tilespmem:s13+$0x70] =	vst.add.f32.msk $0xffff, v0  }
0x93: {  	s15 =	sadd.s32 $0x800, s15;
	[tilespmem:s13+$0x1070] =	vst.add.f32.msk $0xffff, v0  }
0x94: {  	s12 =	sadd.s32 $0x1, s12  }
0x95: {  	p1 =	sne.s32 s12, $0x4  }
.Ltmp1:
0x96: {  	_ = 	snop;
	(pc) =	sbr.rel @p1 .LBB2_3-.Ltmp1, $2  }
0x97: {  	_ =	sdelay $0x2  }
0x98: {  	[tilespmem:s13+$0x2070] =	vst.add.f32.msk $0xffff, v0;
	s6 =	sadd.s32 $0x200, s6  }
0x99: {  	s6 =	rddreg [dreg:$0x4]  }
0x9a: {  	s12 =	sor.u32 s6, s4  }
0x9b: {  	s8 =	simm.s32 $0x0;
	s6 =	sadd.s32 s3, s12  }
0x9c: {  	[hbm4b:s6+s23] =	stream.strided.scatter [tilespmem:s8], [sflag:$0x9], $0x1000, s24, s23, $0x38;
	[tilespmem:$0x14000] =	vst v63  }
0x9d: {  	s13 =	simm.s32 $0x1000;
	s14 =	sadd.s32 $0x80000, s6  }
0x9e: {  	[hbm4b:s14+s23] =	stream.strided.scatter [tilespmem:s13], [sflag:$0x9], $0x1000, s24, s23, $0x38;
	[tilespmem:$0x14000] =	vst v63  }
0x9f: {  	s29 =	simm.s32 $0x2000;
	s15 =	sadd.s32 $0x100000, s6  }
0xa0: {  	[hbm4b:s15+s23] =	stream.strided.scatter [tilespmem:s29], [sflag:$0x9], $0x1000, s24, s23, $0x38;
	[tilespmem:$0x14000] =	vst v63  }
0xa1: {  	s6 =	sadd.s32 $0x180000, s6;
	s8 =	simm.s32 @!p0 $0xC;
	s13 =	simm.s32 $0x3000  }
0xa2: {  	[hbm4b:s6+s23] =	stream.strided.scatter [tilespmem:s13], [sflag:$0x9], $0x1000, s24, s23, $0x38;
	[tilespmem:$0x14000] =	vst v63  }
0xa3: {  	_ =	swait.ge @!p0 [sflag:s8], $0x4000  }
0xa4: {  	s14 =	rddreg [dreg:$0xa]  }
0xa5: {  	[sflag:s8] =	ssyncset.done @!p0 $0x0;
	s6 =	sadd.s32 s14, s4  }
0xa6: {  	[sflag:s8] =	ssyncadd.s32 @!p0 $0xFFFFC000;
	s15 =	sadd.s32 s1, s6  }
0xa7: {  	[tilespmem:s20], [sflag:$0x4] =	stream.strided.gather [hbm4b:s15+s23], $0x1000, s24, s23, $0x38;
	[tilespmem:$0x14000] =	vst v63  }
0xa8: {  	s29 =	sadd.s32 $0x80000, s15  }
0xa9: {  	[tilespmem:s21], [sflag:$0x4] =	stream.strided.gather [hbm4b:s29+s23], $0x1000, s24, s23, $0x38;
	[tilespmem:$0x14000] =	vst v63  }
0xaa: {  	s14 =	sadd.s32 $0x100000, s15  }
0xab: {  	[tilespmem:s22], [sflag:$0x4] =	stream.strided.gather [hbm4b:s14+s23], $0x1000, s24, s23, $0x38;
	[tilespmem:$0x14000] =	vst v63  }
0xac: {  	s8 =	sadd.s32 $0x180000, s15  }
0xad: {  	[tilespmem:s7], [sflag:$0x4] =	stream.strided.gather [hbm4b:s8+s23], $0x1000, s24, s23, $0x38;
	[tilespmem:$0x14000] =	vst v63  }
0xae: {  	s15 =	sadd.s32 s2, s6;
	s29 =	simm.s32 $0x13000  }
0xaf: {  	[tilespmem:s29], [sflag:$0x8] =	stream.strided.gather [hbm4b:s15+s23], $0x1000, s24, s23, $0x38;
	[tilespmem:$0x14000] =	vst v63  }
0xb0: {  	_ =	swait.ge [sflag:s5], $0x4000  }
0xb1: {  	[sflag:s5] =	ssyncset.done $0x0  }
0xb2: {  	[sflag:s5] =	ssyncadd.s32 $0xFFFFC000  }
0xb3: {  	_ =	swait.ge [sflag:s17], $0x1000  }
0xb4: {  	[sflag:s17] =	ssyncset.done $0x0  }
0xb5: {  	s13 =	simm.s32 $0x0;
	s14 =	simm.s32 $0x0;
	[sflag:s17] =	ssyncadd.s32 $0xFFFFF000  }
.LBB2_7:
0xb6: {  	s15 =	sshra.s32 s13, $0x2  }
0xb7: {  	v0 =	vld [tilespmem:s15+$0x11070]  }
0xb8: {  	v1 =	vld [tilespmem:s15+$0x11000]  }
0xb9: {  	v2 =	vld [tilespmem:s15+$0x11010]  }
0xba: {  	v3 =	vld [tilespmem:s15+$0x11020]  }
0xbb: {  	v4 =	vld [tilespmem:s15+$0x11030]  }
0xbc: {  	v5 =	vld [tilespmem:s15+$0x11040]  }
0xbd: {  	v6 =	vld [tilespmem:s15+$0x11050]  }
0xbe: {  	v7 =	vld [tilespmem:s15+$0x11060]  }
0xbf: {  	[tilespmem:s15+$0x7070] =	vst.add.f32.msk $0xffff, v0  }
0xc0: {  	[tilespmem:s15+$0x4000] =	vst.add.f32.msk $0xffff, v1  }
0xc1: {  	[tilespmem:s15+$0x5000] =	vst.add.f32.msk $0xffff, v1  }
0xc2: {  	[tilespmem:s15+$0x6000] =	vst.add.f32.msk $0xffff, v1  }
0xc3: {  	[tilespmem:s15+$0x7000] =	vst.add.f32.msk $0xffff, v1  }
0xc4: {  	[tilespmem:s15+$0x4010] =	vst.add.f32.msk $0xffff, v2  }
0xc5: {  	[tilespmem:s15+$0x5010] =	vst.add.f32.msk $0xffff, v2  }
0xc6: {  	[tilespmem:s15+$0x6010] =	vst.add.f32.msk $0xffff, v2  }
0xc7: {  	[tilespmem:s15+$0x7010] =	vst.add.f32.msk $0xffff, v2  }
0xc8: {  	[tilespmem:s15+$0x4020] =	vst.add.f32.msk $0xffff, v3  }
0xc9: {  	[tilespmem:s15+$0x5020] =	vst.add.f32.msk $0xffff, v3  }
0xca: {  	[tilespmem:s15+$0x6020] =	vst.add.f32.msk $0xffff, v3  }
0xcb: {  	[tilespmem:s15+$0x7020] =	vst.add.f32.msk $0xffff, v3  }
0xcc: {  	[tilespmem:s15+$0x4030] =	vst.add.f32.msk $0xffff, v4  }
0xcd: {  	[tilespmem:s15+$0x5030] =	vst.add.f32.msk $0xffff, v4  }
0xce: {  	[tilespmem:s15+$0x6030] =	vst.add.f32.msk $0xffff, v4  }
0xcf: {  	[tilespmem:s15+$0x7030] =	vst.add.f32.msk $0xffff, v4  }
0xd0: {  	[tilespmem:s15+$0x4040] =	vst.add.f32.msk $0xffff, v5  }
0xd1: {  	[tilespmem:s15+$0x5040] =	vst.add.f32.msk $0xffff, v5  }
0xd2: {  	[tilespmem:s15+$0x6040] =	vst.add.f32.msk $0xffff, v5  }
0xd3: {  	[tilespmem:s15+$0x7040] =	vst.add.f32.msk $0xffff, v5  }
0xd4: {  	[tilespmem:s15+$0x4050] =	vst.add.f32.msk $0xffff, v6  }
0xd5: {  	[tilespmem:s15+$0x5050] =	vst.add.f32.msk $0xffff, v6  }
0xd6: {  	[tilespmem:s15+$0x6050] =	vst.add.f32.msk $0xffff, v6  }
0xd7: {  	[tilespmem:s15+$0x7050] =	vst.add.f32.msk $0xffff, v6  }
0xd8: {  	[tilespmem:s15+$0x4060] =	vst.add.f32.msk $0xffff, v7  }
0xd9: {  	[tilespmem:s15+$0x5060] =	vst.add.f32.msk $0xffff, v7  }
0xda: {  	[tilespmem:s15+$0x6060] =	vst.add.f32.msk $0xffff, v7  }
0xdb: {  	[tilespmem:s15+$0x7060] =	vst.add.f32.msk $0xffff, v7  }
0xdc: {  	[tilespmem:s15+$0x4070] =	vst.add.f32.msk $0xffff, v0  }
0xdd: {  	s29 =	simm.s32 $0x0;
	s8 =	sadd.s32 $0x800, s13;
	[tilespmem:s15+$0x5070] =	vst.add.f32.msk $0xffff, v0  }
.LBB2_8:
0xde: {  	s29 =	sadd.s32 $0x8, s29;
	[tilespmem:s15+$0x6070] =	vst.add.f32.msk $0xffff, v0;
	s15 =	sshra.s32 s8, $0x2  }
0xdf: {  	v0 =	vld [tilespmem:s15+$0x11070];
	p0 =	slt.u32 s29, $0x38  }
0xe0: {  	v1 =	vld [tilespmem:s15+$0x11000]  }
0xe1: {  	v2 =	vld [tilespmem:s15+$0x11010]  }
0xe2: {  	v3 =	vld [tilespmem:s15+$0x11020]  }
0xe3: {  	v4 =	vld [tilespmem:s15+$0x11030]  }
0xe4: {  	[tilespmem:s15+$0x7070] =	vst.add.f32.msk $0xffff, v0  }
0xe5: {  	v5 =	vld [tilespmem:s15+$0x11040]  }
0xe6: {  	v6 =	vld [tilespmem:s15+$0x11050]  }
0xe7: {  	v7 =	vld [tilespmem:s15+$0x11060]  }
0xe8: {  	[tilespmem:s15+$0x4000] =	vst.add.f32.msk $0xffff, v1  }
0xe9: {  	[tilespmem:s15+$0x5000] =	vst.add.f32.msk $0xffff, v1  }
0xea: {  	[tilespmem:s15+$0x6000] =	vst.add.f32.msk $0xffff, v1  }
0xeb: {  	[tilespmem:s15+$0x7000] =	vst.add.f32.msk $0xffff, v1  }
0xec: {  	[tilespmem:s15+$0x4010] =	vst.add.f32.msk $0xffff, v2  }
0xed: {  	[tilespmem:s15+$0x5010] =	vst.add.f32.msk $0xffff, v2  }
0xee: {  	[tilespmem:s15+$0x6010] =	vst.add.f32.msk $0xffff, v2  }
0xef: {  	[tilespmem:s15+$0x7010] =	vst.add.f32.msk $0xffff, v2  }
0xf0: {  	[tilespmem:s15+$0x4020] =	vst.add.f32.msk $0xffff, v3  }
0xf1: {  	[tilespmem:s15+$0x5020] =	vst.add.f32.msk $0xffff, v3  }
0xf2: {  	[tilespmem:s15+$0x6020] =	vst.add.f32.msk $0xffff, v3  }
0xf3: {  	[tilespmem:s15+$0x7020] =	vst.add.f32.msk $0xffff, v3  }
0xf4: {  	[tilespmem:s15+$0x4030] =	vst.add.f32.msk $0xffff, v4  }
0xf5: {  	[tilespmem:s15+$0x5030] =	vst.add.f32.msk $0xffff, v4  }
0xf6: {  	[tilespmem:s15+$0x6030] =	vst.add.f32.msk $0xffff, v4  }
0xf7: {  	[tilespmem:s15+$0x7030] =	vst.add.f32.msk $0xffff, v4  }
0xf8: {  	[tilespmem:s15+$0x4040] =	vst.add.f32.msk $0xffff, v5  }
0xf9: {  	[tilespmem:s15+$0x5040] =	vst.add.f32.msk $0xffff, v5  }
0xfa: {  	[tilespmem:s15+$0x6040] =	vst.add.f32.msk $0xffff, v5  }
0xfb: {  	[tilespmem:s15+$0x7040] =	vst.add.f32.msk $0xffff, v5  }
0xfc: {  	[tilespmem:s15+$0x4050] =	vst.add.f32.msk $0xffff, v6  }
0xfd: {  	[tilespmem:s15+$0x5050] =	vst.add.f32.msk $0xffff, v6  }
0xfe: {  	[tilespmem:s15+$0x6050] =	vst.add.f32.msk $0xffff, v6  }
0xff: {  	[tilespmem:s15+$0x7050] =	vst.add.f32.msk $0xffff, v6  }
0x100: {  	[tilespmem:s15+$0x4060] =	vst.add.f32.msk $0xffff, v7  }
.Ltmp2:
0x101: {  	[tilespmem:s15+$0x5060] =	vst.add.f32.msk $0xffff, v7;
	(pc) =	sbr.rel @p0 .LBB2_8-.Ltmp2, $4  }
0x102: {  	[tilespmem:s15+$0x6060] =	vst.add.f32.msk $0xffff, v7  }
0x103: {  	[tilespmem:s15+$0x7060] =	vst.add.f32.msk $0xffff, v7  }
0x104: {  	[tilespmem:s15+$0x4070] =	vst.add.f32.msk $0xffff, v0  }
0x105: {  	s8 =	sadd.s32 $0x800, s8;
	[tilespmem:s15+$0x5070] =	vst.add.f32.msk $0xffff, v0  }
0x106: {  	s14 =	sadd.s32 $0x1, s14  }
0x107: {  	p0 =	sne.s32 s14, $0x4  }
.Ltmp3:
0x108: {  	_ = 	snop;
	(pc) =	sbr.rel @p0 .LBB2_7-.Ltmp3, $2  }
0x109: {  	_ =	sdelay $0x2  }
0x10a: {  	[tilespmem:s15+$0x6070] =	vst.add.f32.msk $0xffff, v0;
	s13 =	sadd.s32 $0x200, s13  }
0x10b: {  	s8 =	rddreg [dreg:$0xb]  }
0x10c: {  	s14 =	simm.s32 $0x4000;
	s8 =	sadd.s32 s12, s8  }
0x10d: {  	[hbm4b:s8+s23] =	stream.strided.scatter [tilespmem:s14], [sflag:$0xA], $0x1000, s24, s23, $0x38;
	[tilespmem:$0x14000] =	vst v63  }
0x10e: {  	s13 =	simm.s32 $0x5000;
	s15 =	sadd.s32 $0x80000, s8  }
0x10f: {  	[hbm4b:s15+s23] =	stream.strided.scatter [tilespmem:s13], [sflag:$0xA], $0x1000, s24, s23, $0x38;
	[tilespmem:$0x14000] =	vst v63  }
0x110: {  	s14 =	simm.s32 $0x6000;
	s13 =	sadd.s32 $0x100000, s8  }
0x111: {  	[hbm4b:s13+s23] =	stream.strided.scatter [tilespmem:s14], [sflag:$0xA], $0x1000, s24, s23, $0x38;
	[tilespmem:$0x14000] =	vst v63  }
0x112: {  	s8 =	sadd.s32 $0x180000, s8;
	s15 =	simm.s32 $0x7000  }
0x113: {  	[hbm4b:s8+s23] =	stream.strided.scatter [tilespmem:s15], [sflag:$0xA], $0x1000, s24, s23, $0x38;
	[tilespmem:$0x14000] =	vst v63  }
0x114: {  	p0 =	seq.s32 s0, $0x7;
	_ =	swait.ge [sflag:s9], $0x4000  }
0x115: {  	s13 =	simm.s32 @!p0 $0x200;
	s8 =	rddreg [dreg:$0xc]  }
0x116: {  	s14 =	simm.s32 @!p0 $0x400;
	[sflag:s9] =	ssyncset.done $0x0;
	s8 =	sadd.s32 @!p0 s4, s8  }
0x117: {  	s15 =	simm.s32 @!p0 $0x0;
	[sflag:s9] =	ssyncadd.s32 $0xFFFFC000;
	s12 =	sadd.s32 @!p0 s1, s8  }
0x118: {  	[tilespmem:s15], [sflag:$0x1] =	stream.strided.gather @!p0 [hbm4b:s12+s13], $0x1000, s14, s13, $0x38;
	[tilespmem:$0x14000] =	vst v63  }
0x119: {  	s29 =	simm.s32 @!p0 $0x1000;
	s15 =	sadd.s32 @!p0 $0x80000, s12  }
0x11a: {  	[tilespmem:s29], [sflag:$0x1] =	stream.strided.gather @!p0 [hbm4b:s15+s13], $0x1000, s14, s13, $0x38;
	[tilespmem:$0x14000] =	vst v63  }
0x11b: {  	s15 =	sadd.s32 @!p0 $0x100000, s12;
	s29 =	simm.s32 @!p0 $0x2000  }
0x11c: {  	[tilespmem:s29], [sflag:$0x1] =	stream.strided.gather @!p0 [hbm4b:s15+s13], $0x1000, s14, s13, $0x38;
	[tilespmem:$0x14000] =	vst v63  }
0x11d: {  	s12 =	sadd.s32 @!p0 $0x180000, s12;
	s15 =	simm.s32 @!p0 $0x3000  }
0x11e: {  	[tilespmem:s15], [sflag:$0x1] =	stream.strided.gather @!p0 [hbm4b:s12+s13], $0x1000, s14, s13, $0x38;
	[tilespmem:$0x14000] =	vst v63  }
0x11f: {  	s8 =	sadd.s32 @!p0 s2, s8;
	s12 =	simm.s32 @!p0 $0x10000  }
0x120: {  	[tilespmem:s12], [sflag:$0x5] =	stream.strided.gather @!p0 [hbm4b:s8+s13], $0x1000, s14, s13, $0x38;
	[tilespmem:$0x14000] =	vst v63  }
0x121: {  	_ =	swait.ge [sflag:s25], $0x4000  }
0x122: {  	[sflag:s25] =	ssyncset.done $0x0  }
0x123: {  	[sflag:s25] =	ssyncadd.s32 $0xFFFFC000  }
0x124: {  	_ =	swait.ge [sflag:s26], $0x1000  }
0x125: {  	s29 =	simm.s32 $0x9000;
	[sflag:s26] =	ssyncset.done $0x0  }
0x126: {  	s12 =	simm.s32 $0x0;
	s13 =	simm.s32 $0x0;
	[sflag:s26] =	ssyncadd.s32 $0xFFFFF000  }
.LBB2_11:
0x127: {  	s14 =	sshra.s32 s12, $0x2  }
0x128: {  	v0 =	vld [tilespmem:s14+$0x12070]  }
0x129: {  	v1 =	vld [tilespmem:s14+$0x12000]  }
0x12a: {  	v2 =	vld [tilespmem:s14+$0x12010]  }
0x12b: {  	v3 =	vld [tilespmem:s14+$0x12020]  }
0x12c: {  	v4 =	vld [tilespmem:s14+$0x12030]  }
0x12d: {  	v5 =	vld [tilespmem:s14+$0x12040]  }
0x12e: {  	v6 =	vld [tilespmem:s14+$0x12050]  }
0x12f: {  	v7 =	vld [tilespmem:s14+$0x12060]  }
0x130: {  	[tilespmem:s14+$0xB070] =	vst.add.f32.msk $0xffff, v0  }
0x131: {  	[tilespmem:s14+$0x8000] =	vst.add.f32.msk $0xffff, v1  }
0x132: {  	[tilespmem:s14+$0x9000] =	vst.add.f32.msk $0xffff, v1  }
0x133: {  	[tilespmem:s14+$0xA000] =	vst.add.f32.msk $0xffff, v1  }
0x134: {  	[tilespmem:s14+$0xB000] =	vst.add.f32.msk $0xffff, v1  }
0x135: {  	[tilespmem:s14+$0x8010] =	vst.add.f32.msk $0xffff, v2  }
0x136: {  	[tilespmem:s14+$0x9010] =	vst.add.f32.msk $0xffff, v2  }
0x137: {  	[tilespmem:s14+$0xA010] =	vst.add.f32.msk $0xffff, v2  }
0x138: {  	[tilespmem:s14+$0xB010] =	vst.add.f32.msk $0xffff, v2  }
0x139: {  	[tilespmem:s14+$0x8020] =	vst.add.f32.msk $0xffff, v3  }
0x13a: {  	[tilespmem:s14+$0x9020] =	vst.add.f32.msk $0xffff, v3  }
0x13b: {  	[tilespmem:s14+$0xA020] =	vst.add.f32.msk $0xffff, v3  }
0x13c: {  	[tilespmem:s14+$0xB020] =	vst.add.f32.msk $0xffff, v3  }
0x13d: {  	[tilespmem:s14+$0x8030] =	vst.add.f32.msk $0xffff, v4  }
0x13e: {  	[tilespmem:s14+$0x9030] =	vst.add.f32.msk $0xffff, v4  }
0x13f: {  	[tilespmem:s14+$0xA030] =	vst.add.f32.msk $0xffff, v4  }
0x140: {  	[tilespmem:s14+$0xB030] =	vst.add.f32.msk $0xffff, v4  }
0x141: {  	[tilespmem:s14+$0x8040] =	vst.add.f32.msk $0xffff, v5  }
0x142: {  	[tilespmem:s14+$0x9040] =	vst.add.f32.msk $0xffff, v5  }
0x143: {  	[tilespmem:s14+$0xA040] =	vst.add.f32.msk $0xffff, v5  }
0x144: {  	[tilespmem:s14+$0xB040] =	vst.add.f32.msk $0xffff, v5  }
0x145: {  	[tilespmem:s14+$0x8050] =	vst.add.f32.msk $0xffff, v6  }
0x146: {  	[tilespmem:s14+$0x9050] =	vst.add.f32.msk $0xffff, v6  }
0x147: {  	[tilespmem:s14+$0xA050] =	vst.add.f32.msk $0xffff, v6  }
0x148: {  	[tilespmem:s14+$0xB050] =	vst.add.f32.msk $0xffff, v6  }
0x149: {  	[tilespmem:s14+$0x8060] =	vst.add.f32.msk $0xffff, v7  }
0x14a: {  	[tilespmem:s14+$0x9060] =	vst.add.f32.msk $0xffff, v7  }
0x14b: {  	[tilespmem:s14+$0xA060] =	vst.add.f32.msk $0xffff, v7  }
0x14c: {  	[tilespmem:s14+$0xB060] =	vst.add.f32.msk $0xffff, v7  }
0x14d: {  	[tilespmem:s14+$0x8070] =	vst.add.f32.msk $0xffff, v0  }
0x14e: {  	s15 =	simm.s32 $0x0;
	s8 =	sadd.s32 $0x800, s12;
	[tilespmem:s14+$0x9070] =	vst.add.f32.msk $0xffff, v0  }
.LBB2_12:
0x14f: {  	s15 =	sadd.s32 $0x8, s15;
	[tilespmem:s14+$0xA070] =	vst.add.f32.msk $0xffff, v0;
	s14 =	sshra.s32 s8, $0x2  }
0x150: {  	v0 =	vld [tilespmem:s14+$0x12070];
	p1 =	slt.u32 s15, $0x38  }
0x151: {  	v1 =	vld [tilespmem:s14+$0x12000]  }
0x152: {  	v2 =	vld [tilespmem:s14+$0x12010]  }
0x153: {  	v3 =	vld [tilespmem:s14+$0x12020]  }
0x154: {  	v4 =	vld [tilespmem:s14+$0x12030]  }
0x155: {  	[tilespmem:s14+$0xB070] =	vst.add.f32.msk $0xffff, v0  }
0x156: {  	v5 =	vld [tilespmem:s14+$0x12040]  }
0x157: {  	v6 =	vld [tilespmem:s14+$0x12050]  }
0x158: {  	v7 =	vld [tilespmem:s14+$0x12060]  }
0x159: {  	[tilespmem:s14+$0x8000] =	vst.add.f32.msk $0xffff, v1  }
0x15a: {  	[tilespmem:s14+$0x9000] =	vst.add.f32.msk $0xffff, v1  }
0x15b: {  	[tilespmem:s14+$0xA000] =	vst.add.f32.msk $0xffff, v1  }
0x15c: {  	[tilespmem:s14+$0xB000] =	vst.add.f32.msk $0xffff, v1  }
0x15d: {  	[tilespmem:s14+$0x8010] =	vst.add.f32.msk $0xffff, v2  }
0x15e: {  	[tilespmem:s14+$0x9010] =	vst.add.f32.msk $0xffff, v2  }
0x15f: {  	[tilespmem:s14+$0xA010] =	vst.add.f32.msk $0xffff, v2  }
0x160: {  	[tilespmem:s14+$0xB010] =	vst.add.f32.msk $0xffff, v2  }
0x161: {  	[tilespmem:s14+$0x8020] =	vst.add.f32.msk $0xffff, v3  }
0x162: {  	[tilespmem:s14+$0x9020] =	vst.add.f32.msk $0xffff, v3  }
0x163: {  	[tilespmem:s14+$0xA020] =	vst.add.f32.msk $0xffff, v3  }
0x164: {  	[tilespmem:s14+$0xB020] =	vst.add.f32.msk $0xffff, v3  }
0x165: {  	[tilespmem:s14+$0x8030] =	vst.add.f32.msk $0xffff, v4  }
0x166: {  	[tilespmem:s14+$0x9030] =	vst.add.f32.msk $0xffff, v4  }
0x167: {  	[tilespmem:s14+$0xA030] =	vst.add.f32.msk $0xffff, v4  }
0x168: {  	[tilespmem:s14+$0xB030] =	vst.add.f32.msk $0xffff, v4  }
0x169: {  	[tilespmem:s14+$0x8040] =	vst.add.f32.msk $0xffff, v5  }
0x16a: {  	[tilespmem:s14+$0x9040] =	vst.add.f32.msk $0xffff, v5  }
0x16b: {  	[tilespmem:s14+$0xA040] =	vst.add.f32.msk $0xffff, v5  }
0x16c: {  	[tilespmem:s14+$0xB040] =	vst.add.f32.msk $0xffff, v5  }
0x16d: {  	[tilespmem:s14+$0x8050] =	vst.add.f32.msk $0xffff, v6  }
0x16e: {  	[tilespmem:s14+$0x9050] =	vst.add.f32.msk $0xffff, v6  }
0x16f: {  	[tilespmem:s14+$0xA050] =	vst.add.f32.msk $0xffff, v6  }
0x170: {  	[tilespmem:s14+$0xB050] =	vst.add.f32.msk $0xffff, v6  }
0x171: {  	[tilespmem:s14+$0x8060] =	vst.add.f32.msk $0xffff, v7  }
.Ltmp4:
0x172: {  	[tilespmem:s14+$0x9060] =	vst.add.f32.msk $0xffff, v7;
	(pc) =	sbr.rel @p1 .LBB2_12-.Ltmp4, $4  }
0x173: {  	[tilespmem:s14+$0xA060] =	vst.add.f32.msk $0xffff, v7  }
0x174: {  	[tilespmem:s14+$0xB060] =	vst.add.f32.msk $0xffff, v7  }
0x175: {  	[tilespmem:s14+$0x8070] =	vst.add.f32.msk $0xffff, v0  }
0x176: {  	s8 =	sadd.s32 $0x800, s8;
	[tilespmem:s14+$0x9070] =	vst.add.f32.msk $0xffff, v0  }
0x177: {  	s13 =	sadd.s32 $0x1, s13  }
0x178: {  	p1 =	sne.s32 s13, $0x4  }
.Ltmp5:
0x179: {  	_ = 	snop;
	(pc) =	sbr.rel @p1 .LBB2_11-.Ltmp5, $2  }
0x17a: {  	_ =	sdelay $0x2  }
0x17b: {  	[tilespmem:s14+$0xA070] =	vst.add.f32.msk $0xffff, v0;
	s12 =	sadd.s32 $0x200, s12  }
0x17c: {  	s8 =	sadd.s32 s3, s11;
	s15 =	simm.s32 $0x8000  }
0x17d: {  	[hbm4b:s8+s23] =	stream.strided.scatter [tilespmem:s15], [sflag:$0xB], $0x1000, s24, s23, $0x38;
	[tilespmem:$0x14000] =	vst v63  }
0x17e: {  	s11 =	sadd.s32 $0x80000, s8  }
0x17f: {  	[hbm4b:s11+s23] =	stream.strided.scatter [tilespmem:s29], [sflag:$0xB], $0x1000, s24, s23, $0x38;
	[tilespmem:$0x14000] =	vst v63  }
0x180: {  	s14 =	sadd.s32 $0x100000, s8  }
0x181: {  	[hbm4b:s14+s23] =	stream.strided.scatter [tilespmem:s10], [sflag:$0xB], $0x1000, s24, s23, $0x38;
	[tilespmem:$0x14000] =	vst v63  }
0x182: {  	s8 =	sadd.s32 $0x180000, s8  }
0x183: {  	[hbm4b:s8+s23] =	stream.strided.scatter [tilespmem:s16], [sflag:$0xB], $0x1000, s24, s23, $0x38;
	[tilespmem:$0x14000] =	vst v63  }
0x184: {  	_ =	swait.ge [sflag:s28], $0x4000  }
0x185: {  	s12 =	simm.s32 @!p0 $0x400;
	s8 =	rddreg [dreg:$0xd]  }
0x186: {  	s13 =	simm.s32 @!p0 $0x4000;
	[sflag:s28] =	ssyncset.done $0x0;
	s4 =	sadd.s32 @!p0 s4, s8  }
0x187: {  	s11 =	simm.s32 @!p0 $0x200;
	[sflag:s28] =	ssyncadd.s32 $0xFFFFC000;
	s8 =	sadd.s32 @!p0 s1, s4  }
0x188: {  	[tilespmem:s13], [sflag:$0x2] =	stream.strided.gather @!p0 [hbm4b:s8+s11], $0x1000, s12, s11, $0x38;
	[tilespmem:$0x14000] =	vst v63  }
0x189: {  	s14 =	simm.s32 @!p0 $0x5000;
	s13 =	sadd.s32 @!p0 $0x80000, s8  }
0x18a: {  	[tilespmem:s14], [sflag:$0x2] =	stream.strided.gather @!p0 [hbm4b:s13+s11], $0x1000, s12, s11, $0x38;
	[tilespmem:$0x14000] =	vst v63  }
0x18b: {  	s13 =	sadd.s32 @!p0 $0x100000, s8;
	s14 =	simm.s32 @!p0 $0x6000  }
0x18c: {  	[tilespmem:s14], [sflag:$0x2] =	stream.strided.gather @!p0 [hbm4b:s13+s11], $0x1000, s12, s11, $0x38;
	[tilespmem:$0x14000] =	vst v63  }
0x18d: {  	s8 =	sadd.s32 @!p0 $0x180000, s8;
	s13 =	simm.s32 @!p0 $0x7000  }
0x18e: {  	[tilespmem:s13], [sflag:$0x2] =	stream.strided.gather @!p0 [hbm4b:s8+s11], $0x1000, s12, s11, $0x38;
	[tilespmem:$0x14000] =	vst v63  }
0x18f: {  	s4 =	sadd.s32 @!p0 s2, s4;
	s8 =	simm.s32 @!p0 $0x11000  }
0x190: {  	[tilespmem:s8], [sflag:$0x6] =	stream.strided.gather @!p0 [hbm4b:s4+s11], $0x1000, s12, s11, $0x38;
	[tilespmem:$0x14000] =	vst v63  }
0x191: {  	_ =	swait.ge [sflag:s30], $0x4000  }
0x192: {  	[sflag:s30] =	ssyncset.done $0x0  }
0x193: {  	[sflag:s30] =	ssyncadd.s32 $0xFFFFC000  }
0x194: {  	_ =	swait.ge [sflag:s31], $0x1000  }
0x195: {  	[sflag:s31] =	ssyncset.done $0x0  }
0x196: {  	s4 =	simm.s32 $0x0;
	s11 =	simm.s32 $0x0;
	[sflag:s31] =	ssyncadd.s32 $0xFFFFF000  }
.LBB2_15:
0x197: {  	s12 =	sshra.s32 s4, $0x2  }
0x198: {  	v0 =	vld [tilespmem:s12+$0x13070]  }
0x199: {  	v1 =	vld [tilespmem:s12+$0x13000]  }
0x19a: {  	v2 =	vld [tilespmem:s12+$0x13010]  }
0x19b: {  	v3 =	vld [tilespmem:s12+$0x13020]  }
0x19c: {  	v4 =	vld [tilespmem:s12+$0x13030]  }
0x19d: {  	v5 =	vld [tilespmem:s12+$0x13040]  }
0x19e: {  	v6 =	vld [tilespmem:s12+$0x13050]  }
0x19f: {  	v7 =	vld [tilespmem:s12+$0x13060]  }
0x1a0: {  	[tilespmem:s12+$0xF070] =	vst.add.f32.msk $0xffff, v0  }
0x1a1: {  	[tilespmem:s12+$0xC000] =	vst.add.f32.msk $0xffff, v1  }
0x1a2: {  	[tilespmem:s12+$0xD000] =	vst.add.f32.msk $0xffff, v1  }
0x1a3: {  	[tilespmem:s12+$0xE000] =	vst.add.f32.msk $0xffff, v1  }
0x1a4: {  	[tilespmem:s12+$0xF000] =	vst.add.f32.msk $0xffff, v1  }
0x1a5: {  	[tilespmem:s12+$0xC010] =	vst.add.f32.msk $0xffff, v2  }
0x1a6: {  	[tilespmem:s12+$0xD010] =	vst.add.f32.msk $0xffff, v2  }
0x1a7: {  	[tilespmem:s12+$0xE010] =	vst.add.f32.msk $0xffff, v2  }
0x1a8: {  	[tilespmem:s12+$0xF010] =	vst.add.f32.msk $0xffff, v2  }
0x1a9: {  	[tilespmem:s12+$0xC020] =	vst.add.f32.msk $0xffff, v3  }
0x1aa: {  	[tilespmem:s12+$0xD020] =	vst.add.f32.msk $0xffff, v3  }
0x1ab: {  	[tilespmem:s12+$0xE020] =	vst.add.f32.msk $0xffff, v3  }
0x1ac: {  	[tilespmem:s12+$0xF020] =	vst.add.f32.msk $0xffff, v3  }
0x1ad: {  	[tilespmem:s12+$0xC030] =	vst.add.f32.msk $0xffff, v4  }
0x1ae: {  	[tilespmem:s12+$0xD030] =	vst.add.f32.msk $0xffff, v4  }
0x1af: {  	[tilespmem:s12+$0xE030] =	vst.add.f32.msk $0xffff, v4  }
0x1b0: {  	[tilespmem:s12+$0xF030] =	vst.add.f32.msk $0xffff, v4  }
0x1b1: {  	[tilespmem:s12+$0xC040] =	vst.add.f32.msk $0xffff, v5  }
0x1b2: {  	[tilespmem:s12+$0xD040] =	vst.add.f32.msk $0xffff, v5  }
0x1b3: {  	[tilespmem:s12+$0xE040] =	vst.add.f32.msk $0xffff, v5  }
0x1b4: {  	[tilespmem:s12+$0xF040] =	vst.add.f32.msk $0xffff, v5  }
0x1b5: {  	[tilespmem:s12+$0xC050] =	vst.add.f32.msk $0xffff, v6  }
0x1b6: {  	[tilespmem:s12+$0xD050] =	vst.add.f32.msk $0xffff, v6  }
0x1b7: {  	[tilespmem:s12+$0xE050] =	vst.add.f32.msk $0xffff, v6  }
0x1b8: {  	[tilespmem:s12+$0xF050] =	vst.add.f32.msk $0xffff, v6  }
0x1b9: {  	[tilespmem:s12+$0xC060] =	vst.add.f32.msk $0xffff, v7  }
0x1ba: {  	[tilespmem:s12+$0xD060] =	vst.add.f32.msk $0xffff, v7  }
0x1bb: {  	[tilespmem:s12+$0xE060] =	vst.add.f32.msk $0xffff, v7  }
0x1bc: {  	[tilespmem:s12+$0xF060] =	vst.add.f32.msk $0xffff, v7  }
0x1bd: {  	[tilespmem:s12+$0xC070] =	vst.add.f32.msk $0xffff, v0  }
0x1be: {  	s13 =	simm.s32 $0x0;
	s8 =	sadd.s32 $0x800, s4;
	[tilespmem:s12+$0xD070] =	vst.add.f32.msk $0xffff, v0  }
.LBB2_16:
0x1bf: {  	s13 =	sadd.s32 $0x8, s13;
	[tilespmem:s12+$0xE070] =	vst.add.f32.msk $0xffff, v0;
	s12 =	sshra.s32 s8, $0x2  }
0x1c0: {  	v0 =	vld [tilespmem:s12+$0x13070];
	p0 =	slt.u32 s13, $0x38  }
0x1c1: {  	v1 =	vld [tilespmem:s12+$0x13000]  }
0x1c2: {  	v2 =	vld [tilespmem:s12+$0x13010]  }
0x1c3: {  	v3 =	vld [tilespmem:s12+$0x13020]  }
0x1c4: {  	v4 =	vld [tilespmem:s12+$0x13030]  }
0x1c5: {  	[tilespmem:s12+$0xF070] =	vst.add.f32.msk $0xffff, v0  }
0x1c6: {  	v5 =	vld [tilespmem:s12+$0x13040]  }
0x1c7: {  	v6 =	vld [tilespmem:s12+$0x13050]  }
0x1c8: {  	v7 =	vld [tilespmem:s12+$0x13060]  }
0x1c9: {  	[tilespmem:s12+$0xC000] =	vst.add.f32.msk $0xffff, v1  }
0x1ca: {  	[tilespmem:s12+$0xD000] =	vst.add.f32.msk $0xffff, v1  }
0x1cb: {  	[tilespmem:s12+$0xE000] =	vst.add.f32.msk $0xffff, v1  }
0x1cc: {  	[tilespmem:s12+$0xF000] =	vst.add.f32.msk $0xffff, v1  }
0x1cd: {  	[tilespmem:s12+$0xC010] =	vst.add.f32.msk $0xffff, v2  }
0x1ce: {  	[tilespmem:s12+$0xD010] =	vst.add.f32.msk $0xffff, v2  }
0x1cf: {  	[tilespmem:s12+$0xE010] =	vst.add.f32.msk $0xffff, v2  }
0x1d0: {  	[tilespmem:s12+$0xF010] =	vst.add.f32.msk $0xffff, v2  }
0x1d1: {  	[tilespmem:s12+$0xC020] =	vst.add.f32.msk $0xffff, v3  }
0x1d2: {  	[tilespmem:s12+$0xD020] =	vst.add.f32.msk $0xffff, v3  }
0x1d3: {  	[tilespmem:s12+$0xE020] =	vst.add.f32.msk $0xffff, v3  }
0x1d4: {  	[tilespmem:s12+$0xF020] =	vst.add.f32.msk $0xffff, v3  }
0x1d5: {  	[tilespmem:s12+$0xC030] =	vst.add.f32.msk $0xffff, v4  }
0x1d6: {  	[tilespmem:s12+$0xD030] =	vst.add.f32.msk $0xffff, v4  }
0x1d7: {  	[tilespmem:s12+$0xE030] =	vst.add.f32.msk $0xffff, v4  }
0x1d8: {  	[tilespmem:s12+$0xF030] =	vst.add.f32.msk $0xffff, v4  }
0x1d9: {  	[tilespmem:s12+$0xC040] =	vst.add.f32.msk $0xffff, v5  }
0x1da: {  	[tilespmem:s12+$0xD040] =	vst.add.f32.msk $0xffff, v5  }
0x1db: {  	[tilespmem:s12+$0xE040] =	vst.add.f32.msk $0xffff, v5  }
0x1dc: {  	[tilespmem:s12+$0xF040] =	vst.add.f32.msk $0xffff, v5  }
0x1dd: {  	[tilespmem:s12+$0xC050] =	vst.add.f32.msk $0xffff, v6  }
0x1de: {  	[tilespmem:s12+$0xD050] =	vst.add.f32.msk $0xffff, v6  }
0x1df: {  	[tilespmem:s12+$0xE050] =	vst.add.f32.msk $0xffff, v6  }
0x1e0: {  	[tilespmem:s12+$0xF050] =	vst.add.f32.msk $0xffff, v6  }
0x1e1: {  	[tilespmem:s12+$0xC060] =	vst.add.f32.msk $0xffff, v7  }
.Ltmp6:
0x1e2: {  	[tilespmem:s12+$0xD060] =	vst.add.f32.msk $0xffff, v7;
	(pc) =	sbr.rel @p0 .LBB2_16-.Ltmp6, $4  }
0x1e3: {  	[tilespmem:s12+$0xE060] =	vst.add.f32.msk $0xffff, v7  }
0x1e4: {  	[tilespmem:s12+$0xF060] =	vst.add.f32.msk $0xffff, v7  }
0x1e5: {  	[tilespmem:s12+$0xC070] =	vst.add.f32.msk $0xffff, v0  }
0x1e6: {  	s8 =	sadd.s32 $0x800, s8;
	[tilespmem:s12+$0xD070] =	vst.add.f32.msk $0xffff, v0  }
0x1e7: {  	s11 =	sadd.s32 $0x1, s11  }
0x1e8: {  	p0 =	sne.s32 s11, $0x4  }
.Ltmp7:
0x1e9: {  	_ = 	snop;
	(pc) =	sbr.rel @p0 .LBB2_15-.Ltmp7, $2  }
0x1ea: {  	_ =	sdelay $0x2  }
0x1eb: {  	[tilespmem:s12+$0xE070] =	vst.add.f32.msk $0xffff, v0;
	s4 =	sadd.s32 $0x200, s4  }
0x1ec: {  	s4 =	sadd.s32 s3, s6;
	s0 =	sadd.s32 $0x1, s0  }
0x1ed: {  	[hbm4b:s4+s23] =	stream.strided.scatter [tilespmem:s20], [sflag:$0xC], $0x1000, s24, s23, $0x38;
	[tilespmem:$0x14000] =	vst v63  }
0x1ee: {  	s6 =	sadd.s32 $0x80000, s4;
	p0 =	sne.s32 s0, $0x8  }
0x1ef: {  	[hbm4b:s6+s23] =	stream.strided.scatter [tilespmem:s21], [sflag:$0xC], $0x1000, s24, s23, $0x38;
	[tilespmem:$0x14000] =	vst v63  }
.Ltmp8:
0x1f0: {  	_ = 	snop;
	(pc) =	sbr.rel @p0 .LBB2_2-.Ltmp8, $4  }
0x1f1: {  	s14 =	sadd.s32 $0x100000, s4  }
0x1f2: {  	[hbm4b:s14+s23] =	stream.strided.scatter [tilespmem:s22], [sflag:$0xC], $0x1000, s24, s23, $0x38;
	[tilespmem:$0x14000] =	vst v63  }
0x1f3: {  	s4 =	sadd.s32 $0x180000, s4  }
0x1f4: {  	[hbm4b:s4+s23] =	stream.strided.scatter [tilespmem:s7], [sflag:$0xC], $0x1000, s24, s23, $0x38;
	[tilespmem:$0x14000] =	vst v63  }
0x1f5: {  	s0 =	simm.s32 $0xB  }
0x1f6: {  	_ =	swait.ge [sflag:s0], $0x4000  }
0x1f7: {  	[sflag:s0] =	ssyncset.done $0x0  }
0x1f8: {  	s4 =	simm.s32 $0xC;
	[sflag:s0] =	ssyncadd.s32 $0xFFFFC000  }
0x1f9: {  	_ =	swait.ge [sflag:s4], $0x4000  }
0x1fa: {  	s6 =	rddreg [dreg:$0x15]  }
0x1fb: {  	s14 =	rddreg [dreg:$0xe];
	s6 =	sadd.s32 $0x1, s6  }
0x1fc: {  	p0 =	sne.s32 s6, s14  }
.Ltmp9:
0x1fd: {  	_ = 	snop;
	(pc) =	sbr.rel @p0 .LBB2_1-.Ltmp9, $3  }
0x1fe: {  	_ =	sdelay $0x1  }
0x1ff: {  	[sflag:s4] =	ssyncset.done $0x0  }
0x200: {  	[sflag:s4] =	ssyncadd.s32 $0xFFFFC000  }
0x201: {  	_ =	sfence.sel $0x180000  }
0x202: {  	[bflag:$0x0] =	sbarrier.arrive $0xFFFF  }
0x203: {  	_ =	strace $0x90000047  }
0x204: {  	s0 =	stileid.u32;
	[bflag:$0x2] =	sbarrier.arrive $0xFFFF  }
0x205: {  	p0 =	sne.s32 s0, $0x0;
	s0 =	rddreg [dreg:$0x3]  }
0x206: {  	s0 =	sadd.s32 @!p0 $0x100000, s0  }
0x207: {  	[sflag:s0] =	ssyncadd.tile.s32 @!p0 $0x1;
	_ =	shalt  }
.Lfunc_end2:
_tile_overlayer_lowered:
.L_overlay_start_2:
0x208: {  	(tag) =	ssettag $0x2  }
0x209: {  	s0 =	rddreg [dreg:$0x0];
	s2 =	stileid.u32  }
0x20a: {  	s1 =	rddreg [dreg:$0x1];
	p0 =	sne.s32 s2, $0x0  }
0x20b: {  	s3 =	rddreg [dreg:$0x2];
	[bflag:$0x3] =	sbarrier.arrive $0xFFFF;
	s2 =	simm.s32 @!p0 $0x1C0D  }
0x20c: {  	[timem:s3], [sflag:s2] =	dma.local @!p0 [hbm:s0], s1  }
0x20d: {  	s0 =	simm.s32 @!p0 $0xD  }
0x20e: {  	_ =	swait.ge @!p0 [sflag:s0], s1  }
0x20f: {  	s1 =	ssub.s32 @!p0 $0x0, s1;
	[sflag:s0] =	ssyncset.done @!p0 $0x0  }
0x210: {  	[sflag:s0] =	ssyncadd.s32 @!p0 s1  }
0x211: {  	[bflag:$0x3] =	sbarrier.arrive $0xFFFF  }
0x212: {  	_ =	shalt  }

</sc_bundles>
